<compile_context>
chip_gen: v7x
topology: tpu7x:2x2x1
jax: 0.10.2.dev20260603
libtpu: 0.0.44.dev20260713+nightly
codegen_flags: <defaults>
</compile_context>

<pallas_src>
import functools

import jax
import jax.numpy as jnp
from jax import lax
from jax.experimental import pallas as pl
import jax.experimental.pallas.tpu as pltpu
from jax.experimental.pallas import tpu_sc as plsc

B = 2
S = 4096
D = 4096
N_SUB = 16
SC_DW = 256
SC_SCH = 128
NV = SC_DW // 16
NCH = S // SC_SCH


def _sc_body(x_hbm, o_hbm, in0, in1, out0, out1, si0, si1, so0, so1):
    wid = lax.axis_index("s") * 2 + lax.axis_index("c")
    b = wid // N_SUB
    d0 = (wid % N_SUB) * SC_DW

    ins = (in0, in1)
    outs = (out0, out1)
    sin = (si0, si1)
    sout = (so0, so1)

    def in_copy(c):
        return pltpu.make_async_copy(
            x_hbm.at[b, pl.ds(c * SC_SCH, SC_SCH), pl.ds(d0, SC_DW)],
            ins[c % 2],
            sin[c % 2],
        )

    def out_copy(c):
        return pltpu.make_async_copy(
            ins[c % 2],
            o_hbm.at[b, pl.ds(c * SC_SCH, SC_SCH), pl.ds(d0, SC_DW)],
            sout[c % 2],
        )

    accs = tuple(jnp.zeros((16,), jnp.float32) for _ in range(NV))

    def make_row_body(in_v, out_v):
        def row_body(r, accs):
            new = []
            for k in range(NV):
                v = in_v[r, pl.ds(k * 16, 16)]
                a = accs[k] + v
                out_v[r, pl.ds(k * 16, 16)] = a
                new.append(a)
            return tuple(new)

        return row_body

    in_copy(0).start()
    pending_out = [None, None]
    for c in range(NCH):
        in_copy(c).wait()
        if c + 1 < NCH:
            in_copy(c + 1).start()
        if pending_out[c % 2] is not None:
            pending_out[c % 2].wait()
        cp = out_copy(c)
        cp.start()
        pending_out[c % 2] = cp
    pending_out[0].wait()
    pending_out[1].wait()


@jax.jit
def kernel(x):
    run = functools.partial(
        pl.kernel,
        out_type=jax.ShapeDtypeStruct((B, S, D), jnp.float32),
        mesh=plsc.VectorSubcoreMesh(core_axis_name="c", subcore_axis_name="s"),
        scratch_types=[
            pltpu.VMEM((SC_SCH, SC_DW), jnp.float32),
            pltpu.VMEM((SC_SCH, SC_DW), jnp.float32),
            pltpu.VMEM((SC_SCH, SC_DW), jnp.float32),
            pltpu.VMEM((SC_SCH, SC_DW), jnp.float32),
            pltpu.SemaphoreType.DMA,
            pltpu.SemaphoreType.DMA,
            pltpu.SemaphoreType.DMA,
            pltpu.SemaphoreType.DMA,
        ],
    )(_sc_body)
    return run(x)

# --- scband reference (transcript-rebuilt; emitter-appended) ---
"""Pipeline reference for scband-model-new-23656679866867 (READ-ONLY COPY).

The authoritative reference and input builder live on the scoring server;
editing this copy changes nothing except your own understanding.
"""

import jax, jax.numpy as jnp
import numpy as np

def setup_inputs(seed: int = 0) -> dict:
    key = jax.random.key(seed)
    x = jax.random.normal(key, (2, 4096, 4096), dtype=jnp.float32)
    return {"x": x}

def reference(x):
    # Module performs cumulative sum along dim=1 (in float32, cast back to input dtype)
    orig_dtype = x.dtype
    out = jnp.cumsum(x.astype(jnp.float32), axis=1)
    return out.astype(orig_dtype)

if __name__ == "__main__":
    import jax
    _d = setup_inputs()
    print(jax.jit(kernel)(*tuple(_d.values())))

</pallas_src>

<mosaic_0001>
#map = affine_map<(d0, d1) -> (0, 0, 0)>
module attributes {stable_mosaic.version = 14 : i64} {
  func.func @_sc_body(%arg0: i32, %arg1: i32, %arg2: memref<2x4096x4096xf32, #tpu.memory_space<hbm>>, %arg3: memref<2x4096x4096xf32, #tpu.memory_space<hbm>>, %arg4: memref<128x256xf32, #tpu.memory_space<vmem>>, %arg5: memref<128x256xf32, #tpu.memory_space<vmem>>, %arg6: memref<128x256xf32, #tpu.memory_space<vmem>>, %arg7: memref<128x256xf32, #tpu.memory_space<vmem>>, %arg8: memref<!tpu.dma_semaphore, #tpu.memory_space<semaphore_mem>>, %arg9: memref<!tpu.dma_semaphore, #tpu.memory_space<semaphore_mem>>, %arg10: memref<!tpu.dma_semaphore, #tpu.memory_space<semaphore_mem>>, %arg11: memref<!tpu.dma_semaphore, #tpu.memory_space<semaphore_mem>>) attributes {dimension_semantics = [#tpu.dimension_semantics<core_parallel>, #tpu.dimension_semantics<subcore_parallel>], iteration_bounds = array<i64: 2, 16>, scalar_prefetch = 0 : i64, scratch_operands = 8 : i64, tpu.core_type = #tpu.core_type<sc_vector_subcore>, window_params = [{transform_indices = #map}, {transform_indices = #map}]} {
    %mul3A = arith.constant 2 : i32
    %mul3A_0 = arith.muli %arg1, %mul3A : i32
    %add3A = arith.addi %mul3A_0, %arg0 : i32
    %jit3A = arith.constant 16 : i32
    %div3A = arith.divsi %add3A, %jit3A : i32
    %sign3A = arith.constant 0 : i32
    %sign3A_1 = arith.cmpi sgt, %add3A, %sign3A : i32
    %sign3A_2 = arith.extui %sign3A_1 : i1 to i32
    %sign3A_3 = arith.constant 0 : i32
    %sign3A_4 = arith.cmpi slt, %add3A, %sign3A_3 : i32
    %sign3A_5 = arith.extui %sign3A_4 : i1 to i32
    %sign3A_6 = arith.subi %sign3A_2, %sign3A_5 : i32
    %sign3A_7 = arith.constant 0 : i32
    %sign3A_8 = arith.cmpi sgt, %jit3A, %sign3A_7 : i32
    %sign3A_9 = arith.extui %sign3A_8 : i1 to i32
    %sign3A_10 = arith.constant 0 : i32
    %sign3A_11 = arith.cmpi slt, %jit3A, %sign3A_10 : i32
    %sign3A_12 = arith.extui %sign3A_11 : i1 to i32
    %sign3A_13 = arith.subi %sign3A_9, %sign3A_12 : i32
    %ne3A = arith.cmpi ne, %sign3A_6, %sign3A_13 : i32
    %rem3A = arith.remsi %add3A, %jit3A : i32
    %ne3A_14 = arith.constant 0 : i32
    %ne3A_15 = arith.cmpi ne, %rem3A, %ne3A_14 : i32
    %and3A = arith.andi %ne3A, %ne3A_15 : i1
    %sub3A = arith.constant 1 : i32
    %sub3A_16 = arith.subi %div3A, %sub3A : i32
    %select_n3A = arith.select %and3A, %sub3A_16, %div3A : i32
    %jit3A_17 = arith.constant 16 : i32
    %eq3A = arith.constant 0 : i32
    %eq3A_18 = arith.cmpi eq, %jit3A_17, %eq3A : i32
    %jit3A_19 = arith.constant 1 : i32
    %select_n3A_20 = arith.select %eq3A_18, %jit3A_19, %jit3A_17 : i32
    %rem3A_21 = arith.remsi %add3A, %select_n3A_20 : i32
    %ne3A_22 = arith.constant 0 : i32
    %ne3A_23 = arith.cmpi ne, %rem3A_21, %ne3A_22 : i32
    %lt3A = arith.constant 0 : i32
    %lt3A_24 = arith.cmpi slt, %rem3A_21, %lt3A : i32
    %lt3A_25 = arith.constant 0 : i32
    %lt3A_26 = arith.cmpi slt, %select_n3A_20, %lt3A_25 : i32
    %ne3A_27 = arith.xori %lt3A_24, %lt3A_26 : i1
    %and3A_28 = arith.andi %ne3A_27, %ne3A_23 : i1
    %add3A_29 = arith.addi %rem3A_21, %select_n3A_20 : i32
    %select_n3A_30 = arith.select %and3A_28, %add3A_29, %rem3A_21 : i32
    %mul3A_31 = arith.constant 256 : i32
    %mul3A_32 = arith.muli %select_n3A_30, %mul3A_31 : i32
    %broadcast_in_dim3A = arith.constant 0.000000e+00 : f32
    %broadcast_in_dim3A_33 = vector.broadcast %broadcast_in_dim3A : f32 to vector<16xf32>
    %broadcast_in_dim3A_34 = arith.constant 0.000000e+00 : f32
    %broadcast_in_dim3A_35 = vector.broadcast %broadcast_in_dim3A_34 : f32 to vector<16xf32>
    %broadcast_in_dim3A_36 = arith.constant 0.000000e+00 : f32
    %broadcast_in_dim3A_37 = vector.broadcast %broadcast_in_dim3A_36 : f32 to vector<16xf32>
    %broadcast_in_dim3A_38 = arith.constant 0.000000e+00 : f32
    %broadcast_in_dim3A_39 = vector.broadcast %broadcast_in_dim3A_38 : f32 to vector<16xf32>
    %broadcast_in_dim3A_40 = arith.constant 0.000000e+00 : f32
    %broadcast_in_dim3A_41 = vector.broadcast %broadcast_in_dim3A_40 : f32 to vector<16xf32>
    %broadcast_in_dim3A_42 = arith.constant 0.000000e+00 : f32
    %broadcast_in_dim3A_43 = vector.broadcast %broadcast_in_dim3A_42 : f32 to vector<16xf32>
    %broadcast_in_dim3A_44 = arith.constant 0.000000e+00 : f32
    %broadcast_in_dim3A_45 = vector.broadcast %broadcast_in_dim3A_44 : f32 to vector<16xf32>
    %broadcast_in_dim3A_46 = arith.constant 0.000000e+00 : f32
    %broadcast_in_dim3A_47 = vector.broadcast %broadcast_in_dim3A_46 : f32 to vector<16xf32>
    %broadcast_in_dim3A_48 = arith.constant 0.000000e+00 : f32
    %broadcast_in_dim3A_49 = vector.broadcast %broadcast_in_dim3A_48 : f32 to vector<16xf32>
    %broadcast_in_dim3A_50 = arith.constant 0.000000e+00 : f32
    %broadcast_in_dim3A_51 = vector.broadcast %broadcast_in_dim3A_50 : f32 to vector<16xf32>
    %broadcast_in_dim3A_52 = arith.constant 0.000000e+00 : f32
    %broadcast_in_dim3A_53 = vector.broadcast %broadcast_in_dim3A_52 : f32 to vector<16xf32>
    %broadcast_in_dim3A_54 = arith.constant 0.000000e+00 : f32
    %broadcast_in_dim3A_55 = vector.broadcast %broadcast_in_dim3A_54 : f32 to vector<16xf32>
    %broadcast_in_dim3A_56 = arith.constant 0.000000e+00 : f32
    %broadcast_in_dim3A_57 = vector.broadcast %broadcast_in_dim3A_56 : f32 to vector<16xf32>
    %broadcast_in_dim3A_58 = arith.constant 0.000000e+00 : f32
    %broadcast_in_dim3A_59 = vector.broadcast %broadcast_in_dim3A_58 : f32 to vector<16xf32>
    %broadcast_in_dim3A_60 = arith.constant 0.000000e+00 : f32
    %broadcast_in_dim3A_61 = vector.broadcast %broadcast_in_dim3A_60 : f32 to vector<16xf32>
    %broadcast_in_dim3A_62 = arith.constant 0.000000e+00 : f32
    %broadcast_in_dim3A_63 = vector.broadcast %broadcast_in_dim3A_62 : f32 to vector<16xf32>
    %dma_start3A = arith.constant 0 : i32
    %dma_start3A_64 = tpu.memref_slice %arg2[%select_n3A, %dma_start3A, %mul3A_32] : memref<2x4096x4096xf32, #tpu.memory_space<hbm>> -> memref<1x128x256xf32, #tpu.memory_space<hbm>>
    %dma_start3A_65 = tpu.memref_squeeze %dma_start3A_64 : memref<1x128x256xf32, #tpu.memory_space<hbm>> -> memref<128x256xf32, #tpu.memory_space<hbm>>
    %dma_start3A_66 = arith.constant 0 : i32
    %dma_start3A_67 = tpu.memref_slice %arg2[%select_n3A, %dma_start3A_66, %mul3A_32] : memref<2x4096x4096xf32, #tpu.memory_space<hbm>> -> memref<1x128x256xf32, #tpu.memory_space<hbm>>
    %dma_start3A_68 = tpu.memref_squeeze %dma_start3A_67 : memref<1x128x256xf32, #tpu.memory_space<hbm>> -> memref<128x256xf32, #tpu.memory_space<hbm>>
    tpu.enqueue_dma source(%dma_start3A_68 : memref<128x256xf32, #tpu.memory_space<hbm>>) target(%arg4 : memref<128x256xf32, #tpu.memory_space<vmem>>) target_semaphore(%arg8 : memref<!tpu.dma_semaphore, #tpu.memory_space<semaphore_mem>>)
    %dma_wait3A = arith.constant 0 : i32
    %dma_wait3A_69 = tpu.memref_slice %arg2[%select_n3A, %dma_wait3A, %mul3A_32] : memref<2x4096x4096xf32, #tpu.memory_space<hbm>> -> memref<1x128x256xf32, #tpu.memory_space<hbm>>
    %dma_wait3A_70 = tpu.memref_squeeze %dma_wait3A_69 : memref<1x128x256xf32, #tpu.memory_space<hbm>> -> memref<128x256xf32, #tpu.memory_space<hbm>>
    %dma_wait3A_71 = arith.constant 0 : i32
    %dma_wait3A_72 = tpu.memref_slice %arg2[%select_n3A, %dma_wait3A_71, %mul3A_32] : memref<2x4096x4096xf32, #tpu.memory_space<hbm>> -> memref<1x128x256xf32, #tpu.memory_space<hbm>>
    %dma_wait3A_73 = tpu.memref_squeeze %dma_wait3A_72 : memref<1x128x256xf32, #tpu.memory_space<hbm>> -> memref<128x256xf32, #tpu.memory_space<hbm>>
    tpu.wait_dma2 semaphore(%arg8 : memref<!tpu.dma_semaphore, #tpu.memory_space<semaphore_mem>>) src(%dma_wait3A_73 : memref<128x256xf32, #tpu.memory_space<hbm>>) dst(%arg4 : memref<128x256xf32, #tpu.memory_space<vmem>>)
    %dma_start3A_74 = arith.constant 128 : i32
    %dma_start3A_75 = tpu.memref_slice %arg2[%select_n3A, %dma_start3A_74, %mul3A_32] : memref<2x4096x4096xf32, #tpu.memory_space<hbm>> -> memref<1x128x256xf32, #tpu.memory_space<hbm>>
    %dma_start3A_76 = tpu.memref_squeeze %dma_start3A_75 : memref<1x128x256xf32, #tpu.memory_space<hbm>> -> memref<128x256xf32, #tpu.memory_space<hbm>>
    %dma_start3A_77 = arith.constant 128 : i32
    %dma_start3A_78 = tpu.memref_slice %arg2[%select_n3A, %dma_start3A_77, %mul3A_32] : memref<2x4096x4096xf32, #tpu.memory_space<hbm>> -> memref<1x128x256xf32, #tpu.memory_space<hbm>>
    %dma_start3A_79 = tpu.memref_squeeze %dma_start3A_78 : memref<1x128x256xf32, #tpu.memory_space<hbm>> -> memref<128x256xf32, #tpu.memory_space<hbm>>
    tpu.enqueue_dma source(%dma_start3A_79 : memref<128x256xf32, #tpu.memory_space<hbm>>) target(%arg5 : memref<128x256xf32, #tpu.memory_space<vmem>>) target_semaphore(%arg9 : memref<!tpu.dma_semaphore, #tpu.memory_space<semaphore_mem>>)
    %dma_start3A_80 = arith.constant 0 : i32
    %dma_start3A_81 = tpu.memref_slice %arg3[%select_n3A, %dma_start3A_80, %mul3A_32] : memref<2x4096x4096xf32, #tpu.memory_space<hbm>> -> memref<1x128x256xf32, #tpu.memory_space<hbm>>
    %dma_start3A_82 = tpu.memref_squeeze %dma_start3A_81 : memref<1x128x256xf32, #tpu.memory_space<hbm>> -> memref<128x256xf32, #tpu.memory_space<hbm>>
    %dma_start3A_83 = arith.constant 0 : i32
    %dma_start3A_84 = tpu.memref_slice %arg3[%select_n3A, %dma_start3A_83, %mul3A_32] : memref<2x4096x4096xf32, #tpu.memory_space<hbm>> -> memref<1x128x256xf32, #tpu.memory_space<hbm>>
    %dma_start3A_85 = tpu.memref_squeeze %dma_start3A_84 : memref<1x128x256xf32, #tpu.memory_space<hbm>> -> memref<128x256xf32, #tpu.memory_space<hbm>>
    tpu.enqueue_dma source(%arg4 : memref<128x256xf32, #tpu.memory_space<vmem>>) target(%dma_start3A_85 : memref<128x256xf32, #tpu.memory_space<hbm>>) target_semaphore(%arg10 : memref<!tpu.dma_semaphore, #tpu.memory_space<semaphore_mem>>)
    %dma_wait3A_86 = arith.constant 128 : i32
    %dma_wait3A_87 = tpu.memref_slice %arg2[%select_n3A, %dma_wait3A_86, %mul3A_32] : memref<2x4096x4096xf32, #tpu.memory_space<hbm>> -> memref<1x128x256xf32, #tpu.memory_space<hbm>>
    %dma_wait3A_88 = tpu.memref_squeeze %dma_wait3A_87 : memref<1x128x256xf32, #tpu.memory_space<hbm>> -> memref<128x256xf32, #tpu.memory_space<hbm>>
    %dma_wait3A_89 = arith.constant 128 : i32
    %dma_wait3A_90 = tpu.memref_slice %arg2[%select_n3A, %dma_wait3A_89, %mul3A_32] : memref<2x4096x4096xf32, #tpu.memory_space<hbm>> -> memref<1x128x256xf32, #tpu.memory_space<hbm>>
    %dma_wait3A_91 = tpu.memref_squeeze %dma_wait3A_90 : memref<1x128x256xf32, #tpu.memory_space<hbm>> -> memref<128x256xf32, #tpu.memory_space<hbm>>
    tpu.wait_dma2 semaphore(%arg9 : memref<!tpu.dma_semaphore, #tpu.memory_space<semaphore_mem>>) src(%dma_wait3A_91 : memref<128x256xf32, #tpu.memory_space<hbm>>) dst(%arg5 : memref<128x256xf32, #tpu.memory_space<vmem>>)
    %dma_start3A_92 = arith.constant 256 : i32
    %dma_start3A_93 = tpu.memref_slice %arg2[%select_n3A, %dma_start3A_92, %mul3A_32] : memref<2x4096x4096xf32, #tpu.memory_space<hbm>> -> memref<1x128x256xf32, #tpu.memory_space<hbm>>
    %dma_start3A_94 = tpu.memref_squeeze %dma_start3A_93 : memref<1x128x256xf32, #tpu.memory_space<hbm>> -> memref<128x256xf32, #tpu.memory_space<hbm>>
    %dma_start3A_95 = arith.constant 256 : i32
    %dma_start3A_96 = tpu.memref_slice %arg2[%select_n3A, %dma_start3A_95, %mul3A_32] : memref<2x4096x4096xf32, #tpu.memory_space<hbm>> -> memref<1x128x256xf32, #tpu.memory_space<hbm>>
    %dma_start3A_97 = tpu.memref_squeeze %dma_start3A_96 : memref<1x128x256xf32, #tpu.memory_space<hbm>> -> memref<128x256xf32, #tpu.memory_space<hbm>>
    tpu.enqueue_dma source(%dma_start3A_97 : memref<128x256xf32, #tpu.memory_space<hbm>>) target(%arg4 : memref<128x256xf32, #tpu.memory_space<vmem>>) target_semaphore(%arg8 : memref<!tpu.dma_semaphore, #tpu.memory_space<semaphore_mem>>)
    %dma_start3A_98 = arith.constant 128 : i32
    %dma_start3A_99 = tpu.memref_slice %arg3[%select_n3A, %dma_start3A_98, %mul3A_32] : memref<2x4096x4096xf32, #tpu.memory_space<hbm>> -> memref<1x128x256xf32, #tpu.memory_space<hbm>>
    %dma_start3A_100 = tpu.memref_squeeze %dma_start3A_99 : memref<1x128x256xf32, #tpu.memory_space<hbm>> -> memref<128x256xf32, #tpu.memory_space<hbm>>
    %dma_start3A_101 = arith.constant 128 : i32
    %dma_start3A_102 = tpu.memref_slice %arg3[%select_n3A, %dma_start3A_101, %mul3A_32] : memref<2x4096x4096xf32, #tpu.memory_space<hbm>> -> memref<1x128x256xf32, #tpu.memory_space<hbm>>
    %dma_start3A_103 = tpu.memref_squeeze %dma_start3A_102 : memref<1x128x256xf32, #tpu.memory_space<hbm>> -> memref<128x256xf32, #tpu.memory_space<hbm>>
    tpu.enqueue_dma source(%arg5 : memref<128x256xf32, #tpu.memory_space<vmem>>) target(%dma_start3A_103 : memref<128x256xf32, #tpu.memory_space<hbm>>) target_semaphore(%arg11 : memref<!tpu.dma_semaphore, #tpu.memory_space<semaphore_mem>>)
    %dma_wait3A_104 = arith.constant 256 : i32
    %dma_wait3A_105 = tpu.memref_slice %arg2[%select_n3A, %dma_wait3A_104, %mul3A_32] : memref<2x4096x4096xf32, #tpu.memory_space<hbm>> -> memref<1x128x256xf32, #tpu.memory_space<hbm>>
    %dma_wait3A_106 = tpu.memref_squeeze %dma_wait3A_105 : memref<1x128x256xf32, #tpu.memory_space<hbm>> -> memref<128x256xf32, #tpu.memory_space<hbm>>
    %dma_wait3A_107 = arith.constant 256 : i32
    %dma_wait3A_108 = tpu.memref_slice %arg2[%select_n3A, %dma_wait3A_107, %mul3A_32] : memref<2x4096x4096xf32, #tpu.memory_space<hbm>> -> memref<1x128x256xf32, #tpu.memory_space<hbm>>
    %dma_wait3A_109 = tpu.memref_squeeze %dma_wait3A_108 : memref<1x128x256xf32, #tpu.memory_space<hbm>> -> memref<128x256xf32, #tpu.memory_space<hbm>>
    tpu.wait_dma2 semaphore(%arg8 : memref<!tpu.dma_semaphore, #tpu.memory_space<semaphore_mem>>) src(%dma_wait3A_109 : memref<128x256xf32, #tpu.memory_space<hbm>>) dst(%arg4 : memref<128x256xf32, #tpu.memory_space<vmem>>)
    %dma_start3A_110 = arith.constant 384 : i32
    %dma_start3A_111 = tpu.memref_slice %arg2[%select_n3A, %dma_start3A_110, %mul3A_32] : memref<2x4096x4096xf32, #tpu.memory_space<hbm>> -> memref<1x128x256xf32, #tpu.memory_space<hbm>>
    %dma_start3A_112 = tpu.memref_squeeze %dma_start3A_111 : memref<1x128x256xf32, #tpu.memory_space<hbm>> -> memref<128x256xf32, #tpu.memory_space<hbm>>
    %dma_start3A_113 = arith.constant 384 : i32
    %dma_start3A_114 = tpu.memref_slice %arg2[%select_n3A, %dma_start3A_113, %mul3A_32] : memref<2x4096x4096xf32, #tpu.memory_space<hbm>> -> memref<1x128x256xf32, #tpu.memory_space<hbm>>
    %dma_start3A_115 = tpu.memref_squeeze %dma_start3A_114 : memref<1x128x256xf32, #tpu.memory_space<hbm>> -> memref<128x256xf32, #tpu.memory_space<hbm>>
    tpu.enqueue_dma source(%dma_start3A_115 : memref<128x256xf32, #tpu.memory_space<hbm>>) target(%arg5 : memref<128x256xf32, #tpu.memory_space<vmem>>) target_semaphore(%arg9 : memref<!tpu.dma_semaphore, #tpu.memory_space<semaphore_mem>>)
    %dma_wait3A_116 = arith.constant 0 : i32
    %dma_wait3A_117 = tpu.memref_slice %arg3[%select_n3A, %dma_wait3A_116, %mul3A_32] : memref<2x4096x4096xf32, #tpu.memory_space<hbm>> -> memref<1x128x256xf32, #tpu.memory_space<hbm>>
    %dma_wait3A_118 = tpu.memref_squeeze %dma_wait3A_117 : memref<1x128x256xf32, #tpu.memory_space<hbm>> -> memref<128x256xf32, #tpu.memory_space<hbm>>
    %dma_wait3A_119 = arith.constant 0 : i32
    %dma_wait3A_120 = tpu.memref_slice %arg3[%select_n3A, %dma_wait3A_119, %mul3A_32] : memref<2x4096x4096xf32, #tpu.memory_space<hbm>> -> memref<1x128x256xf32, #tpu.memory_space<hbm>>
    %dma_wait3A_121 = tpu.memref_squeeze %dma_wait3A_120 : memref<1x128x256xf32, #tpu.memory_space<hbm>> -> memref<128x256xf32, #tpu.memory_space<hbm>>
    tpu.wait_dma2 semaphore(%arg10 : memref<!tpu.dma_semaphore, #tpu.memory_space<semaphore_mem>>) src(%arg4 : memref<128x256xf32, #tpu.memory_space<vmem>>) dst(%dma_wait3A_121 : memref<128x256xf32, #tpu.memory_space<hbm>>)
    %dma_start3A_122 = arith.constant 256 : i32
    %dma_start3A_123 = tpu.memref_slice %arg3[%select_n3A, %dma_start3A_122, %mul3A_32] : memref<2x4096x4096xf32, #tpu.memory_space<hbm>> -> memref<1x128x256xf32, #tpu.memory_space<hbm>>
    %dma_start3A_124 = tpu.memref_squeeze %dma_start3A_123 : memref<1x128x256xf32, #tpu.memory_space<hbm>> -> memref<128x256xf32, #tpu.memory_space<hbm>>
    %dma_start3A_125 = arith.constant 256 : i32
    %dma_start3A_126 = tpu.memref_slice %arg3[%select_n3A, %dma_start3A_125, %mul3A_32] : memref<2x4096x4096xf32, #tpu.memory_space<hbm>> -> memref<1x128x256xf32, #tpu.memory_space<hbm>>
    %dma_start3A_127 = tpu.memref_squeeze %dma_start3A_126 : memref<1x128x256xf32, #tpu.memory_space<hbm>> -> memref<128x256xf32, #tpu.memory_space<hbm>>
    tpu.enqueue_dma source(%arg4 : memref<128x256xf32, #tpu.memory_space<vmem>>) target(%dma_start3A_127 : memref<128x256xf32, #tpu.memory_space<hbm>>) target_semaphore(%arg10 : memref<!tpu.dma_semaphore, #tpu.memory_space<semaphore_mem>>)
    %dma_wait3A_128 = arith.constant 384 : i32
    %dma_wait3A_129 = tpu.memref_slice %arg2[%select_n3A, %dma_wait3A_128, %mul3A_32] : memref<2x4096x4096xf32, #tpu.memory_space<hbm>> -> memref<1x128x256xf32, #tpu.memory_space<hbm>>
    %dma_wait3A_130 = tpu.memref_squeeze %dma_wait3A_129 : memref<1x128x256xf32, #tpu.memory_space<hbm>> -> memref<128x256xf32, #tpu.memory_space<hbm>>
    %dma_wait3A_131 = arith.constant 384 : i32
    %dma_wait3A_132 = tpu.memref_slice %arg2[%select_n3A, %dma_wait3A_131, %mul3A_32] : memref<2x4096x4096xf32, #tpu.memory_space<hbm>> -> memref<1x128x256xf32, #tpu.memory_space<hbm>>
    %dma_wait3A_133 = tpu.memref_squeeze %dma_wait3A_132 : memref<1x128x256xf32, #tpu.memory_space<hbm>> -> memref<128x256xf32, #tpu.memory_space<hbm>>
    tpu.wait_dma2 semaphore(%arg9 : memref<!tpu.dma_semaphore, #tpu.memory_space<semaphore_mem>>) src(%dma_wait3A_133 : memref<128x256xf32, #tpu.memory_space<hbm>>) dst(%arg5 : memref<128x256xf32, #tpu.memory_space<vmem>>)
    %dma_start3A_134 = arith.constant 512 : i32
    %dma_start3A_135 = tpu.memref_slice %arg2[%select_n3A, %dma_start3A_134, %mul3A_32] : memref<2x4096x4096xf32, #tpu.memory_space<hbm>> -> memref<1x128x256xf32, #tpu.memory_space<hbm>>
    %dma_start3A_136 = tpu.memref_squeeze %dma_start3A_135 : memref<1x128x256xf32, #tpu.memory_space<hbm>> -> memref<128x256xf32, #tpu.memory_space<hbm>>
    %dma_start3A_137 = arith.constant 512 : i32
    %dma_start3A_138 = tpu.memref_slice %arg2[%select_n3A, %dma_start3A_137, %mul3A_32] : memref<2x4096x4096xf32, #tpu.memory_space<hbm>> -> memref<1x128x256xf32, #tpu.memory_space<hbm>>
    %dma_start3A_139 = tpu.memref_squeeze %dma_start3A_138 : memref<1x128x256xf32, #tpu.memory_space<hbm>> -> memref<128x256xf32, #tpu.memory_space<hbm>>
    tpu.enqueue_dma source(%dma_start3A_139 : memref<128x256xf32, #tpu.memory_space<hbm>>) target(%arg4 : memref<128x256xf32, #tpu.memory_space<vmem>>) target_semaphore(%arg8 : memref<!tpu.dma_semaphore, #tpu.memory_space<semaphore_mem>>)
    %dma_wait3A_140 = arith.constant 128 : i32
    %dma_wait3A_141 = tpu.memref_slice %arg3[%select_n3A, %dma_wait3A_140, %mul3A_32] : memref<2x4096x4096xf32, #tpu.memory_space<hbm>> -> memref<1x128x256xf32, #tpu.memory_space<hbm>>
    %dma_wait3A_142 = tpu.memref_squeeze %dma_wait3A_141 : memref<1x128x256xf32, #tpu.memory_space<hbm>> -> memref<128x256xf32, #tpu.memory_space<hbm>>
    %dma_wait3A_143 = arith.constant 128 : i32
    %dma_wait3A_144 = tpu.memref_slice %arg3[%select_n3A, %dma_wait3A_143, %mul3A_32] : memref<2x4096x4096xf32, #tpu.memory_space<hbm>> -> memref<1x128x256xf32, #tpu.memory_space<hbm>>
    %dma_wait3A_145 = tpu.memref_squeeze %dma_wait3A_144 : memref<1x128x256xf32, #tpu.memory_space<hbm>> -> memref<128x256xf32, #tpu.memory_space<hbm>>
    tpu.wait_dma2 semaphore(%arg11 : memref<!tpu.dma_semaphore, #tpu.memory_space<semaphore_mem>>) src(%arg5 : memref<128x256xf32, #tpu.memory_space<vmem>>) dst(%dma_wait3A_145 : memref<128x256xf32, #tpu.memory_space<hbm>>)
    %dma_start3A_146 = arith.constant 384 : i32
    %dma_start3A_147 = tpu.memref_slice %arg3[%select_n3A, %dma_start3A_146, %mul3A_32] : memref<2x4096x4096xf32, #tpu.memory_space<hbm>> -> memref<1x128x256xf32, #tpu.memory_space<hbm>>
    %dma_start3A_148 = tpu.memref_squeeze %dma_start3A_147 : memref<1x128x256xf32, #tpu.memory_space<hbm>> -> memref<128x256xf32, #tpu.memory_space<hbm>>
    %dma_start3A_149 = arith.constant 384 : i32
    %dma_start3A_150 = tpu.memref_slice %arg3[%select_n3A, %dma_start3A_149, %mul3A_32] : memref<2x4096x4096xf32, #tpu.memory_space<hbm>> -> memref<1x128x256xf32, #tpu.memory_space<hbm>>
    %dma_start3A_151 = tpu.memref_squeeze %dma_start3A_150 : memref<1x128x256xf32, #tpu.memory_space<hbm>> -> memref<128x256xf32, #tpu.memory_space<hbm>>
    tpu.enqueue_dma source(%arg5 : memref<128x256xf32, #tpu.memory_space<vmem>>) target(%dma_start3A_151 : memref<128x256xf32, #tpu.memory_space<hbm>>) target_semaphore(%arg11 : memref<!tpu.dma_semaphore, #tpu.memory_space<semaphore_mem>>)
    %dma_wait3A_152 = arith.constant 512 : i32
    %dma_wait3A_153 = tpu.memref_slice %arg2[%select_n3A, %dma_wait3A_152, %mul3A_32] : memref<2x4096x4096xf32, #tpu.memory_space<hbm>> -> memref<1x128x256xf32, #tpu.memory_space<hbm>>
    %dma_wait3A_154 = tpu.memref_squeeze %dma_wait3A_153 : memref<1x128x256xf32, #tpu.memory_space<hbm>> -> memref<128x256xf32, #tpu.memory_space<hbm>>
    %dma_wait3A_155 = arith.constant 512 : i32
    %dma_wait3A_156 = tpu.memref_slice %arg2[%select_n3A, %dma_wait3A_155, %mul3A_32] : memref<2x4096x4096xf32, #tpu.memory_space<hbm>> -> memref<1x128x256xf32, #tpu.memory_space<hbm>>
    %dma_wait3A_157 = tpu.memref_squeeze %dma_wait3A_156 : memref<1x128x256xf32, #tpu.memory_space<hbm>> -> memref<128x256xf32, #tpu.memory_space<hbm>>
    tpu.wait_dma2 semaphore(%arg8 : memref<!tpu.dma_semaphore, #tpu.memory_space<semaphore_mem>>) src(%dma_wait3A_157 : memref<128x256xf32, #tpu.memory_space<hbm>>) dst(%arg4 : memref<128x256xf32, #tpu.memory_space<vmem>>)
    %dma_start3A_158 = arith.constant 640 : i32
    %dma_start3A_159 = tpu.memref_slice %arg2[%select_n3A, %dma_start3A_158, %mul3A_32] : memref<2x4096x4096xf32, #tpu.memory_space<hbm>> -> memref<1x128x256xf32, #tpu.memory_space<hbm>>
    %dma_start3A_160 = tpu.memref_squeeze %dma_start3A_159 : memref<1x128x256xf32, #tpu.memory_space<hbm>> -> memref<128x256xf32, #tpu.memory_space<hbm>>
    %dma_start3A_161 = arith.constant 640 : i32
    %dma_start3A_162 = tpu.memref_slice %arg2[%select_n3A, %dma_start3A_161, %mul3A_32] : memref<2x4096x4096xf32, #tpu.memory_space<hbm>> -> memref<1x128x256xf32, #tpu.memory_space<hbm>>
    %dma_start3A_163 = tpu.memref_squeeze %dma_start3A_162 : memref<1x128x256xf32, #tpu.memory_space<hbm>> -> memref<128x256xf32, #tpu.memory_space<hbm>>
    tpu.enqueue_dma source(%dma_start3A_163 : memref<128x256xf32, #tpu.memory_space<hbm>>) target(%arg5 : memref<128x256xf32, #tpu.memory_space<vmem>>) target_semaphore(%arg9 : memref<!tpu.dma_semaphore, #tpu.memory_space<semaphore_mem>>)
    %dma_wait3A_164 = arith.constant 256 : i32
    %dma_wait3A_165 = tpu.memref_slice %arg3[%select_n3A, %dma_wait3A_164, %mul3A_32] : memref<2x4096x4096xf32, #tpu.memory_space<hbm>> -> memref<1x128x256xf32, #tpu.memory_space<hbm>>
    %dma_wait3A_166 = tpu.memref_squeeze %dma_wait3A_165 : memref<1x128x256xf32, #tpu.memory_space<hbm>> -> memref<128x256xf32, #tpu.memory_space<hbm>>
    %dma_wait3A_167 = arith.constant 256 : i32
    %dma_wait3A_168 = tpu.memref_slice %arg3[%select_n3A, %dma_wait3A_167, %mul3A_32] : memref<2x4096x4096xf32, #tpu.memory_space<hbm>> -> memref<1x128x256xf32, #tpu.memory_space<hbm>>
    %dma_wait3A_169 = tpu.memref_squeeze %dma_wait3A_168 : memref<1x128x256xf32, #tpu.memory_space<hbm>> -> memref<128x256xf32, #tpu.memory_space<hbm>>
    tpu.wait_dma2 semaphore(%arg10 : memref<!tpu.dma_semaphore, #tpu.memory_space<semaphore_mem>>) src(%arg4 : memref<128x256xf32, #tpu.memory_space<vmem>>) dst(%dma_wait3A_169 : memref<128x256xf32, #tpu.memory_space<hbm>>)
    %dma_start3A_170 = arith.constant 512 : i32
    %dma_start3A_171 = tpu.memref_slice %arg3[%select_n3A, %dma_start3A_170, %mul3A_32] : memref<2x4096x4096xf32, #tpu.memory_space<hbm>> -> memref<1x128x256xf32, #tpu.memory_space<hbm>>
    %dma_start3A_172 = tpu.memref_squeeze %dma_start3A_171 : memref<1x128x256xf32, #tpu.memory_space<hbm>> -> memref<128x256xf32, #tpu.memory_space<hbm>>
    %dma_start3A_173 = arith.constant 512 : i32
    %dma_start3A_174 = tpu.memref_slice %arg3[%select_n3A, %dma_start3A_173, %mul3A_32] : memref<2x4096x4096xf32, #tpu.memory_space<hbm>> -> memref<1x128x256xf32, #tpu.memory_space<hbm>>
    %dma_start3A_175 = tpu.memref_squeeze %dma_start3A_174 : memref<1x128x256xf32, #tpu.memory_space<hbm>> -> memref<128x256xf32, #tpu.memory_space<hbm>>
    tpu.enqueue_dma source(%arg4 : memref<128x256xf32, #tpu.memory_space<vmem>>) target(%dma_start3A_175 : memref<128x256xf32, #tpu.memory_space<hbm>>) target_semaphore(%arg10 : memref<!tpu.dma_semaphore, #tpu.memory_space<semaphore_mem>>)
    %dma_wait3A_176 = arith.constant 640 : i32
    %dma_wait3A_177 = tpu.memref_slice %arg2[%select_n3A, %dma_wait3A_176, %mul3A_32] : memref<2x4096x4096xf32, #tpu.memory_space<hbm>> -> memref<1x128x256xf32, #tpu.memory_space<hbm>>
    %dma_wait3A_178 = tpu.memref_squeeze %dma_wait3A_177 : memref<1x128x256xf32, #tpu.memory_space<hbm>> -> memref<128x256xf32, #tpu.memory_space<hbm>>
    %dma_wait3A_179 = arith.constant 640 : i32
    %dma_wait3A_180 = tpu.memref_slice %arg2[%select_n3A, %dma_wait3A_179, %mul3A_32] : memref<2x4096x4096xf32, #tpu.memory_space<hbm>> -> memref<1x128x256xf32, #tpu.memory_space<hbm>>
    %dma_wait3A_181 = tpu.memref_squeeze %dma_wait3A_180 : memref<1x128x256xf32, #tpu.memory_space<hbm>> -> memref<128x256xf32, #tpu.memory_space<hbm>>
    tpu.wait_dma2 semaphore(%arg9 : memref<!tpu.dma_semaphore, #tpu.memory_space<semaphore_mem>>) src(%dma_wait3A_181 : memref<128x256xf32, #tpu.memory_space<hbm>>) dst(%arg5 : memref<128x256xf32, #tpu.memory_space<vmem>>)
    %dma_start3A_182 = arith.constant 768 : i32
    %dma_start3A_183 = tpu.memref_slice %arg2[%select_n3A, %dma_start3A_182, %mul3A_32] : memref<2x4096x4096xf32, #tpu.memory_space<hbm>> -> memref<1x128x256xf32, #tpu.memory_space<hbm>>
    %dma_start3A_184 = tpu.memref_squeeze %dma_start3A_183 : memref<1x128x256xf32, #tpu.memory_space<hbm>> -> memref<128x256xf32, #tpu.memory_space<hbm>>
    %dma_start3A_185 = arith.constant 768 : i32
    %dma_start3A_186 = tpu.memref_slice %arg2[%select_n3A, %dma_start3A_185, %mul3A_32] : memref<2x4096x4096xf32, #tpu.memory_space<hbm>> -> memref<1x128x256xf32, #tpu.memory_space<hbm>>
    %dma_start3A_187 = tpu.memref_squeeze %dma_start3A_186 : memref<1x128x256xf32, #tpu.memory_space<hbm>> -> memref<128x256xf32, #tpu.memory_space<hbm>>
    tpu.enqueue_dma source(%dma_start3A_187 : memref<128x256xf32, #tpu.memory_space<hbm>>) target(%arg4 : memref<128x256xf32, #tpu.memory_space<vmem>>) target_semaphore(%arg8 : memref<!tpu.dma_semaphore, #tpu.memory_space<semaphore_mem>>)
    %dma_wait3A_188 = arith.constant 384 : i32
    %dma_wait3A_189 = tpu.memref_slice %arg3[%select_n3A, %dma_wait3A_188, %mul3A_32] : memref<2x4096x4096xf32, #tpu.memory_space<hbm>> -> memref<1x128x256xf32, #tpu.memory_space<hbm>>
    %dma_wait3A_190 = tpu.memref_squeeze %dma_wait3A_189 : memref<1x128x256xf32, #tpu.memory_space<hbm>> -> memref<128x256xf32, #tpu.memory_space<hbm>>
    %dma_wait3A_191 = arith.constant 384 : i32
    %dma_wait3A_192 = tpu.memref_slice %arg3[%select_n3A, %dma_wait3A_191, %mul3A_32] : memref<2x4096x4096xf32, #tpu.memory_space<hbm>> -> memref<1x128x256xf32, #tpu.memory_space<hbm>>
    %dma_wait3A_193 = tpu.memref_squeeze %dma_wait3A_192 : memref<1x128x256xf32, #tpu.memory_space<hbm>> -> memref<128x256xf32, #tpu.memory_space<hbm>>
    tpu.wait_dma2 semaphore(%arg11 : memref<!tpu.dma_semaphore, #tpu.memory_space<semaphore_mem>>) src(%arg5 : memref<128x256xf32, #tpu.memory_space<vmem>>) dst(%dma_wait3A_193 : memref<128x256xf32, #tpu.memory_space<hbm>>)
    %dma_start3A_194 = arith.constant 640 : i32
    %dma_start3A_195 = tpu.memref_slice %arg3[%select_n3A, %dma_start3A_194, %mul3A_32] : memref<2x4096x4096xf32, #tpu.memory_space<hbm>> -> memref<1x128x256xf32, #tpu.memory_space<hbm>>
    %dma_start3A_196 = tpu.memref_squeeze %dma_start3A_195 : memref<1x128x256xf32, #tpu.memory_space<hbm>> -> memref<128x256xf32, #tpu.memory_space<hbm>>
    %dma_start3A_197 = arith.constant 640 : i32
    %dma_start3A_198 = tpu.memref_slice %arg3[%select_n3A, %dma_start3A_197, %mul3A_32] : memref<2x4096x4096xf32, #tpu.memory_space<hbm>> -> memref<1x128x256xf32, #tpu.memory_space<hbm>>
    %dma_start3A_199 = tpu.memref_squeeze %dma_start3A_198 : memref<1x128x256xf32, #tpu.memory_space<hbm>> -> memref<128x256xf32, #tpu.memory_space<hbm>>
    tpu.enqueue_dma source(%arg5 : memref<128x256xf32, #tpu.memory_space<vmem>>) target(%dma_start3A_199 : memref<128x256xf32, #tpu.memory_space<hbm>>) target_semaphore(%arg11 : memref<!tpu.dma_semaphore, #tpu.memory_space<semaphore_mem>>)
    %dma_wait3A_200 = arith.constant 768 : i32
    %dma_wait3A_201 = tpu.memref_slice %arg2[%select_n3A, %dma_wait3A_200, %mul3A_32] : memref<2x4096x4096xf32, #tpu.memory_space<hbm>> -> memref<1x128x256xf32, #tpu.memory_space<hbm>>
    %dma_wait3A_202 = tpu.memref_squeeze %dma_wait3A_201 : memref<1x128x256xf32, #tpu.memory_space<hbm>> -> memref<128x256xf32, #tpu.memory_space<hbm>>
    %dma_wait3A_203 = arith.constant 768 : i32
    %dma_wait3A_204 = tpu.memref_slice %arg2[%select_n3A, %dma_wait3A_203, %mul3A_32] : memref<2x4096x4096xf32, #tpu.memory_space<hbm>> -> memref<1x128x256xf32, #tpu.memory_space<hbm>>
    %dma_wait3A_205 = tpu.memref_squeeze %dma_wait3A_204 : memref<1x128x256xf32, #tpu.memory_space<hbm>> -> memref<128x256xf32, #tpu.memory_space<hbm>>
    tpu.wait_dma2 semaphore(%arg8 : memref<!tpu.dma_semaphore, #tpu.memory_space<semaphore_mem>>) src(%dma_wait3A_205 : memref<128x256xf32, #tpu.memory_space<hbm>>) dst(%arg4 : memref<128x256xf32, #tpu.memory_space<vmem>>)
    %dma_start3A_206 = arith.constant 896 : i32
    %dma_start3A_207 = tpu.memref_slice %arg2[%select_n3A, %dma_start3A_206, %mul3A_32] : memref<2x4096x4096xf32, #tpu.memory_space<hbm>> -> memref<1x128x256xf32, #tpu.memory_space<hbm>>
    %dma_start3A_208 = tpu.memref_squeeze %dma_start3A_207 : memref<1x128x256xf32, #tpu.memory_space<hbm>> -> memref<128x256xf32, #tpu.memory_space<hbm>>
    %dma_start3A_209 = arith.constant 896 : i32
    %dma_start3A_210 = tpu.memref_slice %arg2[%select_n3A, %dma_start3A_209, %mul3A_32] : memref<2x4096x4096xf32, #tpu.memory_space<hbm>> -> memref<1x128x256xf32, #tpu.memory_space<hbm>>
    %dma_start3A_211 = tpu.memref_squeeze %dma_start3A_210 : memref<1x128x256xf32, #tpu.memory_space<hbm>> -> memref<128x256xf32, #tpu.memory_space<hbm>>
    tpu.enqueue_dma source(%dma_start3A_211 : memref<128x256xf32, #tpu.memory_space<hbm>>) target(%arg5 : memref<128x256xf32, #tpu.memory_space<vmem>>) target_semaphore(%arg9 : memref<!tpu.dma_semaphore, #tpu.memory_space<semaphore_mem>>)
    %dma_wait3A_212 = arith.constant 512 : i32
    %dma_wait3A_213 = tpu.memref_slice %arg3[%select_n3A, %dma_wait3A_212, %mul3A_32] : memref<2x4096x4096xf32, #tpu.memory_space<hbm>> -> memref<1x128x256xf32, #tpu.memory_space<hbm>>
    %dma_wait3A_214 = tpu.memref_squeeze %dma_wait3A_213 : memref<1x128x256xf32, #tpu.memory_space<hbm>> -> memref<128x256xf32, #tpu.memory_space<hbm>>
    %dma_wait3A_215 = arith.constant 512 : i32
    %dma_wait3A_216 = tpu.memref_slice %arg3[%select_n3A, %dma_wait3A_215, %mul3A_32] : memref<2x4096x4096xf32, #tpu.memory_space<hbm>> -> memref<1x128x256xf32, #tpu.memory_space<hbm>>
    %dma_wait3A_217 = tpu.memref_squeeze %dma_wait3A_216 : memref<1x128x256xf32, #tpu.memory_space<hbm>> -> memref<128x256xf32, #tpu.memory_space<hbm>>
    tpu.wait_dma2 semaphore(%arg10 : memref<!tpu.dma_semaphore, #tpu.memory_space<semaphore_mem>>) src(%arg4 : memref<128x256xf32, #tpu.memory_space<vmem>>) dst(%dma_wait3A_217 : memref<128x256xf32, #tpu.memory_space<hbm>>)
    %dma_start3A_218 = arith.constant 768 : i32
    %dma_start3A_219 = tpu.memref_slice %arg3[%select_n3A, %dma_start3A_218, %mul3A_32] : memref<2x4096x4096xf32, #tpu.memory_space<hbm>> -> memref<1x128x256xf32, #tpu.memory_space<hbm>>
    %dma_start3A_220 = tpu.memref_squeeze %dma_start3A_219 : memref<1x128x256xf32, #tpu.memory_space<hbm>> -> memref<128x256xf32, #tpu.memory_space<hbm>>
    %dma_start3A_221 = arith.constant 768 : i32
    %dma_start3A_222 = tpu.memref_slice %arg3[%select_n3A, %dma_start3A_221, %mul3A_32] : memref<2x4096x4096xf32, #tpu.memory_space<hbm>> -> memref<1x128x256xf32, #tpu.memory_space<hbm>>
    %dma_start3A_223 = tpu.memref_squeeze %dma_start3A_222 : memref<1x128x256xf32, #tpu.memory_space<hbm>> -> memref<128x256xf32, #tpu.memory_space<hbm>>
    tpu.enqueue_dma source(%arg4 : memref<128x256xf32, #tpu.memory_space<vmem>>) target(%dma_start3A_223 : memref<128x256xf32, #tpu.memory_space<hbm>>) target_semaphore(%arg10 : memref<!tpu.dma_semaphore, #tpu.memory_space<semaphore_mem>>)
    %dma_wait3A_224 = arith.constant 896 : i32
    %dma_wait3A_225 = tpu.memref_slice %arg2[%select_n3A, %dma_wait3A_224, %mul3A_32] : memref<2x4096x4096xf32, #tpu.memory_space<hbm>> -> memref<1x128x256xf32, #tpu.memory_space<hbm>>
    %dma_wait3A_226 = tpu.memref_squeeze %dma_wait3A_225 : memref<1x128x256xf32, #tpu.memory_space<hbm>> -> memref<128x256xf32, #tpu.memory_space<hbm>>
    %dma_wait3A_227 = arith.constant 896 : i32
    %dma_wait3A_228 = tpu.memref_slice %arg2[%select_n3A, %dma_wait3A_227, %mul3A_32] : memref<2x4096x4096xf32, #tpu.memory_space<hbm>> -> memref<1x128x256xf32, #tpu.memory_space<hbm>>
    %dma_wait3A_229 = tpu.memref_squeeze %dma_wait3A_228 : memref<1x128x256xf32, #tpu.memory_space<hbm>> -> memref<128x256xf32, #tpu.memory_space<hbm>>
    tpu.wait_dma2 semaphore(%arg9 : memref<!tpu.dma_semaphore, #tpu.memory_space<semaphore_mem>>) src(%dma_wait3A_229 : memref<128x256xf32, #tpu.memory_space<hbm>>) dst(%arg5 : memref<128x256xf32, #tpu.memory_space<vmem>>)
    %dma_start3A_230 = arith.constant 1024 : i32
    %dma_start3A_231 = tpu.memref_slice %arg2[%select_n3A, %dma_start3A_230, %mul3A_32] : memref<2x4096x4096xf32, #tpu.memory_space<hbm>> -> memref<1x128x256xf32, #tpu.memory_space<hbm>>
    %dma_start3A_232 = tpu.memref_squeeze %dma_start3A_231 : memref<1x128x256xf32, #tpu.memory_space<hbm>> -> memref<128x256xf32, #tpu.memory_space<hbm>>
    %dma_start3A_233 = arith.constant 1024 : i32
    %dma_start3A_234 = tpu.memref_slice %arg2[%select_n3A, %dma_start3A_233, %mul3A_32] : memref<2x4096x4096xf32, #tpu.memory_space<hbm>> -> memref<1x128x256xf32, #tpu.memory_space<hbm>>
    %dma_start3A_235 = tpu.memref_squeeze %dma_start3A_234 : memref<1x128x256xf32, #tpu.memory_space<hbm>> -> memref<128x256xf32, #tpu.memory_space<hbm>>
    tpu.enqueue_dma source(%dma_start3A_235 : memref<128x256xf32, #tpu.memory_space<hbm>>) target(%arg4 : memref<128x256xf32, #tpu.memory_space<vmem>>) target_semaphore(%arg8 : memref<!tpu.dma_semaphore, #tpu.memory_space<semaphore_mem>>)
    %dma_wait3A_236 = arith.constant 640 : i32
    %dma_wait3A_237 = tpu.memref_slice %arg3[%select_n3A, %dma_wait3A_236, %mul3A_32] : memref<2x4096x4096xf32, #tpu.memory_space<hbm>> -> memref<1x128x256xf32, #tpu.memory_space<hbm>>
    %dma_wait3A_238 = tpu.memref_squeeze %dma_wait3A_237 : memref<1x128x256xf32, #tpu.memory_space<hbm>> -> memref<128x256xf32, #tpu.memory_space<hbm>>
    %dma_wait3A_239 = arith.constant 640 : i32
    %dma_wait3A_240 = tpu.memref_slice %arg3[%select_n3A, %dma_wait3A_239, %mul3A_32] : memref<2x4096x4096xf32, #tpu.memory_space<hbm>> -> memref<1x128x256xf32, #tpu.memory_space<hbm>>
    %dma_wait3A_241 = tpu.memref_squeeze %dma_wait3A_240 : memref<1x128x256xf32, #tpu.memory_space<hbm>> -> memref<128x256xf32, #tpu.memory_space<hbm>>
    tpu.wait_dma2 semaphore(%arg11 : memref<!tpu.dma_semaphore, #tpu.memory_space<semaphore_mem>>) src(%arg5 : memref<128x256xf32, #tpu.memory_space<vmem>>) dst(%dma_wait3A_241 : memref<128x256xf32, #tpu.memory_space<hbm>>)
    %dma_start3A_242 = arith.constant 896 : i32
    %dma_start3A_243 = tpu.memref_slice %arg3[%select_n3A, %dma_start3A_242, %mul3A_32] : memref<2x4096x4096xf32, #tpu.memory_space<hbm>> -> memref<1x128x256xf32, #tpu.memory_space<hbm>>
    %dma_start3A_244 = tpu.memref_squeeze %dma_start3A_243 : memref<1x128x256xf32, #tpu.memory_space<hbm>> -> memref<128x256xf32, #tpu.memory_space<hbm>>
    %dma_start3A_245 = arith.constant 896 : i32
    %dma_start3A_246 = tpu.memref_slice %arg3[%select_n3A, %dma_start3A_245, %mul3A_32] : memref<2x4096x4096xf32, #tpu.memory_space<hbm>> -> memref<1x128x256xf32, #tpu.memory_space<hbm>>
    %dma_start3A_247 = tpu.memref_squeeze %dma_start3A_246 : memref<1x128x256xf32, #tpu.memory_space<hbm>> -> memref<128x256xf32, #tpu.memory_space<hbm>>
    tpu.enqueue_dma source(%arg5 : memref<128x256xf32, #tpu.memory_space<vmem>>) target(%dma_start3A_247 : memref<128x256xf32, #tpu.memory_space<hbm>>) target_semaphore(%arg11 : memref<!tpu.dma_semaphore, #tpu.memory_space<semaphore_mem>>)
    %dma_wait3A_248 = arith.constant 1024 : i32
    %dma_wait3A_249 = tpu.memref_slice %arg2[%select_n3A, %dma_wait3A_248, %mul3A_32] : memref<2x4096x4096xf32, #tpu.memory_space<hbm>> -> memref<1x128x256xf32, #tpu.memory_space<hbm>>
    %dma_wait3A_250 = tpu.memref_squeeze %dma_wait3A_249 : memref<1x128x256xf32, #tpu.memory_space<hbm>> -> memref<128x256xf32, #tpu.memory_space<hbm>>
    %dma_wait3A_251 = arith.constant 1024 : i32
    %dma_wait3A_252 = tpu.memref_slice %arg2[%select_n3A, %dma_wait3A_251, %mul3A_32] : memref<2x4096x4096xf32, #tpu.memory_space<hbm>> -> memref<1x128x256xf32, #tpu.memory_space<hbm>>
    %dma_wait3A_253 = tpu.memref_squeeze %dma_wait3A_252 : memref<1x128x256xf32, #tpu.memory_space<hbm>> -> memref<128x256xf32, #tpu.memory_space<hbm>>
    tpu.wait_dma2 semaphore(%arg8 : memref<!tpu.dma_semaphore, #tpu.memory_space<semaphore_mem>>) src(%dma_wait3A_253 : memref<128x256xf32, #tpu.memory_space<hbm>>) dst(%arg4 : memref<128x256xf32, #tpu.memory_space<vmem>>)
    %dma_start3A_254 = arith.constant 1152 : i32
    %dma_start3A_255 = tpu.memref_slice %arg2[%select_n3A, %dma_start3A_254, %mul3A_32] : memref<2x4096x4096xf32, #tpu.memory_space<hbm>> -> memref<1x128x256xf32, #tpu.memory_space<hbm>>
    %dma_start3A_256 = tpu.memref_squeeze %dma_start3A_255 : memref<1x128x256xf32, #tpu.memory_space<hbm>> -> memref<128x256xf32, #tpu.memory_space<hbm>>
    %dma_start3A_257 = arith.constant 1152 : i32
    %dma_start3A_258 = tpu.memref_slice %arg2[%select_n3A, %dma_start3A_257, %mul3A_32] : memref<2x4096x4096xf32, #tpu.memory_space<hbm>> -> memref<1x128x256xf32, #tpu.memory_space<hbm>>
    %dma_start3A_259 = tpu.memref_squeeze %dma_start3A_258 : memref<1x128x256xf32, #tpu.memory_space<hbm>> -> memref<128x256xf32, #tpu.memory_space<hbm>>
    tpu.enqueue_dma source(%dma_start3A_259 : memref<128x256xf32, #tpu.memory_space<hbm>>) target(%arg5 : memref<128x256xf32, #tpu.memory_space<vmem>>) target_semaphore(%arg9 : memref<!tpu.dma_semaphore, #tpu.memory_space<semaphore_mem>>)
    %dma_wait3A_260 = arith.constant 768 : i32
    %dma_wait3A_261 = tpu.memref_slice %arg3[%select_n3A, %dma_wait3A_260, %mul3A_32] : memref<2x4096x4096xf32, #tpu.memory_space<hbm>> -> memref<1x128x256xf32, #tpu.memory_space<hbm>>
    %dma_wait3A_262 = tpu.memref_squeeze %dma_wait3A_261 : memref<1x128x256xf32, #tpu.memory_space<hbm>> -> memref<128x256xf32, #tpu.memory_space<hbm>>
    %dma_wait3A_263 = arith.constant 768 : i32
    %dma_wait3A_264 = tpu.memref_slice %arg3[%select_n3A, %dma_wait3A_263, %mul3A_32] : memref<2x4096x4096xf32, #tpu.memory_space<hbm>> -> memref<1x128x256xf32, #tpu.memory_space<hbm>>
    %dma_wait3A_265 = tpu.memref_squeeze %dma_wait3A_264 : memref<1x128x256xf32, #tpu.memory_space<hbm>> -> memref<128x256xf32, #tpu.memory_space<hbm>>
    tpu.wait_dma2 semaphore(%arg10 : memref<!tpu.dma_semaphore, #tpu.memory_space<semaphore_mem>>) src(%arg4 : memref<128x256xf32, #tpu.memory_space<vmem>>) dst(%dma_wait3A_265 : memref<128x256xf32, #tpu.memory_space<hbm>>)
    %dma_start3A_266 = arith.constant 1024 : i32
    %dma_start3A_267 = tpu.memref_slice %arg3[%select_n3A, %dma_start3A_266, %mul3A_32] : memref<2x4096x4096xf32, #tpu.memory_space<hbm>> -> memref<1x128x256xf32, #tpu.memory_space<hbm>>
    %dma_start3A_268 = tpu.memref_squeeze %dma_start3A_267 : memref<1x128x256xf32, #tpu.memory_space<hbm>> -> memref<128x256xf32, #tpu.memory_space<hbm>>
    %dma_start3A_269 = arith.constant 1024 : i32
    %dma_start3A_270 = tpu.memref_slice %arg3[%select_n3A, %dma_start3A_269, %mul3A_32] : memref<2x4096x4096xf32, #tpu.memory_space<hbm>> -> memref<1x128x256xf32, #tpu.memory_space<hbm>>
    %dma_start3A_271 = tpu.memref_squeeze %dma_start3A_270 : memref<1x128x256xf32, #tpu.memory_space<hbm>> -> memref<128x256xf32, #tpu.memory_space<hbm>>
    tpu.enqueue_dma source(%arg4 : memref<128x256xf32, #tpu.memory_space<vmem>>) target(%dma_start3A_271 : memref<128x256xf32, #tpu.memory_space<hbm>>) target_semaphore(%arg10 : memref<!tpu.dma_semaphore, #tpu.memory_space<semaphore_mem>>)
    %dma_wait3A_272 = arith.constant 1152 : i32
    %dma_wait3A_273 = tpu.memref_slice %arg2[%select_n3A, %dma_wait3A_272, %mul3A_32] : memref<2x4096x4096xf32, #tpu.memory_space<hbm>> -> memref<1x128x256xf32, #tpu.memory_space<hbm>>
    %dma_wait3A_274 = tpu.memref_squeeze %dma_wait3A_273 : memref<1x128x256xf32, #tpu.memory_space<hbm>> -> memref<128x256xf32, #tpu.memory_space<hbm>>
    %dma_wait3A_275 = arith.constant 1152 : i32
    %dma_wait3A_276 = tpu.memref_slice %arg2[%select_n3A, %dma_wait3A_275, %mul3A_32] : memref<2x4096x4096xf32, #tpu.memory_space<hbm>> -> memref<1x128x256xf32, #tpu.memory_space<hbm>>
    %dma_wait3A_277 = tpu.memref_squeeze %dma_wait3A_276 : memref<1x128x256xf32, #tpu.memory_space<hbm>> -> memref<128x256xf32, #tpu.memory_space<hbm>>
    tpu.wait_dma2 semaphore(%arg9 : memref<!tpu.dma_semaphore, #tpu.memory_space<semaphore_mem>>) src(%dma_wait3A_277 : memref<128x256xf32, #tpu.memory_space<hbm>>) dst(%arg5 : memref<128x256xf32, #tpu.memory_space<vmem>>)
    %dma_start3A_278 = arith.constant 1280 : i32
    %dma_start3A_279 = tpu.memref_slice %arg2[%select_n3A, %dma_start3A_278, %mul3A_32] : memref<2x4096x4096xf32, #tpu.memory_space<hbm>> -> memref<1x128x256xf32, #tpu.memory_space<hbm>>
    %dma_start3A_280 = tpu.memref_squeeze %dma_start3A_279 : memref<1x128x256xf32, #tpu.memory_space<hbm>> -> memref<128x256xf32, #tpu.memory_space<hbm>>
    %dma_start3A_281 = arith.constant 1280 : i32
    %dma_start3A_282 = tpu.memref_slice %arg2[%select_n3A, %dma_start3A_281, %mul3A_32] : memref<2x4096x4096xf32, #tpu.memory_space<hbm>> -> memref<1x128x256xf32, #tpu.memory_space<hbm>>
    %dma_start3A_283 = tpu.memref_squeeze %dma_start3A_282 : memref<1x128x256xf32, #tpu.memory_space<hbm>> -> memref<128x256xf32, #tpu.memory_space<hbm>>
    tpu.enqueue_dma source(%dma_start3A_283 : memref<128x256xf32, #tpu.memory_space<hbm>>) target(%arg4 : memref<128x256xf32, #tpu.memory_space<vmem>>) target_semaphore(%arg8 : memref<!tpu.dma_semaphore, #tpu.memory_space<semaphore_mem>>)
    %dma_wait3A_284 = arith.constant 896 : i32
    %dma_wait3A_285 = tpu.memref_slice %arg3[%select_n3A, %dma_wait3A_284, %mul3A_32] : memref<2x4096x4096xf32, #tpu.memory_space<hbm>> -> memref<1x128x256xf32, #tpu.memory_space<hbm>>
    %dma_wait3A_286 = tpu.memref_squeeze %dma_wait3A_285 : memref<1x128x256xf32, #tpu.memory_space<hbm>> -> memref<128x256xf32, #tpu.memory_space<hbm>>
    %dma_wait3A_287 = arith.constant 896 : i32
    %dma_wait3A_288 = tpu.memref_slice %arg3[%select_n3A, %dma_wait3A_287, %mul3A_32] : memref<2x4096x4096xf32, #tpu.memory_space<hbm>> -> memref<1x128x256xf32, #tpu.memory_space<hbm>>
    %dma_wait3A_289 = tpu.memref_squeeze %dma_wait3A_288 : memref<1x128x256xf32, #tpu.memory_space<hbm>> -> memref<128x256xf32, #tpu.memory_space<hbm>>
    tpu.wait_dma2 semaphore(%arg11 : memref<!tpu.dma_semaphore, #tpu.memory_space<semaphore_mem>>) src(%arg5 : memref<128x256xf32, #tpu.memory_space<vmem>>) dst(%dma_wait3A_289 : memref<128x256xf32, #tpu.memory_space<hbm>>)
    %dma_start3A_290 = arith.constant 1152 : i32
    %dma_start3A_291 = tpu.memref_slice %arg3[%select_n3A, %dma_start3A_290, %mul3A_32] : memref<2x4096x4096xf32, #tpu.memory_space<hbm>> -> memref<1x128x256xf32, #tpu.memory_space<hbm>>
    %dma_start3A_292 = tpu.memref_squeeze %dma_start3A_291 : memref<1x128x256xf32, #tpu.memory_space<hbm>> -> memref<128x256xf32, #tpu.memory_space<hbm>>
    %dma_start3A_293 = arith.constant 1152 : i32
    %dma_start3A_294 = tpu.memref_slice %arg3[%select_n3A, %dma_start3A_293, %mul3A_32] : memref<2x4096x4096xf32, #tpu.memory_space<hbm>> -> memref<1x128x256xf32, #tpu.memory_space<hbm>>
    %dma_start3A_295 = tpu.memref_squeeze %dma_start3A_294 : memref<1x128x256xf32, #tpu.memory_space<hbm>> -> memref<128x256xf32, #tpu.memory_space<hbm>>
    tpu.enqueue_dma source(%arg5 : memref<128x256xf32, #tpu.memory_space<vmem>>) target(%dma_start3A_295 : memref<128x256xf32, #tpu.memory_space<hbm>>) target_semaphore(%arg11 : memref<!tpu.dma_semaphore, #tpu.memory_space<semaphore_mem>>)
    %dma_wait3A_296 = arith.constant 1280 : i32
    %dma_wait3A_297 = tpu.memref_slice %arg2[%select_n3A, %dma_wait3A_296, %mul3A_32] : memref<2x4096x4096xf32, #tpu.memory_space<hbm>> -> memref<1x128x256xf32, #tpu.memory_space<hbm>>
    %dma_wait3A_298 = tpu.memref_squeeze %dma_wait3A_297 : memref<1x128x256xf32, #tpu.memory_space<hbm>> -> memref<128x256xf32, #tpu.memory_space<hbm>>
    %dma_wait3A_299 = arith.constant 1280 : i32
    %dma_wait3A_300 = tpu.memref_slice %arg2[%select_n3A, %dma_wait3A_299, %mul3A_32] : memref<2x4096x4096xf32, #tpu.memory_space<hbm>> -> memref<1x128x256xf32, #tpu.memory_space<hbm>>
    %dma_wait3A_301 = tpu.memref_squeeze %dma_wait3A_300 : memref<1x128x256xf32, #tpu.memory_space<hbm>> -> memref<128x256xf32, #tpu.memory_space<hbm>>
    tpu.wait_dma2 semaphore(%arg8 : memref<!tpu.dma_semaphore, #tpu.memory_space<semaphore_mem>>) src(%dma_wait3A_301 : memref<128x256xf32, #tpu.memory_space<hbm>>) dst(%arg4 : memref<128x256xf32, #tpu.memory_space<vmem>>)
    %dma_start3A_302 = arith.constant 1408 : i32
    %dma_start3A_303 = tpu.memref_slice %arg2[%select_n3A, %dma_start3A_302, %mul3A_32] : memref<2x4096x4096xf32, #tpu.memory_space<hbm>> -> memref<1x128x256xf32, #tpu.memory_space<hbm>>
    %dma_start3A_304 = tpu.memref_squeeze %dma_start3A_303 : memref<1x128x256xf32, #tpu.memory_space<hbm>> -> memref<128x256xf32, #tpu.memory_space<hbm>>
    %dma_start3A_305 = arith.constant 1408 : i32
    %dma_start3A_306 = tpu.memref_slice %arg2[%select_n3A, %dma_start3A_305, %mul3A_32] : memref<2x4096x4096xf32, #tpu.memory_space<hbm>> -> memref<1x128x256xf32, #tpu.memory_space<hbm>>
    %dma_start3A_307 = tpu.memref_squeeze %dma_start3A_306 : memref<1x128x256xf32, #tpu.memory_space<hbm>> -> memref<128x256xf32, #tpu.memory_space<hbm>>
    tpu.enqueue_dma source(%dma_start3A_307 : memref<128x256xf32, #tpu.memory_space<hbm>>) target(%arg5 : memref<128x256xf32, #tpu.memory_space<vmem>>) target_semaphore(%arg9 : memref<!tpu.dma_semaphore, #tpu.memory_space<semaphore_mem>>)
    %dma_wait3A_308 = arith.constant 1024 : i32
    %dma_wait3A_309 = tpu.memref_slice %arg3[%select_n3A, %dma_wait3A_308, %mul3A_32] : memref<2x4096x4096xf32, #tpu.memory_space<hbm>> -> memref<1x128x256xf32, #tpu.memory_space<hbm>>
    %dma_wait3A_310 = tpu.memref_squeeze %dma_wait3A_309 : memref<1x128x256xf32, #tpu.memory_space<hbm>> -> memref<128x256xf32, #tpu.memory_space<hbm>>
    %dma_wait3A_311 = arith.constant 1024 : i32
    %dma_wait3A_312 = tpu.memref_slice %arg3[%select_n3A, %dma_wait3A_311, %mul3A_32] : memref<2x4096x4096xf32, #tpu.memory_space<hbm>> -> memref<1x128x256xf32, #tpu.memory_space<hbm>>
    %dma_wait3A_313 = tpu.memref_squeeze %dma_wait3A_312 : memref<1x128x256xf32, #tpu.memory_space<hbm>> -> memref<128x256xf32, #tpu.memory_space<hbm>>
    tpu.wait_dma2 semaphore(%arg10 : memref<!tpu.dma_semaphore, #tpu.memory_space<semaphore_mem>>) src(%arg4 : memref<128x256xf32, #tpu.memory_space<vmem>>) dst(%dma_wait3A_313 : memref<128x256xf32, #tpu.memory_space<hbm>>)
    %dma_start3A_314 = arith.constant 1280 : i32
    %dma_start3A_315 = tpu.memref_slice %arg3[%select_n3A, %dma_start3A_314, %mul3A_32] : memref<2x4096x4096xf32, #tpu.memory_space<hbm>> -> memref<1x128x256xf32, #tpu.memory_space<hbm>>
    %dma_start3A_316 = tpu.memref_squeeze %dma_start3A_315 : memref<1x128x256xf32, #tpu.memory_space<hbm>> -> memref<128x256xf32, #tpu.memory_space<hbm>>
    %dma_start3A_317 = arith.constant 1280 : i32
    %dma_start3A_318 = tpu.memref_slice %arg3[%select_n3A, %dma_start3A_317, %mul3A_32] : memref<2x4096x4096xf32, #tpu.memory_space<hbm>> -> memref<1x128x256xf32, #tpu.memory_space<hbm>>
    %dma_start3A_319 = tpu.memref_squeeze %dma_start3A_318 : memref<1x128x256xf32, #tpu.memory_space<hbm>> -> memref<128x256xf32, #tpu.memory_space<hbm>>
    tpu.enqueue_dma source(%arg4 : memref<128x256xf32, #tpu.memory_space<vmem>>) target(%dma_start3A_319 : memref<128x256xf32, #tpu.memory_space<hbm>>) target_semaphore(%arg10 : memref<!tpu.dma_semaphore, #tpu.memory_space<semaphore_mem>>)
    %dma_wait3A_320 = arith.constant 1408 : i32
    %dma_wait3A_321 = tpu.memref_slice %arg2[%select_n3A, %dma_wait3A_320, %mul3A_32] : memref<2x4096x4096xf32, #tpu.memory_space<hbm>> -> memref<1x128x256xf32, #tpu.memory_space<hbm>>
    %dma_wait3A_322 = tpu.memref_squeeze %dma_wait3A_321 : memref<1x128x256xf32, #tpu.memory_space<hbm>> -> memref<128x256xf32, #tpu.memory_space<hbm>>
    %dma_wait3A_323 = arith.constant 1408 : i32
    %dma_wait3A_324 = tpu.memref_slice %arg2[%select_n3A, %dma_wait3A_323, %mul3A_32] : memref<2x4096x4096xf32, #tpu.memory_space<hbm>> -> memref<1x128x256xf32, #tpu.memory_space<hbm>>
    %dma_wait3A_325 = tpu.memref_squeeze %dma_wait3A_324 : memref<1x128x256xf32, #tpu.memory_space<hbm>> -> memref<128x256xf32, #tpu.memory_space<hbm>>
    tpu.wait_dma2 semaphore(%arg9 : memref<!tpu.dma_semaphore, #tpu.memory_space<semaphore_mem>>) src(%dma_wait3A_325 : memref<128x256xf32, #tpu.memory_space<hbm>>) dst(%arg5 : memref<128x256xf32, #tpu.memory_space<vmem>>)
    %dma_start3A_326 = arith.constant 1536 : i32
    %dma_start3A_327 = tpu.memref_slice %arg2[%select_n3A, %dma_start3A_326, %mul3A_32] : memref<2x4096x4096xf32, #tpu.memory_space<hbm>> -> memref<1x128x256xf32, #tpu.memory_space<hbm>>
    %dma_start3A_328 = tpu.memref_squeeze %dma_start3A_327 : memref<1x128x256xf32, #tpu.memory_space<hbm>> -> memref<128x256xf32, #tpu.memory_space<hbm>>
    %dma_start3A_329 = arith.constant 1536 : i32
    %dma_start3A_330 = tpu.memref_slice %arg2[%select_n3A, %dma_start3A_329, %mul3A_32] : memref<2x4096x4096xf32, #tpu.memory_space<hbm>> -> memref<1x128x256xf32, #tpu.memory_space<hbm>>
    %dma_start3A_331 = tpu.memref_squeeze %dma_start3A_330 : memref<1x128x256xf32, #tpu.memory_space<hbm>> -> memref<128x256xf32, #tpu.memory_space<hbm>>
    tpu.enqueue_dma source(%dma_start3A_331 : memref<128x256xf32, #tpu.memory_space<hbm>>) target(%arg4 : memref<128x256xf32, #tpu.memory_space<vmem>>) target_semaphore(%arg8 : memref<!tpu.dma_semaphore, #tpu.memory_space<semaphore_mem>>)
    %dma_wait3A_332 = arith.constant 1152 : i32
    %dma_wait3A_333 = tpu.memref_slice %arg3[%select_n3A, %dma_wait3A_332, %mul3A_32] : memref<2x4096x4096xf32, #tpu.memory_space<hbm>> -> memref<1x128x256xf32, #tpu.memory_space<hbm>>
    %dma_wait3A_334 = tpu.memref_squeeze %dma_wait3A_333 : memref<1x128x256xf32, #tpu.memory_space<hbm>> -> memref<128x256xf32, #tpu.memory_space<hbm>>
    %dma_wait3A_335 = arith.constant 1152 : i32
    %dma_wait3A_336 = tpu.memref_slice %arg3[%select_n3A, %dma_wait3A_335, %mul3A_32] : memref<2x4096x4096xf32, #tpu.memory_space<hbm>> -> memref<1x128x256xf32, #tpu.memory_space<hbm>>
    %dma_wait3A_337 = tpu.memref_squeeze %dma_wait3A_336 : memref<1x128x256xf32, #tpu.memory_space<hbm>> -> memref<128x256xf32, #tpu.memory_space<hbm>>
    tpu.wait_dma2 semaphore(%arg11 : memref<!tpu.dma_semaphore, #tpu.memory_space<semaphore_mem>>) src(%arg5 : memref<128x256xf32, #tpu.memory_space<vmem>>) dst(%dma_wait3A_337 : memref<128x256xf32, #tpu.memory_space<hbm>>)
    %dma_start3A_338 = arith.constant 1408 : i32
    %dma_start3A_339 = tpu.memref_slice %arg3[%select_n3A, %dma_start3A_338, %mul3A_32] : memref<2x4096x4096xf32, #tpu.memory_space<hbm>> -> memref<1x128x256xf32, #tpu.memory_space<hbm>>
    %dma_start3A_340 = tpu.memref_squeeze %dma_start3A_339 : memref<1x128x256xf32, #tpu.memory_space<hbm>> -> memref<128x256xf32, #tpu.memory_space<hbm>>
    %dma_start3A_341 = arith.constant 1408 : i32
    %dma_start3A_342 = tpu.memref_slice %arg3[%select_n3A, %dma_start3A_341, %mul3A_32] : memref<2x4096x4096xf32, #tpu.memory_space<hbm>> -> memref<1x128x256xf32, #tpu.memory_space<hbm>>
    %dma_start3A_343 = tpu.memref_squeeze %dma_start3A_342 : memref<1x128x256xf32, #tpu.memory_space<hbm>> -> memref<128x256xf32, #tpu.memory_space<hbm>>
    tpu.enqueue_dma source(%arg5 : memref<128x256xf32, #tpu.memory_space<vmem>>) target(%dma_start3A_343 : memref<128x256xf32, #tpu.memory_space<hbm>>) target_semaphore(%arg11 : memref<!tpu.dma_semaphore, #tpu.memory_space<semaphore_mem>>)
    %dma_wait3A_344 = arith.constant 1536 : i32
    %dma_wait3A_345 = tpu.memref_slice %arg2[%select_n3A, %dma_wait3A_344, %mul3A_32] : memref<2x4096x4096xf32, #tpu.memory_space<hbm>> -> memref<1x128x256xf32, #tpu.memory_space<hbm>>
    %dma_wait3A_346 = tpu.memref_squeeze %dma_wait3A_345 : memref<1x128x256xf32, #tpu.memory_space<hbm>> -> memref<128x256xf32, #tpu.memory_space<hbm>>
    %dma_wait3A_347 = arith.constant 1536 : i32
    %dma_wait3A_348 = tpu.memref_slice %arg2[%select_n3A, %dma_wait3A_347, %mul3A_32] : memref<2x4096x4096xf32, #tpu.memory_space<hbm>> -> memref<1x128x256xf32, #tpu.memory_space<hbm>>
    %dma_wait3A_349 = tpu.memref_squeeze %dma_wait3A_348 : memref<1x128x256xf32, #tpu.memory_space<hbm>> -> memref<128x256xf32, #tpu.memory_space<hbm>>
    tpu.wait_dma2 semaphore(%arg8 : memref<!tpu.dma_semaphore, #tpu.memory_space<semaphore_mem>>) src(%dma_wait3A_349 : memref<128x256xf32, #tpu.memory_space<hbm>>) dst(%arg4 : memref<128x256xf32, #tpu.memory_space<vmem>>)
    %dma_start3A_350 = arith.constant 1664 : i32
    %dma_start3A_351 = tpu.memref_slice %arg2[%select_n3A, %dma_start3A_350, %mul3A_32] : memref<2x4096x4096xf32, #tpu.memory_space<hbm>> -> memref<1x128x256xf32, #tpu.memory_space<hbm>>
    %dma_start3A_352 = tpu.memref_squeeze %dma_start3A_351 : memref<1x128x256xf32, #tpu.memory_space<hbm>> -> memref<128x256xf32, #tpu.memory_space<hbm>>
    %dma_start3A_353 = arith.constant 1664 : i32
    %dma_start3A_354 = tpu.memref_slice %arg2[%select_n3A, %dma_start3A_353, %mul3A_32] : memref<2x4096x4096xf32, #tpu.memory_space<hbm>> -> memref<1x128x256xf32, #tpu.memory_space<hbm>>
    %dma_start3A_355 = tpu.memref_squeeze %dma_start3A_354 : memref<1x128x256xf32, #tpu.memory_space<hbm>> -> memref<128x256xf32, #tpu.memory_space<hbm>>
    tpu.enqueue_dma source(%dma_start3A_355 : memref<128x256xf32, #tpu.memory_space<hbm>>) target(%arg5 : memref<128x256xf32, #tpu.memory_space<vmem>>) target_semaphore(%arg9 : memref<!tpu.dma_semaphore, #tpu.memory_space<semaphore_mem>>)
    %dma_wait3A_356 = arith.constant 1280 : i32
    %dma_wait3A_357 = tpu.memref_slice %arg3[%select_n3A, %dma_wait3A_356, %mul3A_32] : memref<2x4096x4096xf32, #tpu.memory_space<hbm>> -> memref<1x128x256xf32, #tpu.memory_space<hbm>>
    %dma_wait3A_358 = tpu.memref_squeeze %dma_wait3A_357 : memref<1x128x256xf32, #tpu.memory_space<hbm>> -> memref<128x256xf32, #tpu.memory_space<hbm>>
    %dma_wait3A_359 = arith.constant 1280 : i32
    %dma_wait3A_360 = tpu.memref_slice %arg3[%select_n3A, %dma_wait3A_359, %mul3A_32] : memref<2x4096x4096xf32, #tpu.memory_space<hbm>> -> memref<1x128x256xf32, #tpu.memory_space<hbm>>
    %dma_wait3A_361 = tpu.memref_squeeze %dma_wait3A_360 : memref<1x128x256xf32, #tpu.memory_space<hbm>> -> memref<128x256xf32, #tpu.memory_space<hbm>>
    tpu.wait_dma2 semaphore(%arg10 : memref<!tpu.dma_semaphore, #tpu.memory_space<semaphore_mem>>) src(%arg4 : memref<128x256xf32, #tpu.memory_space<vmem>>) dst(%dma_wait3A_361 : memref<128x256xf32, #tpu.memory_space<hbm>>)
    %dma_start3A_362 = arith.constant 1536 : i32
    %dma_start3A_363 = tpu.memref_slice %arg3[%select_n3A, %dma_start3A_362, %mul3A_32] : memref<2x4096x4096xf32, #tpu.memory_space<hbm>> -> memref<1x128x256xf32, #tpu.memory_space<hbm>>
    %dma_start3A_364 = tpu.memref_squeeze %dma_start3A_363 : memref<1x128x256xf32, #tpu.memory_space<hbm>> -> memref<128x256xf32, #tpu.memory_space<hbm>>
    %dma_start3A_365 = arith.constant 1536 : i32
    %dma_start3A_366 = tpu.memref_slice %arg3[%select_n3A, %dma_start3A_365, %mul3A_32] : memref<2x4096x4096xf32, #tpu.memory_space<hbm>> -> memref<1x128x256xf32, #tpu.memory_space<hbm>>
    %dma_start3A_367 = tpu.memref_squeeze %dma_start3A_366 : memref<1x128x256xf32, #tpu.memory_space<hbm>> -> memref<128x256xf32, #tpu.memory_space<hbm>>
    tpu.enqueue_dma source(%arg4 : memref<128x256xf32, #tpu.memory_space<vmem>>) target(%dma_start3A_367 : memref<128x256xf32, #tpu.memory_space<hbm>>) target_semaphore(%arg10 : memref<!tpu.dma_semaphore, #tpu.memory_space<semaphore_mem>>)
    %dma_wait3A_368 = arith.constant 1664 : i32
    %dma_wait3A_369 = tpu.memref_slice %arg2[%select_n3A, %dma_wait3A_368, %mul3A_32] : memref<2x4096x4096xf32, #tpu.memory_space<hbm>> -> memref<1x128x256xf32, #tpu.memory_space<hbm>>
    %dma_wait3A_370 = tpu.memref_squeeze %dma_wait3A_369 : memref<1x128x256xf32, #tpu.memory_space<hbm>> -> memref<128x256xf32, #tpu.memory_space<hbm>>
    %dma_wait3A_371 = arith.constant 1664 : i32
    %dma_wait3A_372 = tpu.memref_slice %arg2[%select_n3A, %dma_wait3A_371, %mul3A_32] : memref<2x4096x4096xf32, #tpu.memory_space<hbm>> -> memref<1x128x256xf32, #tpu.memory_space<hbm>>
    %dma_wait3A_373 = tpu.memref_squeeze %dma_wait3A_372 : memref<1x128x256xf32, #tpu.memory_space<hbm>> -> memref<128x256xf32, #tpu.memory_space<hbm>>
    tpu.wait_dma2 semaphore(%arg9 : memref<!tpu.dma_semaphore, #tpu.memory_space<semaphore_mem>>) src(%dma_wait3A_373 : memref<128x256xf32, #tpu.memory_space<hbm>>) dst(%arg5 : memref<128x256xf32, #tpu.memory_space<vmem>>)
    %dma_start3A_374 = arith.constant 1792 : i32
    %dma_start3A_375 = tpu.memref_slice %arg2[%select_n3A, %dma_start3A_374, %mul3A_32] : memref<2x4096x4096xf32, #tpu.memory_space<hbm>> -> memref<1x128x256xf32, #tpu.memory_space<hbm>>
    %dma_start3A_376 = tpu.memref_squeeze %dma_start3A_375 : memref<1x128x256xf32, #tpu.memory_space<hbm>> -> memref<128x256xf32, #tpu.memory_space<hbm>>
    %dma_start3A_377 = arith.constant 1792 : i32
    %dma_start3A_378 = tpu.memref_slice %arg2[%select_n3A, %dma_start3A_377, %mul3A_32] : memref<2x4096x4096xf32, #tpu.memory_space<hbm>> -> memref<1x128x256xf32, #tpu.memory_space<hbm>>
    %dma_start3A_379 = tpu.memref_squeeze %dma_start3A_378 : memref<1x128x256xf32, #tpu.memory_space<hbm>> -> memref<128x256xf32, #tpu.memory_space<hbm>>
    tpu.enqueue_dma source(%dma_start3A_379 : memref<128x256xf32, #tpu.memory_space<hbm>>) target(%arg4 : memref<128x256xf32, #tpu.memory_space<vmem>>) target_semaphore(%arg8 : memref<!tpu.dma_semaphore, #tpu.memory_space<semaphore_mem>>)
    %dma_wait3A_380 = arith.constant 1408 : i32
    %dma_wait3A_381 = tpu.memref_slice %arg3[%select_n3A, %dma_wait3A_380, %mul3A_32] : memref<2x4096x4096xf32, #tpu.memory_space<hbm>> -> memref<1x128x256xf32, #tpu.memory_space<hbm>>
    %dma_wait3A_382 = tpu.memref_squeeze %dma_wait3A_381 : memref<1x128x256xf32, #tpu.memory_space<hbm>> -> memref<128x256xf32, #tpu.memory_space<hbm>>
    %dma_wait3A_383 = arith.constant 1408 : i32
    %dma_wait3A_384 = tpu.memref_slice %arg3[%select_n3A, %dma_wait3A_383, %mul3A_32] : memref<2x4096x4096xf32, #tpu.memory_space<hbm>> -> memref<1x128x256xf32, #tpu.memory_space<hbm>>
    %dma_wait3A_385 = tpu.memref_squeeze %dma_wait3A_384 : memref<1x128x256xf32, #tpu.memory_space<hbm>> -> memref<128x256xf32, #tpu.memory_space<hbm>>
    tpu.wait_dma2 semaphore(%arg11 : memref<!tpu.dma_semaphore, #tpu.memory_space<semaphore_mem>>) src(%arg5 : memref<128x256xf32, #tpu.memory_space<vmem>>) dst(%dma_wait3A_385 : memref<128x256xf32, #tpu.memory_space<hbm>>)
    %dma_start3A_386 = arith.constant 1664 : i32
    %dma_start3A_387 = tpu.memref_slice %arg3[%select_n3A, %dma_start3A_386, %mul3A_32] : memref<2x4096x4096xf32, #tpu.memory_space<hbm>> -> memref<1x128x256xf32, #tpu.memory_space<hbm>>
    %dma_start3A_388 = tpu.memref_squeeze %dma_start3A_387 : memref<1x128x256xf32, #tpu.memory_space<hbm>> -> memref<128x256xf32, #tpu.memory_space<hbm>>
    %dma_start3A_389 = arith.constant 1664 : i32
    %dma_start3A_390 = tpu.memref_slice %arg3[%select_n3A, %dma_start3A_389, %mul3A_32] : memref<2x4096x4096xf32, #tpu.memory_space<hbm>> -> memref<1x128x256xf32, #tpu.memory_space<hbm>>
    %dma_start3A_391 = tpu.memref_squeeze %dma_start3A_390 : memref<1x128x256xf32, #tpu.memory_space<hbm>> -> memref<128x256xf32, #tpu.memory_space<hbm>>
    tpu.enqueue_dma source(%arg5 : memref<128x256xf32, #tpu.memory_space<vmem>>) target(%dma_start3A_391 : memref<128x256xf32, #tpu.memory_space<hbm>>) target_semaphore(%arg11 : memref<!tpu.dma_semaphore, #tpu.memory_space<semaphore_mem>>)
    %dma_wait3A_392 = arith.constant 1792 : i32
    %dma_wait3A_393 = tpu.memref_slice %arg2[%select_n3A, %dma_wait3A_392, %mul3A_32] : memref<2x4096x4096xf32, #tpu.memory_space<hbm>> -> memref<1x128x256xf32, #tpu.memory_space<hbm>>
    %dma_wait3A_394 = tpu.memref_squeeze %dma_wait3A_393 : memref<1x128x256xf32, #tpu.memory_space<hbm>> -> memref<128x256xf32, #tpu.memory_space<hbm>>
    %dma_wait3A_395 = arith.constant 1792 : i32
    %dma_wait3A_396 = tpu.memref_slice %arg2[%select_n3A, %dma_wait3A_395, %mul3A_32] : memref<2x4096x4096xf32, #tpu.memory_space<hbm>> -> memref<1x128x256xf32, #tpu.memory_space<hbm>>
    %dma_wait3A_397 = tpu.memref_squeeze %dma_wait3A_396 : memref<1x128x256xf32, #tpu.memory_space<hbm>> -> memref<128x256xf32, #tpu.memory_space<hbm>>
    tpu.wait_dma2 semaphore(%arg8 : memref<!tpu.dma_semaphore, #tpu.memory_space<semaphore_mem>>) src(%dma_wait3A_397 : memref<128x256xf32, #tpu.memory_space<hbm>>) dst(%arg4 : memref<128x256xf32, #tpu.memory_space<vmem>>)
    %dma_start3A_398 = arith.constant 1920 : i32
    %dma_start3A_399 = tpu.memref_slice %arg2[%select_n3A, %dma_start3A_398, %mul3A_32] : memref<2x4096x4096xf32, #tpu.memory_space<hbm>> -> memref<1x128x256xf32, #tpu.memory_space<hbm>>
    %dma_start3A_400 = tpu.memref_squeeze %dma_start3A_399 : memref<1x128x256xf32, #tpu.memory_space<hbm>> -> memref<128x256xf32, #tpu.memory_space<hbm>>
    %dma_start3A_401 = arith.constant 1920 : i32
    %dma_start3A_402 = tpu.memref_slice %arg2[%select_n3A, %dma_start3A_401, %mul3A_32] : memref<2x4096x4096xf32, #tpu.memory_space<hbm>> -> memref<1x128x256xf32, #tpu.memory_space<hbm>>
    %dma_start3A_403 = tpu.memref_squeeze %dma_start3A_402 : memref<1x128x256xf32, #tpu.memory_space<hbm>> -> memref<128x256xf32, #tpu.memory_space<hbm>>
    tpu.enqueue_dma source(%dma_start3A_403 : memref<128x256xf32, #tpu.memory_space<hbm>>) target(%arg5 : memref<128x256xf32, #tpu.memory_space<vmem>>) target_semaphore(%arg9 : memref<!tpu.dma_semaphore, #tpu.memory_space<semaphore_mem>>)
    %dma_wait3A_404 = arith.constant 1536 : i32
    %dma_wait3A_405 = tpu.memref_slice %arg3[%select_n3A, %dma_wait3A_404, %mul3A_32] : memref<2x4096x4096xf32, #tpu.memory_space<hbm>> -> memref<1x128x256xf32, #tpu.memory_space<hbm>>
    %dma_wait3A_406 = tpu.memref_squeeze %dma_wait3A_405 : memref<1x128x256xf32, #tpu.memory_space<hbm>> -> memref<128x256xf32, #tpu.memory_space<hbm>>
    %dma_wait3A_407 = arith.constant 1536 : i32
    %dma_wait3A_408 = tpu.memref_slice %arg3[%select_n3A, %dma_wait3A_407, %mul3A_32] : memref<2x4096x4096xf32, #tpu.memory_space<hbm>> -> memref<1x128x256xf32, #tpu.memory_space<hbm>>
    %dma_wait3A_409 = tpu.memref_squeeze %dma_wait3A_408 : memref<1x128x256xf32, #tpu.memory_space<hbm>> -> memref<128x256xf32, #tpu.memory_space<hbm>>
    tpu.wait_dma2 semaphore(%arg10 : memref<!tpu.dma_semaphore, #tpu.memory_space<semaphore_mem>>) src(%arg4 : memref<128x256xf32, #tpu.memory_space<vmem>>) dst(%dma_wait3A_409 : memref<128x256xf32, #tpu.memory_space<hbm>>)
    %dma_start3A_410 = arith.constant 1792 : i32
    %dma_start3A_411 = tpu.memref_slice %arg3[%select_n3A, %dma_start3A_410, %mul3A_32] : memref<2x4096x4096xf32, #tpu.memory_space<hbm>> -> memref<1x128x256xf32, #tpu.memory_space<hbm>>
    %dma_start3A_412 = tpu.memref_squeeze %dma_start3A_411 : memref<1x128x256xf32, #tpu.memory_space<hbm>> -> memref<128x256xf32, #tpu.memory_space<hbm>>
    %dma_start3A_413 = arith.constant 1792 : i32
    %dma_start3A_414 = tpu.memref_slice %arg3[%select_n3A, %dma_start3A_413, %mul3A_32] : memref<2x4096x4096xf32, #tpu.memory_space<hbm>> -> memref<1x128x256xf32, #tpu.memory_space<hbm>>
    %dma_start3A_415 = tpu.memref_squeeze %dma_start3A_414 : memref<1x128x256xf32, #tpu.memory_space<hbm>> -> memref<128x256xf32, #tpu.memory_space<hbm>>
    tpu.enqueue_dma source(%arg4 : memref<128x256xf32, #tpu.memory_space<vmem>>) target(%dma_start3A_415 : memref<128x256xf32, #tpu.memory_space<hbm>>) target_semaphore(%arg10 : memref<!tpu.dma_semaphore, #tpu.memory_space<semaphore_mem>>)
    %dma_wait3A_416 = arith.constant 1920 : i32
    %dma_wait3A_417 = tpu.memref_slice %arg2[%select_n3A, %dma_wait3A_416, %mul3A_32] : memref<2x4096x4096xf32, #tpu.memory_space<hbm>> -> memref<1x128x256xf32, #tpu.memory_space<hbm>>
    %dma_wait3A_418 = tpu.memref_squeeze %dma_wait3A_417 : memref<1x128x256xf32, #tpu.memory_space<hbm>> -> memref<128x256xf32, #tpu.memory_space<hbm>>
    %dma_wait3A_419 = arith.constant 1920 : i32
    %dma_wait3A_420 = tpu.memref_slice %arg2[%select_n3A, %dma_wait3A_419, %mul3A_32] : memref<2x4096x4096xf32, #tpu.memory_space<hbm>> -> memref<1x128x256xf32, #tpu.memory_space<hbm>>
    %dma_wait3A_421 = tpu.memref_squeeze %dma_wait3A_420 : memref<1x128x256xf32, #tpu.memory_space<hbm>> -> memref<128x256xf32, #tpu.memory_space<hbm>>
    tpu.wait_dma2 semaphore(%arg9 : memref<!tpu.dma_semaphore, #tpu.memory_space<semaphore_mem>>) src(%dma_wait3A_421 : memref<128x256xf32, #tpu.memory_space<hbm>>) dst(%arg5 : memref<128x256xf32, #tpu.memory_space<vmem>>)
    %dma_start3A_422 = arith.constant 2048 : i32
    %dma_start3A_423 = tpu.memref_slice %arg2[%select_n3A, %dma_start3A_422, %mul3A_32] : memref<2x4096x4096xf32, #tpu.memory_space<hbm>> -> memref<1x128x256xf32, #tpu.memory_space<hbm>>
    %dma_start3A_424 = tpu.memref_squeeze %dma_start3A_423 : memref<1x128x256xf32, #tpu.memory_space<hbm>> -> memref<128x256xf32, #tpu.memory_space<hbm>>
    %dma_start3A_425 = arith.constant 2048 : i32
    %dma_start3A_426 = tpu.memref_slice %arg2[%select_n3A, %dma_start3A_425, %mul3A_32] : memref<2x4096x4096xf32, #tpu.memory_space<hbm>> -> memref<1x128x256xf32, #tpu.memory_space<hbm>>
    %dma_start3A_427 = tpu.memref_squeeze %dma_start3A_426 : memref<1x128x256xf32, #tpu.memory_space<hbm>> -> memref<128x256xf32, #tpu.memory_space<hbm>>
    tpu.enqueue_dma source(%dma_start3A_427 : memref<128x256xf32, #tpu.memory_space<hbm>>) target(%arg4 : memref<128x256xf32, #tpu.memory_space<vmem>>) target_semaphore(%arg8 : memref<!tpu.dma_semaphore, #tpu.memory_space<semaphore_mem>>)
    %dma_wait3A_428 = arith.constant 1664 : i32
    %dma_wait3A_429 = tpu.memref_slice %arg3[%select_n3A, %dma_wait3A_428, %mul3A_32] : memref<2x4096x4096xf32, #tpu.memory_space<hbm>> -> memref<1x128x256xf32, #tpu.memory_space<hbm>>
    %dma_wait3A_430 = tpu.memref_squeeze %dma_wait3A_429 : memref<1x128x256xf32, #tpu.memory_space<hbm>> -> memref<128x256xf32, #tpu.memory_space<hbm>>
    %dma_wait3A_431 = arith.constant 1664 : i32
    %dma_wait3A_432 = tpu.memref_slice %arg3[%select_n3A, %dma_wait3A_431, %mul3A_32] : memref<2x4096x4096xf32, #tpu.memory_space<hbm>> -> memref<1x128x256xf32, #tpu.memory_space<hbm>>
    %dma_wait3A_433 = tpu.memref_squeeze %dma_wait3A_432 : memref<1x128x256xf32, #tpu.memory_space<hbm>> -> memref<128x256xf32, #tpu.memory_space<hbm>>
    tpu.wait_dma2 semaphore(%arg11 : memref<!tpu.dma_semaphore, #tpu.memory_space<semaphore_mem>>) src(%arg5 : memref<128x256xf32, #tpu.memory_space<vmem>>) dst(%dma_wait3A_433 : memref<128x256xf32, #tpu.memory_space<hbm>>)
    %dma_start3A_434 = arith.constant 1920 : i32
    %dma_start3A_435 = tpu.memref_slice %arg3[%select_n3A, %dma_start3A_434, %mul3A_32] : memref<2x4096x4096xf32, #tpu.memory_space<hbm>> -> memref<1x128x256xf32, #tpu.memory_space<hbm>>
    %dma_start3A_436 = tpu.memref_squeeze %dma_start3A_435 : memref<1x128x256xf32, #tpu.memory_space<hbm>> -> memref<128x256xf32, #tpu.memory_space<hbm>>
    %dma_start3A_437 = arith.constant 1920 : i32
    %dma_start3A_438 = tpu.memref_slice %arg3[%select_n3A, %dma_start3A_437, %mul3A_32] : memref<2x4096x4096xf32, #tpu.memory_space<hbm>> -> memref<1x128x256xf32, #tpu.memory_space<hbm>>
    %dma_start3A_439 = tpu.memref_squeeze %dma_start3A_438 : memref<1x128x256xf32, #tpu.memory_space<hbm>> -> memref<128x256xf32, #tpu.memory_space<hbm>>
    tpu.enqueue_dma source(%arg5 : memref<128x256xf32, #tpu.memory_space<vmem>>) target(%dma_start3A_439 : memref<128x256xf32, #tpu.memory_space<hbm>>) target_semaphore(%arg11 : memref<!tpu.dma_semaphore, #tpu.memory_space<semaphore_mem>>)
    %dma_wait3A_440 = arith.constant 2048 : i32
    %dma_wait3A_441 = tpu.memref_slice %arg2[%select_n3A, %dma_wait3A_440, %mul3A_32] : memref<2x4096x4096xf32, #tpu.memory_space<hbm>> -> memref<1x128x256xf32, #tpu.memory_space<hbm>>
    %dma_wait3A_442 = tpu.memref_squeeze %dma_wait3A_441 : memref<1x128x256xf32, #tpu.memory_space<hbm>> -> memref<128x256xf32, #tpu.memory_space<hbm>>
    %dma_wait3A_443 = arith.constant 2048 : i32
    %dma_wait3A_444 = tpu.memref_slice %arg2[%select_n3A, %dma_wait3A_443, %mul3A_32] : memref<2x4096x4096xf32, #tpu.memory_space<hbm>> -> memref<1x128x256xf32, #tpu.memory_space<hbm>>
    %dma_wait3A_445 = tpu.memref_squeeze %dma_wait3A_444 : memref<1x128x256xf32, #tpu.memory_space<hbm>> -> memref<128x256xf32, #tpu.memory_space<hbm>>
    tpu.wait_dma2 semaphore(%arg8 : memref<!tpu.dma_semaphore, #tpu.memory_space<semaphore_mem>>) src(%dma_wait3A_445 : memref<128x256xf32, #tpu.memory_space<hbm>>) dst(%arg4 : memref<128x256xf32, #tpu.memory_space<vmem>>)
    %dma_start3A_446 = arith.constant 2176 : i32
    %dma_start3A_447 = tpu.memref_slice %arg2[%select_n3A, %dma_start3A_446, %mul3A_32] : memref<2x4096x4096xf32, #tpu.memory_space<hbm>> -> memref<1x128x256xf32, #tpu.memory_space<hbm>>
    %dma_start3A_448 = tpu.memref_squeeze %dma_start3A_447 : memref<1x128x256xf32, #tpu.memory_space<hbm>> -> memref<128x256xf32, #tpu.memory_space<hbm>>
    %dma_start3A_449 = arith.constant 2176 : i32
    %dma_start3A_450 = tpu.memref_slice %arg2[%select_n3A, %dma_start3A_449, %mul3A_32] : memref<2x4096x4096xf32, #tpu.memory_space<hbm>> -> memref<1x128x256xf32, #tpu.memory_space<hbm>>
    %dma_start3A_451 = tpu.memref_squeeze %dma_start3A_450 : memref<1x128x256xf32, #tpu.memory_space<hbm>> -> memref<128x256xf32, #tpu.memory_space<hbm>>
    tpu.enqueue_dma source(%dma_start3A_451 : memref<128x256xf32, #tpu.memory_space<hbm>>) target(%arg5 : memref<128x256xf32, #tpu.memory_space<vmem>>) target_semaphore(%arg9 : memref<!tpu.dma_semaphore, #tpu.memory_space<semaphore_mem>>)
    %dma_wait3A_452 = arith.constant 1792 : i32
    %dma_wait3A_453 = tpu.memref_slice %arg3[%select_n3A, %dma_wait3A_452, %mul3A_32] : memref<2x4096x4096xf32, #tpu.memory_space<hbm>> -> memref<1x128x256xf32, #tpu.memory_space<hbm>>
    %dma_wait3A_454 = tpu.memref_squeeze %dma_wait3A_453 : memref<1x128x256xf32, #tpu.memory_space<hbm>> -> memref<128x256xf32, #tpu.memory_space<hbm>>
    %dma_wait3A_455 = arith.constant 1792 : i32
    %dma_wait3A_456 = tpu.memref_slice %arg3[%select_n3A, %dma_wait3A_455, %mul3A_32] : memref<2x4096x4096xf32, #tpu.memory_space<hbm>> -> memref<1x128x256xf32, #tpu.memory_space<hbm>>
    %dma_wait3A_457 = tpu.memref_squeeze %dma_wait3A_456 : memref<1x128x256xf32, #tpu.memory_space<hbm>> -> memref<128x256xf32, #tpu.memory_space<hbm>>
    tpu.wait_dma2 semaphore(%arg10 : memref<!tpu.dma_semaphore, #tpu.memory_space<semaphore_mem>>) src(%arg4 : memref<128x256xf32, #tpu.memory_space<vmem>>) dst(%dma_wait3A_457 : memref<128x256xf32, #tpu.memory_space<hbm>>)
    %dma_start3A_458 = arith.constant 2048 : i32
    %dma_start3A_459 = tpu.memref_slice %arg3[%select_n3A, %dma_start3A_458, %mul3A_32] : memref<2x4096x4096xf32, #tpu.memory_space<hbm>> -> memref<1x128x256xf32, #tpu.memory_space<hbm>>
    %dma_start3A_460 = tpu.memref_squeeze %dma_start3A_459 : memref<1x128x256xf32, #tpu.memory_space<hbm>> -> memref<128x256xf32, #tpu.memory_space<hbm>>
    %dma_start3A_461 = arith.constant 2048 : i32
    %dma_start3A_462 = tpu.memref_slice %arg3[%select_n3A, %dma_start3A_461, %mul3A_32] : memref<2x4096x4096xf32, #tpu.memory_space<hbm>> -> memref<1x128x256xf32, #tpu.memory_space<hbm>>
    %dma_start3A_463 = tpu.memref_squeeze %dma_start3A_462 : memref<1x128x256xf32, #tpu.memory_space<hbm>> -> memref<128x256xf32, #tpu.memory_space<hbm>>
    tpu.enqueue_dma source(%arg4 : memref<128x256xf32, #tpu.memory_space<vmem>>) target(%dma_start3A_463 : memref<128x256xf32, #tpu.memory_space<hbm>>) target_semaphore(%arg10 : memref<!tpu.dma_semaphore, #tpu.memory_space<semaphore_mem>>)
    %dma_wait3A_464 = arith.constant 2176 : i32
    %dma_wait3A_465 = tpu.memref_slice %arg2[%select_n3A, %dma_wait3A_464, %mul3A_32] : memref<2x4096x4096xf32, #tpu.memory_space<hbm>> -> memref<1x128x256xf32, #tpu.memory_space<hbm>>
    %dma_wait3A_466 = tpu.memref_squeeze %dma_wait3A_465 : memref<1x128x256xf32, #tpu.memory_space<hbm>> -> memref<128x256xf32, #tpu.memory_space<hbm>>
    %dma_wait3A_467 = arith.constant 2176 : i32
    %dma_wait3A_468 = tpu.memref_slice %arg2[%select_n3A, %dma_wait3A_467, %mul3A_32] : memref<2x4096x4096xf32, #tpu.memory_space<hbm>> -> memref<1x128x256xf32, #tpu.memory_space<hbm>>
    %dma_wait3A_469 = tpu.memref_squeeze %dma_wait3A_468 : memref<1x128x256xf32, #tpu.memory_space<hbm>> -> memref<128x256xf32, #tpu.memory_space<hbm>>
    tpu.wait_dma2 semaphore(%arg9 : memref<!tpu.dma_semaphore, #tpu.memory_space<semaphore_mem>>) src(%dma_wait3A_469 : memref<128x256xf32, #tpu.memory_space<hbm>>) dst(%arg5 : memref<128x256xf32, #tpu.memory_space<vmem>>)
    %dma_start3A_470 = arith.constant 2304 : i32
    %dma_start3A_471 = tpu.memref_slice %arg2[%select_n3A, %dma_start3A_470, %mul3A_32] : memref<2x4096x4096xf32, #tpu.memory_space<hbm>> -> memref<1x128x256xf32, #tpu.memory_space<hbm>>
    %dma_start3A_472 = tpu.memref_squeeze %dma_start3A_471 : memref<1x128x256xf32, #tpu.memory_space<hbm>> -> memref<128x256xf32, #tpu.memory_space<hbm>>
    %dma_start3A_473 = arith.constant 2304 : i32
    %dma_start3A_474 = tpu.memref_slice %arg2[%select_n3A, %dma_start3A_473, %mul3A_32] : memref<2x4096x4096xf32, #tpu.memory_space<hbm>> -> memref<1x128x256xf32, #tpu.memory_space<hbm>>
    %dma_start3A_475 = tpu.memref_squeeze %dma_start3A_474 : memref<1x128x256xf32, #tpu.memory_space<hbm>> -> memref<128x256xf32, #tpu.memory_space<hbm>>
    tpu.enqueue_dma source(%dma_start3A_475 : memref<128x256xf32, #tpu.memory_space<hbm>>) target(%arg4 : memref<128x256xf32, #tpu.memory_space<vmem>>) target_semaphore(%arg8 : memref<!tpu.dma_semaphore, #tpu.memory_space<semaphore_mem>>)
    %dma_wait3A_476 = arith.constant 1920 : i32
    %dma_wait3A_477 = tpu.memref_slice %arg3[%select_n3A, %dma_wait3A_476, %mul3A_32] : memref<2x4096x4096xf32, #tpu.memory_space<hbm>> -> memref<1x128x256xf32, #tpu.memory_space<hbm>>
    %dma_wait3A_478 = tpu.memref_squeeze %dma_wait3A_477 : memref<1x128x256xf32, #tpu.memory_space<hbm>> -> memref<128x256xf32, #tpu.memory_space<hbm>>
    %dma_wait3A_479 = arith.constant 1920 : i32
    %dma_wait3A_480 = tpu.memref_slice %arg3[%select_n3A, %dma_wait3A_479, %mul3A_32] : memref<2x4096x4096xf32, #tpu.memory_space<hbm>> -> memref<1x128x256xf32, #tpu.memory_space<hbm>>
    %dma_wait3A_481 = tpu.memref_squeeze %dma_wait3A_480 : memref<1x128x256xf32, #tpu.memory_space<hbm>> -> memref<128x256xf32, #tpu.memory_space<hbm>>
    tpu.wait_dma2 semaphore(%arg11 : memref<!tpu.dma_semaphore, #tpu.memory_space<semaphore_mem>>) src(%arg5 : memref<128x256xf32, #tpu.memory_space<vmem>>) dst(%dma_wait3A_481 : memref<128x256xf32, #tpu.memory_space<hbm>>)
    %dma_start3A_482 = arith.constant 2176 : i32
    %dma_start3A_483 = tpu.memref_slice %arg3[%select_n3A, %dma_start3A_482, %mul3A_32] : memref<2x4096x4096xf32, #tpu.memory_space<hbm>> -> memref<1x128x256xf32, #tpu.memory_space<hbm>>
    %dma_start3A_484 = tpu.memref_squeeze %dma_start3A_483 : memref<1x128x256xf32, #tpu.memory_space<hbm>> -> memref<128x256xf32, #tpu.memory_space<hbm>>
    %dma_start3A_485 = arith.constant 2176 : i32
    %dma_start3A_486 = tpu.memref_slice %arg3[%select_n3A, %dma_start3A_485, %mul3A_32] : memref<2x4096x4096xf32, #tpu.memory_space<hbm>> -> memref<1x128x256xf32, #tpu.memory_space<hbm>>
    %dma_start3A_487 = tpu.memref_squeeze %dma_start3A_486 : memref<1x128x256xf32, #tpu.memory_space<hbm>> -> memref<128x256xf32, #tpu.memory_space<hbm>>
    tpu.enqueue_dma source(%arg5 : memref<128x256xf32, #tpu.memory_space<vmem>>) target(%dma_start3A_487 : memref<128x256xf32, #tpu.memory_space<hbm>>) target_semaphore(%arg11 : memref<!tpu.dma_semaphore, #tpu.memory_space<semaphore_mem>>)
    %dma_wait3A_488 = arith.constant 2304 : i32
    %dma_wait3A_489 = tpu.memref_slice %arg2[%select_n3A, %dma_wait3A_488, %mul3A_32] : memref<2x4096x4096xf32, #tpu.memory_space<hbm>> -> memref<1x128x256xf32, #tpu.memory_space<hbm>>
    %dma_wait3A_490 = tpu.memref_squeeze %dma_wait3A_489 : memref<1x128x256xf32, #tpu.memory_space<hbm>> -> memref<128x256xf32, #tpu.memory_space<hbm>>
    %dma_wait3A_491 = arith.constant 2304 : i32
    %dma_wait3A_492 = tpu.memref_slice %arg2[%select_n3A, %dma_wait3A_491, %mul3A_32] : memref<2x4096x4096xf32, #tpu.memory_space<hbm>> -> memref<1x128x256xf32, #tpu.memory_space<hbm>>
    %dma_wait3A_493 = tpu.memref_squeeze %dma_wait3A_492 : memref<1x128x256xf32, #tpu.memory_space<hbm>> -> memref<128x256xf32, #tpu.memory_space<hbm>>
    tpu.wait_dma2 semaphore(%arg8 : memref<!tpu.dma_semaphore, #tpu.memory_space<semaphore_mem>>) src(%dma_wait3A_493 : memref<128x256xf32, #tpu.memory_space<hbm>>) dst(%arg4 : memref<128x256xf32, #tpu.memory_space<vmem>>)
    %dma_start3A_494 = arith.constant 2432 : i32
    %dma_start3A_495 = tpu.memref_slice %arg2[%select_n3A, %dma_start3A_494, %mul3A_32] : memref<2x4096x4096xf32, #tpu.memory_space<hbm>> -> memref<1x128x256xf32, #tpu.memory_space<hbm>>
    %dma_start3A_496 = tpu.memref_squeeze %dma_start3A_495 : memref<1x128x256xf32, #tpu.memory_space<hbm>> -> memref<128x256xf32, #tpu.memory_space<hbm>>
    %dma_start3A_497 = arith.constant 2432 : i32
    %dma_start3A_498 = tpu.memref_slice %arg2[%select_n3A, %dma_start3A_497, %mul3A_32] : memref<2x4096x4096xf32, #tpu.memory_space<hbm>> -> memref<1x128x256xf32, #tpu.memory_space<hbm>>
    %dma_start3A_499 = tpu.memref_squeeze %dma_start3A_498 : memref<1x128x256xf32, #tpu.memory_space<hbm>> -> memref<128x256xf32, #tpu.memory_space<hbm>>
    tpu.enqueue_dma source(%dma_start3A_499 : memref<128x256xf32, #tpu.memory_space<hbm>>) target(%arg5 : memref<128x256xf32, #tpu.memory_space<vmem>>) target_semaphore(%arg9 : memref<!tpu.dma_semaphore, #tpu.memory_space<semaphore_mem>>)
    %dma_wait3A_500 = arith.constant 2048 : i32
    %dma_wait3A_501 = tpu.memref_slice %arg3[%select_n3A, %dma_wait3A_500, %mul3A_32] : memref<2x4096x4096xf32, #tpu.memory_space<hbm>> -> memref<1x128x256xf32, #tpu.memory_space<hbm>>
    %dma_wait3A_502 = tpu.memref_squeeze %dma_wait3A_501 : memref<1x128x256xf32, #tpu.memory_space<hbm>> -> memref<128x256xf32, #tpu.memory_space<hbm>>
    %dma_wait3A_503 = arith.constant 2048 : i32
    %dma_wait3A_504 = tpu.memref_slice %arg3[%select_n3A, %dma_wait3A_503, %mul3A_32] : memref<2x4096x4096xf32, #tpu.memory_space<hbm>> -> memref<1x128x256xf32, #tpu.memory_space<hbm>>
    %dma_wait3A_505 = tpu.memref_squeeze %dma_wait3A_504 : memref<1x128x256xf32, #tpu.memory_space<hbm>> -> memref<128x256xf32, #tpu.memory_space<hbm>>
    tpu.wait_dma2 semaphore(%arg10 : memref<!tpu.dma_semaphore, #tpu.memory_space<semaphore_mem>>) src(%arg4 : memref<128x256xf32, #tpu.memory_space<vmem>>) dst(%dma_wait3A_505 : memref<128x256xf32, #tpu.memory_space<hbm>>)
    %dma_start3A_506 = arith.constant 2304 : i32
    %dma_start3A_507 = tpu.memref_slice %arg3[%select_n3A, %dma_start3A_506, %mul3A_32] : memref<2x4096x4096xf32, #tpu.memory_space<hbm>> -> memref<1x128x256xf32, #tpu.memory_space<hbm>>
    %dma_start3A_508 = tpu.memref_squeeze %dma_start3A_507 : memref<1x128x256xf32, #tpu.memory_space<hbm>> -> memref<128x256xf32, #tpu.memory_space<hbm>>
    %dma_start3A_509 = arith.constant 2304 : i32
    %dma_start3A_510 = tpu.memref_slice %arg3[%select_n3A, %dma_start3A_509, %mul3A_32] : memref<2x4096x4096xf32, #tpu.memory_space<hbm>> -> memref<1x128x256xf32, #tpu.memory_space<hbm>>
    %dma_start3A_511 = tpu.memref_squeeze %dma_start3A_510 : memref<1x128x256xf32, #tpu.memory_space<hbm>> -> memref<128x256xf32, #tpu.memory_space<hbm>>
    tpu.enqueue_dma source(%arg4 : memref<128x256xf32, #tpu.memory_space<vmem>>) target(%dma_start3A_511 : memref<128x256xf32, #tpu.memory_space<hbm>>) target_semaphore(%arg10 : memref<!tpu.dma_semaphore, #tpu.memory_space<semaphore_mem>>)
    %dma_wait3A_512 = arith.constant 2432 : i32
    %dma_wait3A_513 = tpu.memref_slice %arg2[%select_n3A, %dma_wait3A_512, %mul3A_32] : memref<2x4096x4096xf32, #tpu.memory_space<hbm>> -> memref<1x128x256xf32, #tpu.memory_space<hbm>>
    %dma_wait3A_514 = tpu.memref_squeeze %dma_wait3A_513 : memref<1x128x256xf32, #tpu.memory_space<hbm>> -> memref<128x256xf32, #tpu.memory_space<hbm>>
    %dma_wait3A_515 = arith.constant 2432 : i32
    %dma_wait3A_516 = tpu.memref_slice %arg2[%select_n3A, %dma_wait3A_515, %mul3A_32] : memref<2x4096x4096xf32, #tpu.memory_space<hbm>> -> memref<1x128x256xf32, #tpu.memory_space<hbm>>
    %dma_wait3A_517 = tpu.memref_squeeze %dma_wait3A_516 : memref<1x128x256xf32, #tpu.memory_space<hbm>> -> memref<128x256xf32, #tpu.memory_space<hbm>>
    tpu.wait_dma2 semaphore(%arg9 : memref<!tpu.dma_semaphore, #tpu.memory_space<semaphore_mem>>) src(%dma_wait3A_517 : memref<128x256xf32, #tpu.memory_space<hbm>>) dst(%arg5 : memref<128x256xf32, #tpu.memory_space<vmem>>)
    %dma_start3A_518 = arith.constant 2560 : i32
    %dma_start3A_519 = tpu.memref_slice %arg2[%select_n3A, %dma_start3A_518, %mul3A_32] : memref<2x4096x4096xf32, #tpu.memory_space<hbm>> -> memref<1x128x256xf32, #tpu.memory_space<hbm>>
    %dma_start3A_520 = tpu.memref_squeeze %dma_start3A_519 : memref<1x128x256xf32, #tpu.memory_space<hbm>> -> memref<128x256xf32, #tpu.memory_space<hbm>>
    %dma_start3A_521 = arith.constant 2560 : i32
    %dma_start3A_522 = tpu.memref_slice %arg2[%select_n3A, %dma_start3A_521, %mul3A_32] : memref<2x4096x4096xf32, #tpu.memory_space<hbm>> -> memref<1x128x256xf32, #tpu.memory_space<hbm>>
    %dma_start3A_523 = tpu.memref_squeeze %dma_start3A_522 : memref<1x128x256xf32, #tpu.memory_space<hbm>> -> memref<128x256xf32, #tpu.memory_space<hbm>>
    tpu.enqueue_dma source(%dma_start3A_523 : memref<128x256xf32, #tpu.memory_space<hbm>>) target(%arg4 : memref<128x256xf32, #tpu.memory_space<vmem>>) target_semaphore(%arg8 : memref<!tpu.dma_semaphore, #tpu.memory_space<semaphore_mem>>)
    %dma_wait3A_524 = arith.constant 2176 : i32
    %dma_wait3A_525 = tpu.memref_slice %arg3[%select_n3A, %dma_wait3A_524, %mul3A_32] : memref<2x4096x4096xf32, #tpu.memory_space<hbm>> -> memref<1x128x256xf32, #tpu.memory_space<hbm>>
    %dma_wait3A_526 = tpu.memref_squeeze %dma_wait3A_525 : memref<1x128x256xf32, #tpu.memory_space<hbm>> -> memref<128x256xf32, #tpu.memory_space<hbm>>
    %dma_wait3A_527 = arith.constant 2176 : i32
    %dma_wait3A_528 = tpu.memref_slice %arg3[%select_n3A, %dma_wait3A_527, %mul3A_32] : memref<2x4096x4096xf32, #tpu.memory_space<hbm>> -> memref<1x128x256xf32, #tpu.memory_space<hbm>>
    %dma_wait3A_529 = tpu.memref_squeeze %dma_wait3A_528 : memref<1x128x256xf32, #tpu.memory_space<hbm>> -> memref<128x256xf32, #tpu.memory_space<hbm>>
    tpu.wait_dma2 semaphore(%arg11 : memref<!tpu.dma_semaphore, #tpu.memory_space<semaphore_mem>>) src(%arg5 : memref<128x256xf32, #tpu.memory_space<vmem>>) dst(%dma_wait3A_529 : memref<128x256xf32, #tpu.memory_space<hbm>>)
    %dma_start3A_530 = arith.constant 2432 : i32
    %dma_start3A_531 = tpu.memref_slice %arg3[%select_n3A, %dma_start3A_530, %mul3A_32] : memref<2x4096x4096xf32, #tpu.memory_space<hbm>> -> memref<1x128x256xf32, #tpu.memory_space<hbm>>
    %dma_start3A_532 = tpu.memref_squeeze %dma_start3A_531 : memref<1x128x256xf32, #tpu.memory_space<hbm>> -> memref<128x256xf32, #tpu.memory_space<hbm>>
    %dma_start3A_533 = arith.constant 2432 : i32
    %dma_start3A_534 = tpu.memref_slice %arg3[%select_n3A, %dma_start3A_533, %mul3A_32] : memref<2x4096x4096xf32, #tpu.memory_space<hbm>> -> memref<1x128x256xf32, #tpu.memory_space<hbm>>
    %dma_start3A_535 = tpu.memref_squeeze %dma_start3A_534 : memref<1x128x256xf32, #tpu.memory_space<hbm>> -> memref<128x256xf32, #tpu.memory_space<hbm>>
    tpu.enqueue_dma source(%arg5 : memref<128x256xf32, #tpu.memory_space<vmem>>) target(%dma_start3A_535 : memref<128x256xf32, #tpu.memory_space<hbm>>) target_semaphore(%arg11 : memref<!tpu.dma_semaphore, #tpu.memory_space<semaphore_mem>>)
    %dma_wait3A_536 = arith.constant 2560 : i32
    %dma_wait3A_537 = tpu.memref_slice %arg2[%select_n3A, %dma_wait3A_536, %mul3A_32] : memref<2x4096x4096xf32, #tpu.memory_space<hbm>> -> memref<1x128x256xf32, #tpu.memory_space<hbm>>
    %dma_wait3A_538 = tpu.memref_squeeze %dma_wait3A_537 : memref<1x128x256xf32, #tpu.memory_space<hbm>> -> memref<128x256xf32, #tpu.memory_space<hbm>>
    %dma_wait3A_539 = arith.constant 2560 : i32
    %dma_wait3A_540 = tpu.memref_slice %arg2[%select_n3A, %dma_wait3A_539, %mul3A_32] : memref<2x4096x4096xf32, #tpu.memory_space<hbm>> -> memref<1x128x256xf32, #tpu.memory_space<hbm>>
    %dma_wait3A_541 = tpu.memref_squeeze %dma_wait3A_540 : memref<1x128x256xf32, #tpu.memory_space<hbm>> -> memref<128x256xf32, #tpu.memory_space<hbm>>
    tpu.wait_dma2 semaphore(%arg8 : memref<!tpu.dma_semaphore, #tpu.memory_space<semaphore_mem>>) src(%dma_wait3A_541 : memref<128x256xf32, #tpu.memory_space<hbm>>) dst(%arg4 : memref<128x256xf32, #tpu.memory_space<vmem>>)
    %dma_start3A_542 = arith.constant 2688 : i32
    %dma_start3A_543 = tpu.memref_slice %arg2[%select_n3A, %dma_start3A_542, %mul3A_32] : memref<2x4096x4096xf32, #tpu.memory_space<hbm>> -> memref<1x128x256xf32, #tpu.memory_space<hbm>>
    %dma_start3A_544 = tpu.memref_squeeze %dma_start3A_543 : memref<1x128x256xf32, #tpu.memory_space<hbm>> -> memref<128x256xf32, #tpu.memory_space<hbm>>
    %dma_start3A_545 = arith.constant 2688 : i32
    %dma_start3A_546 = tpu.memref_slice %arg2[%select_n3A, %dma_start3A_545, %mul3A_32] : memref<2x4096x4096xf32, #tpu.memory_space<hbm>> -> memref<1x128x256xf32, #tpu.memory_space<hbm>>
    %dma_start3A_547 = tpu.memref_squeeze %dma_start3A_546 : memref<1x128x256xf32, #tpu.memory_space<hbm>> -> memref<128x256xf32, #tpu.memory_space<hbm>>
    tpu.enqueue_dma source(%dma_start3A_547 : memref<128x256xf32, #tpu.memory_space<hbm>>) target(%arg5 : memref<128x256xf32, #tpu.memory_space<vmem>>) target_semaphore(%arg9 : memref<!tpu.dma_semaphore, #tpu.memory_space<semaphore_mem>>)
    %dma_wait3A_548 = arith.constant 2304 : i32
    %dma_wait3A_549 = tpu.memref_slice %arg3[%select_n3A, %dma_wait3A_548, %mul3A_32] : memref<2x4096x4096xf32, #tpu.memory_space<hbm>> -> memref<1x128x256xf32, #tpu.memory_space<hbm>>
    %dma_wait3A_550 = tpu.memref_squeeze %dma_wait3A_549 : memref<1x128x256xf32, #tpu.memory_space<hbm>> -> memref<128x256xf32, #tpu.memory_space<hbm>>
    %dma_wait3A_551 = arith.constant 2304 : i32
    %dma_wait3A_552 = tpu.memref_slice %arg3[%select_n3A, %dma_wait3A_551, %mul3A_32] : memref<2x4096x4096xf32, #tpu.memory_space<hbm>> -> memref<1x128x256xf32, #tpu.memory_space<hbm>>
    %dma_wait3A_553 = tpu.memref_squeeze %dma_wait3A_552 : memref<1x128x256xf32, #tpu.memory_space<hbm>> -> memref<128x256xf32, #tpu.memory_space<hbm>>
    tpu.wait_dma2 semaphore(%arg10 : memref<!tpu.dma_semaphore, #tpu.memory_space<semaphore_mem>>) src(%arg4 : memref<128x256xf32, #tpu.memory_space<vmem>>) dst(%dma_wait3A_553 : memref<128x256xf32, #tpu.memory_space<hbm>>)
    %dma_start3A_554 = arith.constant 2560 : i32
    %dma_start3A_555 = tpu.memref_slice %arg3[%select_n3A, %dma_start3A_554, %mul3A_32] : memref<2x4096x4096xf32, #tpu.memory_space<hbm>> -> memref<1x128x256xf32, #tpu.memory_space<hbm>>
    %dma_start3A_556 = tpu.memref_squeeze %dma_start3A_555 : memref<1x128x256xf32, #tpu.memory_space<hbm>> -> memref<128x256xf32, #tpu.memory_space<hbm>>
    %dma_start3A_557 = arith.constant 2560 : i32
    %dma_start3A_558 = tpu.memref_slice %arg3[%select_n3A, %dma_start3A_557, %mul3A_32] : memref<2x4096x4096xf32, #tpu.memory_space<hbm>> -> memref<1x128x256xf32, #tpu.memory_space<hbm>>
    %dma_start3A_559 = tpu.memref_squeeze %dma_start3A_558 : memref<1x128x256xf32, #tpu.memory_space<hbm>> -> memref<128x256xf32, #tpu.memory_space<hbm>>
    tpu.enqueue_dma source(%arg4 : memref<128x256xf32, #tpu.memory_space<vmem>>) target(%dma_start3A_559 : memref<128x256xf32, #tpu.memory_space<hbm>>) target_semaphore(%arg10 : memref<!tpu.dma_semaphore, #tpu.memory_space<semaphore_mem>>)
    %dma_wait3A_560 = arith.constant 2688 : i32
    %dma_wait3A_561 = tpu.memref_slice %arg2[%select_n3A, %dma_wait3A_560, %mul3A_32] : memref<2x4096x4096xf32, #tpu.memory_space<hbm>> -> memref<1x128x256xf32, #tpu.memory_space<hbm>>
    %dma_wait3A_562 = tpu.memref_squeeze %dma_wait3A_561 : memref<1x128x256xf32, #tpu.memory_space<hbm>> -> memref<128x256xf32, #tpu.memory_space<hbm>>
    %dma_wait3A_563 = arith.constant 2688 : i32
    %dma_wait3A_564 = tpu.memref_slice %arg2[%select_n3A, %dma_wait3A_563, %mul3A_32] : memref<2x4096x4096xf32, #tpu.memory_space<hbm>> -> memref<1x128x256xf32, #tpu.memory_space<hbm>>
    %dma_wait3A_565 = tpu.memref_squeeze %dma_wait3A_564 : memref<1x128x256xf32, #tpu.memory_space<hbm>> -> memref<128x256xf32, #tpu.memory_space<hbm>>
    tpu.wait_dma2 semaphore(%arg9 : memref<!tpu.dma_semaphore, #tpu.memory_space<semaphore_mem>>) src(%dma_wait3A_565 : memref<128x256xf32, #tpu.memory_space<hbm>>) dst(%arg5 : memref<128x256xf32, #tpu.memory_space<vmem>>)
    %dma_start3A_566 = arith.constant 2816 : i32
    %dma_start3A_567 = tpu.memref_slice %arg2[%select_n3A, %dma_start3A_566, %mul3A_32] : memref<2x4096x4096xf32, #tpu.memory_space<hbm>> -> memref<1x128x256xf32, #tpu.memory_space<hbm>>
    %dma_start3A_568 = tpu.memref_squeeze %dma_start3A_567 : memref<1x128x256xf32, #tpu.memory_space<hbm>> -> memref<128x256xf32, #tpu.memory_space<hbm>>
    %dma_start3A_569 = arith.constant 2816 : i32
    %dma_start3A_570 = tpu.memref_slice %arg2[%select_n3A, %dma_start3A_569, %mul3A_32] : memref<2x4096x4096xf32, #tpu.memory_space<hbm>> -> memref<1x128x256xf32, #tpu.memory_space<hbm>>
    %dma_start3A_571 = tpu.memref_squeeze %dma_start3A_570 : memref<1x128x256xf32, #tpu.memory_space<hbm>> -> memref<128x256xf32, #tpu.memory_space<hbm>>
    tpu.enqueue_dma source(%dma_start3A_571 : memref<128x256xf32, #tpu.memory_space<hbm>>) target(%arg4 : memref<128x256xf32, #tpu.memory_space<vmem>>) target_semaphore(%arg8 : memref<!tpu.dma_semaphore, #tpu.memory_space<semaphore_mem>>)
    %dma_wait3A_572 = arith.constant 2432 : i32
    %dma_wait3A_573 = tpu.memref_slice %arg3[%select_n3A, %dma_wait3A_572, %mul3A_32] : memref<2x4096x4096xf32, #tpu.memory_space<hbm>> -> memref<1x128x256xf32, #tpu.memory_space<hbm>>
    %dma_wait3A_574 = tpu.memref_squeeze %dma_wait3A_573 : memref<1x128x256xf32, #tpu.memory_space<hbm>> -> memref<128x256xf32, #tpu.memory_space<hbm>>
    %dma_wait3A_575 = arith.constant 2432 : i32
    %dma_wait3A_576 = tpu.memref_slice %arg3[%select_n3A, %dma_wait3A_575, %mul3A_32] : memref<2x4096x4096xf32, #tpu.memory_space<hbm>> -> memref<1x128x256xf32, #tpu.memory_space<hbm>>
    %dma_wait3A_577 = tpu.memref_squeeze %dma_wait3A_576 : memref<1x128x256xf32, #tpu.memory_space<hbm>> -> memref<128x256xf32, #tpu.memory_space<hbm>>
    tpu.wait_dma2 semaphore(%arg11 : memref<!tpu.dma_semaphore, #tpu.memory_space<semaphore_mem>>) src(%arg5 : memref<128x256xf32, #tpu.memory_space<vmem>>) dst(%dma_wait3A_577 : memref<128x256xf32, #tpu.memory_space<hbm>>)
    %dma_start3A_578 = arith.constant 2688 : i32
    %dma_start3A_579 = tpu.memref_slice %arg3[%select_n3A, %dma_start3A_578, %mul3A_32] : memref<2x4096x4096xf32, #tpu.memory_space<hbm>> -> memref<1x128x256xf32, #tpu.memory_space<hbm>>
    %dma_start3A_580 = tpu.memref_squeeze %dma_start3A_579 : memref<1x128x256xf32, #tpu.memory_space<hbm>> -> memref<128x256xf32, #tpu.memory_space<hbm>>
    %dma_start3A_581 = arith.constant 2688 : i32
    %dma_start3A_582 = tpu.memref_slice %arg3[%select_n3A, %dma_start3A_581, %mul3A_32] : memref<2x4096x4096xf32, #tpu.memory_space<hbm>> -> memref<1x128x256xf32, #tpu.memory_space<hbm>>
    %dma_start3A_583 = tpu.memref_squeeze %dma_start3A_582 : memref<1x128x256xf32, #tpu.memory_space<hbm>> -> memref<128x256xf32, #tpu.memory_space<hbm>>
    tpu.enqueue_dma source(%arg5 : memref<128x256xf32, #tpu.memory_space<vmem>>) target(%dma_start3A_583 : memref<128x256xf32, #tpu.memory_space<hbm>>) target_semaphore(%arg11 : memref<!tpu.dma_semaphore, #tpu.memory_space<semaphore_mem>>)
    %dma_wait3A_584 = arith.constant 2816 : i32
    %dma_wait3A_585 = tpu.memref_slice %arg2[%select_n3A, %dma_wait3A_584, %mul3A_32] : memref<2x4096x4096xf32, #tpu.memory_space<hbm>> -> memref<1x128x256xf32, #tpu.memory_space<hbm>>
    %dma_wait3A_586 = tpu.memref_squeeze %dma_wait3A_585 : memref<1x128x256xf32, #tpu.memory_space<hbm>> -> memref<128x256xf32, #tpu.memory_space<hbm>>
    %dma_wait3A_587 = arith.constant 2816 : i32
    %dma_wait3A_588 = tpu.memref_slice %arg2[%select_n3A, %dma_wait3A_587, %mul3A_32] : memref<2x4096x4096xf32, #tpu.memory_space<hbm>> -> memref<1x128x256xf32, #tpu.memory_space<hbm>>
    %dma_wait3A_589 = tpu.memref_squeeze %dma_wait3A_588 : memref<1x128x256xf32, #tpu.memory_space<hbm>> -> memref<128x256xf32, #tpu.memory_space<hbm>>
    tpu.wait_dma2 semaphore(%arg8 : memref<!tpu.dma_semaphore, #tpu.memory_space<semaphore_mem>>) src(%dma_wait3A_589 : memref<128x256xf32, #tpu.memory_space<hbm>>) dst(%arg4 : memref<128x256xf32, #tpu.memory_space<vmem>>)
    %dma_start3A_590 = arith.constant 2944 : i32
    %dma_start3A_591 = tpu.memref_slice %arg2[%select_n3A, %dma_start3A_590, %mul3A_32] : memref<2x4096x4096xf32, #tpu.memory_space<hbm>> -> memref<1x128x256xf32, #tpu.memory_space<hbm>>
    %dma_start3A_592 = tpu.memref_squeeze %dma_start3A_591 : memref<1x128x256xf32, #tpu.memory_space<hbm>> -> memref<128x256xf32, #tpu.memory_space<hbm>>
    %dma_start3A_593 = arith.constant 2944 : i32
    %dma_start3A_594 = tpu.memref_slice %arg2[%select_n3A, %dma_start3A_593, %mul3A_32] : memref<2x4096x4096xf32, #tpu.memory_space<hbm>> -> memref<1x128x256xf32, #tpu.memory_space<hbm>>
    %dma_start3A_595 = tpu.memref_squeeze %dma_start3A_594 : memref<1x128x256xf32, #tpu.memory_space<hbm>> -> memref<128x256xf32, #tpu.memory_space<hbm>>
    tpu.enqueue_dma source(%dma_start3A_595 : memref<128x256xf32, #tpu.memory_space<hbm>>) target(%arg5 : memref<128x256xf32, #tpu.memory_space<vmem>>) target_semaphore(%arg9 : memref<!tpu.dma_semaphore, #tpu.memory_space<semaphore_mem>>)
    %dma_wait3A_596 = arith.constant 2560 : i32
    %dma_wait3A_597 = tpu.memref_slice %arg3[%select_n3A, %dma_wait3A_596, %mul3A_32] : memref<2x4096x4096xf32, #tpu.memory_space<hbm>> -> memref<1x128x256xf32, #tpu.memory_space<hbm>>
    %dma_wait3A_598 = tpu.memref_squeeze %dma_wait3A_597 : memref<1x128x256xf32, #tpu.memory_space<hbm>> -> memref<128x256xf32, #tpu.memory_space<hbm>>
    %dma_wait3A_599 = arith.constant 2560 : i32
    %dma_wait3A_600 = tpu.memref_slice %arg3[%select_n3A, %dma_wait3A_599, %mul3A_32] : memref<2x4096x4096xf32, #tpu.memory_space<hbm>> -> memref<1x128x256xf32, #tpu.memory_space<hbm>>
    %dma_wait3A_601 = tpu.memref_squeeze %dma_wait3A_600 : memref<1x128x256xf32, #tpu.memory_space<hbm>> -> memref<128x256xf32, #tpu.memory_space<hbm>>
    tpu.wait_dma2 semaphore(%arg10 : memref<!tpu.dma_semaphore, #tpu.memory_space<semaphore_mem>>) src(%arg4 : memref<128x256xf32, #tpu.memory_space<vmem>>) dst(%dma_wait3A_601 : memref<128x256xf32, #tpu.memory_space<hbm>>)
    %dma_start3A_602 = arith.constant 2816 : i32
    %dma_start3A_603 = tpu.memref_slice %arg3[%select_n3A, %dma_start3A_602, %mul3A_32] : memref<2x4096x4096xf32, #tpu.memory_space<hbm>> -> memref<1x128x256xf32, #tpu.memory_space<hbm>>
    %dma_start3A_604 = tpu.memref_squeeze %dma_start3A_603 : memref<1x128x256xf32, #tpu.memory_space<hbm>> -> memref<128x256xf32, #tpu.memory_space<hbm>>
    %dma_start3A_605 = arith.constant 2816 : i32
    %dma_start3A_606 = tpu.memref_slice %arg3[%select_n3A, %dma_start3A_605, %mul3A_32] : memref<2x4096x4096xf32, #tpu.memory_space<hbm>> -> memref<1x128x256xf32, #tpu.memory_space<hbm>>
    %dma_start3A_607 = tpu.memref_squeeze %dma_start3A_606 : memref<1x128x256xf32, #tpu.memory_space<hbm>> -> memref<128x256xf32, #tpu.memory_space<hbm>>
    tpu.enqueue_dma source(%arg4 : memref<128x256xf32, #tpu.memory_space<vmem>>) target(%dma_start3A_607 : memref<128x256xf32, #tpu.memory_space<hbm>>) target_semaphore(%arg10 : memref<!tpu.dma_semaphore, #tpu.memory_space<semaphore_mem>>)
    %dma_wait3A_608 = arith.constant 2944 : i32
    %dma_wait3A_609 = tpu.memref_slice %arg2[%select_n3A, %dma_wait3A_608, %mul3A_32] : memref<2x4096x4096xf32, #tpu.memory_space<hbm>> -> memref<1x128x256xf32, #tpu.memory_space<hbm>>
    %dma_wait3A_610 = tpu.memref_squeeze %dma_wait3A_609 : memref<1x128x256xf32, #tpu.memory_space<hbm>> -> memref<128x256xf32, #tpu.memory_space<hbm>>
    %dma_wait3A_611 = arith.constant 2944 : i32
    %dma_wait3A_612 = tpu.memref_slice %arg2[%select_n3A, %dma_wait3A_611, %mul3A_32] : memref<2x4096x4096xf32, #tpu.memory_space<hbm>> -> memref<1x128x256xf32, #tpu.memory_space<hbm>>
    %dma_wait3A_613 = tpu.memref_squeeze %dma_wait3A_612 : memref<1x128x256xf32, #tpu.memory_space<hbm>> -> memref<128x256xf32, #tpu.memory_space<hbm>>
    tpu.wait_dma2 semaphore(%arg9 : memref<!tpu.dma_semaphore, #tpu.memory_space<semaphore_mem>>) src(%dma_wait3A_613 : memref<128x256xf32, #tpu.memory_space<hbm>>) dst(%arg5 : memref<128x256xf32, #tpu.memory_space<vmem>>)
    %dma_start3A_614 = arith.constant 3072 : i32
    %dma_start3A_615 = tpu.memref_slice %arg2[%select_n3A, %dma_start3A_614, %mul3A_32] : memref<2x4096x4096xf32, #tpu.memory_space<hbm>> -> memref<1x128x256xf32, #tpu.memory_space<hbm>>
    %dma_start3A_616 = tpu.memref_squeeze %dma_start3A_615 : memref<1x128x256xf32, #tpu.memory_space<hbm>> -> memref<128x256xf32, #tpu.memory_space<hbm>>
    %dma_start3A_617 = arith.constant 3072 : i32
    %dma_start3A_618 = tpu.memref_slice %arg2[%select_n3A, %dma_start3A_617, %mul3A_32] : memref<2x4096x4096xf32, #tpu.memory_space<hbm>> -> memref<1x128x256xf32, #tpu.memory_space<hbm>>
    %dma_start3A_619 = tpu.memref_squeeze %dma_start3A_618 : memref<1x128x256xf32, #tpu.memory_space<hbm>> -> memref<128x256xf32, #tpu.memory_space<hbm>>
    tpu.enqueue_dma source(%dma_start3A_619 : memref<128x256xf32, #tpu.memory_space<hbm>>) target(%arg4 : memref<128x256xf32, #tpu.memory_space<vmem>>) target_semaphore(%arg8 : memref<!tpu.dma_semaphore, #tpu.memory_space<semaphore_mem>>)
    %dma_wait3A_620 = arith.constant 2688 : i32
    %dma_wait3A_621 = tpu.memref_slice %arg3[%select_n3A, %dma_wait3A_620, %mul3A_32] : memref<2x4096x4096xf32, #tpu.memory_space<hbm>> -> memref<1x128x256xf32, #tpu.memory_space<hbm>>
    %dma_wait3A_622 = tpu.memref_squeeze %dma_wait3A_621 : memref<1x128x256xf32, #tpu.memory_space<hbm>> -> memref<128x256xf32, #tpu.memory_space<hbm>>
    %dma_wait3A_623 = arith.constant 2688 : i32
    %dma_wait3A_624 = tpu.memref_slice %arg3[%select_n3A, %dma_wait3A_623, %mul3A_32] : memref<2x4096x4096xf32, #tpu.memory_space<hbm>> -> memref<1x128x256xf32, #tpu.memory_space<hbm>>
    %dma_wait3A_625 = tpu.memref_squeeze %dma_wait3A_624 : memref<1x128x256xf32, #tpu.memory_space<hbm>> -> memref<128x256xf32, #tpu.memory_space<hbm>>
    tpu.wait_dma2 semaphore(%arg11 : memref<!tpu.dma_semaphore, #tpu.memory_space<semaphore_mem>>) src(%arg5 : memref<128x256xf32, #tpu.memory_space<vmem>>) dst(%dma_wait3A_625 : memref<128x256xf32, #tpu.memory_space<hbm>>)
    %dma_start3A_626 = arith.constant 2944 : i32
    %dma_start3A_627 = tpu.memref_slice %arg3[%select_n3A, %dma_start3A_626, %mul3A_32] : memref<2x4096x4096xf32, #tpu.memory_space<hbm>> -> memref<1x128x256xf32, #tpu.memory_space<hbm>>
    %dma_start3A_628 = tpu.memref_squeeze %dma_start3A_627 : memref<1x128x256xf32, #tpu.memory_space<hbm>> -> memref<128x256xf32, #tpu.memory_space<hbm>>
    %dma_start3A_629 = arith.constant 2944 : i32
    %dma_start3A_630 = tpu.memref_slice %arg3[%select_n3A, %dma_start3A_629, %mul3A_32] : memref<2x4096x4096xf32, #tpu.memory_space<hbm>> -> memref<1x128x256xf32, #tpu.memory_space<hbm>>
    %dma_start3A_631 = tpu.memref_squeeze %dma_start3A_630 : memref<1x128x256xf32, #tpu.memory_space<hbm>> -> memref<128x256xf32, #tpu.memory_space<hbm>>
    tpu.enqueue_dma source(%arg5 : memref<128x256xf32, #tpu.memory_space<vmem>>) target(%dma_start3A_631 : memref<128x256xf32, #tpu.memory_space<hbm>>) target_semaphore(%arg11 : memref<!tpu.dma_semaphore, #tpu.memory_space<semaphore_mem>>)
    %dma_wait3A_632 = arith.constant 3072 : i32
    %dma_wait3A_633 = tpu.memref_slice %arg2[%select_n3A, %dma_wait3A_632, %mul3A_32] : memref<2x4096x4096xf32, #tpu.memory_space<hbm>> -> memref<1x128x256xf32, #tpu.memory_space<hbm>>
    %dma_wait3A_634 = tpu.memref_squeeze %dma_wait3A_633 : memref<1x128x256xf32, #tpu.memory_space<hbm>> -> memref<128x256xf32, #tpu.memory_space<hbm>>
    %dma_wait3A_635 = arith.constant 3072 : i32
    %dma_wait3A_636 = tpu.memref_slice %arg2[%select_n3A, %dma_wait3A_635, %mul3A_32] : memref<2x4096x4096xf32, #tpu.memory_space<hbm>> -> memref<1x128x256xf32, #tpu.memory_space<hbm>>
    %dma_wait3A_637 = tpu.memref_squeeze %dma_wait3A_636 : memref<1x128x256xf32, #tpu.memory_space<hbm>> -> memref<128x256xf32, #tpu.memory_space<hbm>>
    tpu.wait_dma2 semaphore(%arg8 : memref<!tpu.dma_semaphore, #tpu.memory_space<semaphore_mem>>) src(%dma_wait3A_637 : memref<128x256xf32, #tpu.memory_space<hbm>>) dst(%arg4 : memref<128x256xf32, #tpu.memory_space<vmem>>)
    %dma_start3A_638 = arith.constant 3200 : i32
    %dma_start3A_639 = tpu.memref_slice %arg2[%select_n3A, %dma_start3A_638, %mul3A_32] : memref<2x4096x4096xf32, #tpu.memory_space<hbm>> -> memref<1x128x256xf32, #tpu.memory_space<hbm>>
    %dma_start3A_640 = tpu.memref_squeeze %dma_start3A_639 : memref<1x128x256xf32, #tpu.memory_space<hbm>> -> memref<128x256xf32, #tpu.memory_space<hbm>>
    %dma_start3A_641 = arith.constant 3200 : i32
    %dma_start3A_642 = tpu.memref_slice %arg2[%select_n3A, %dma_start3A_641, %mul3A_32] : memref<2x4096x4096xf32, #tpu.memory_space<hbm>> -> memref<1x128x256xf32, #tpu.memory_space<hbm>>
    %dma_start3A_643 = tpu.memref_squeeze %dma_start3A_642 : memref<1x128x256xf32, #tpu.memory_space<hbm>> -> memref<128x256xf32, #tpu.memory_space<hbm>>
    tpu.enqueue_dma source(%dma_start3A_643 : memref<128x256xf32, #tpu.memory_space<hbm>>) target(%arg5 : memref<128x256xf32, #tpu.memory_space<vmem>>) target_semaphore(%arg9 : memref<!tpu.dma_semaphore, #tpu.memory_space<semaphore_mem>>)
    %dma_wait3A_644 = arith.constant 2816 : i32
    %dma_wait3A_645 = tpu.memref_slice %arg3[%select_n3A, %dma_wait3A_644, %mul3A_32] : memref<2x4096x4096xf32, #tpu.memory_space<hbm>> -> memref<1x128x256xf32, #tpu.memory_space<hbm>>
    %dma_wait3A_646 = tpu.memref_squeeze %dma_wait3A_645 : memref<1x128x256xf32, #tpu.memory_space<hbm>> -> memref<128x256xf32, #tpu.memory_space<hbm>>
    %dma_wait3A_647 = arith.constant 2816 : i32
    %dma_wait3A_648 = tpu.memref_slice %arg3[%select_n3A, %dma_wait3A_647, %mul3A_32] : memref<2x4096x4096xf32, #tpu.memory_space<hbm>> -> memref<1x128x256xf32, #tpu.memory_space<hbm>>
    %dma_wait3A_649 = tpu.memref_squeeze %dma_wait3A_648 : memref<1x128x256xf32, #tpu.memory_space<hbm>> -> memref<128x256xf32, #tpu.memory_space<hbm>>
    tpu.wait_dma2 semaphore(%arg10 : memref<!tpu.dma_semaphore, #tpu.memory_space<semaphore_mem>>) src(%arg4 : memref<128x256xf32, #tpu.memory_space<vmem>>) dst(%dma_wait3A_649 : memref<128x256xf32, #tpu.memory_space<hbm>>)
    %dma_start3A_650 = arith.constant 3072 : i32
    %dma_start3A_651 = tpu.memref_slice %arg3[%select_n3A, %dma_start3A_650, %mul3A_32] : memref<2x4096x4096xf32, #tpu.memory_space<hbm>> -> memref<1x128x256xf32, #tpu.memory_space<hbm>>
    %dma_start3A_652 = tpu.memref_squeeze %dma_start3A_651 : memref<1x128x256xf32, #tpu.memory_space<hbm>> -> memref<128x256xf32, #tpu.memory_space<hbm>>
    %dma_start3A_653 = arith.constant 3072 : i32
    %dma_start3A_654 = tpu.memref_slice %arg3[%select_n3A, %dma_start3A_653, %mul3A_32] : memref<2x4096x4096xf32, #tpu.memory_space<hbm>> -> memref<1x128x256xf32, #tpu.memory_space<hbm>>
    %dma_start3A_655 = tpu.memref_squeeze %dma_start3A_654 : memref<1x128x256xf32, #tpu.memory_space<hbm>> -> memref<128x256xf32, #tpu.memory_space<hbm>>
    tpu.enqueue_dma source(%arg4 : memref<128x256xf32, #tpu.memory_space<vmem>>) target(%dma_start3A_655 : memref<128x256xf32, #tpu.memory_space<hbm>>) target_semaphore(%arg10 : memref<!tpu.dma_semaphore, #tpu.memory_space<semaphore_mem>>)
    %dma_wait3A_656 = arith.constant 3200 : i32
    %dma_wait3A_657 = tpu.memref_slice %arg2[%select_n3A, %dma_wait3A_656, %mul3A_32] : memref<2x4096x4096xf32, #tpu.memory_space<hbm>> -> memref<1x128x256xf32, #tpu.memory_space<hbm>>
    %dma_wait3A_658 = tpu.memref_squeeze %dma_wait3A_657 : memref<1x128x256xf32, #tpu.memory_space<hbm>> -> memref<128x256xf32, #tpu.memory_space<hbm>>
    %dma_wait3A_659 = arith.constant 3200 : i32
    %dma_wait3A_660 = tpu.memref_slice %arg2[%select_n3A, %dma_wait3A_659, %mul3A_32] : memref<2x4096x4096xf32, #tpu.memory_space<hbm>> -> memref<1x128x256xf32, #tpu.memory_space<hbm>>
    %dma_wait3A_661 = tpu.memref_squeeze %dma_wait3A_660 : memref<1x128x256xf32, #tpu.memory_space<hbm>> -> memref<128x256xf32, #tpu.memory_space<hbm>>
    tpu.wait_dma2 semaphore(%arg9 : memref<!tpu.dma_semaphore, #tpu.memory_space<semaphore_mem>>) src(%dma_wait3A_661 : memref<128x256xf32, #tpu.memory_space<hbm>>) dst(%arg5 : memref<128x256xf32, #tpu.memory_space<vmem>>)
    %dma_start3A_662 = arith.constant 3328 : i32
    %dma_start3A_663 = tpu.memref_slice %arg2[%select_n3A, %dma_start3A_662, %mul3A_32] : memref<2x4096x4096xf32, #tpu.memory_space<hbm>> -> memref<1x128x256xf32, #tpu.memory_space<hbm>>
    %dma_start3A_664 = tpu.memref_squeeze %dma_start3A_663 : memref<1x128x256xf32, #tpu.memory_space<hbm>> -> memref<128x256xf32, #tpu.memory_space<hbm>>
    %dma_start3A_665 = arith.constant 3328 : i32
    %dma_start3A_666 = tpu.memref_slice %arg2[%select_n3A, %dma_start3A_665, %mul3A_32] : memref<2x4096x4096xf32, #tpu.memory_space<hbm>> -> memref<1x128x256xf32, #tpu.memory_space<hbm>>
    %dma_start3A_667 = tpu.memref_squeeze %dma_start3A_666 : memref<1x128x256xf32, #tpu.memory_space<hbm>> -> memref<128x256xf32, #tpu.memory_space<hbm>>
    tpu.enqueue_dma source(%dma_start3A_667 : memref<128x256xf32, #tpu.memory_space<hbm>>) target(%arg4 : memref<128x256xf32, #tpu.memory_space<vmem>>) target_semaphore(%arg8 : memref<!tpu.dma_semaphore, #tpu.memory_space<semaphore_mem>>)
    %dma_wait3A_668 = arith.constant 2944 : i32
    %dma_wait3A_669 = tpu.memref_slice %arg3[%select_n3A, %dma_wait3A_668, %mul3A_32] : memref<2x4096x4096xf32, #tpu.memory_space<hbm>> -> memref<1x128x256xf32, #tpu.memory_space<hbm>>
    %dma_wait3A_670 = tpu.memref_squeeze %dma_wait3A_669 : memref<1x128x256xf32, #tpu.memory_space<hbm>> -> memref<128x256xf32, #tpu.memory_space<hbm>>
    %dma_wait3A_671 = arith.constant 2944 : i32
    %dma_wait3A_672 = tpu.memref_slice %arg3[%select_n3A, %dma_wait3A_671, %mul3A_32] : memref<2x4096x4096xf32, #tpu.memory_space<hbm>> -> memref<1x128x256xf32, #tpu.memory_space<hbm>>
    %dma_wait3A_673 = tpu.memref_squeeze %dma_wait3A_672 : memref<1x128x256xf32, #tpu.memory_space<hbm>> -> memref<128x256xf32, #tpu.memory_space<hbm>>
    tpu.wait_dma2 semaphore(%arg11 : memref<!tpu.dma_semaphore, #tpu.memory_space<semaphore_mem>>) src(%arg5 : memref<128x256xf32, #tpu.memory_space<vmem>>) dst(%dma_wait3A_673 : memref<128x256xf32, #tpu.memory_space<hbm>>)
    %dma_start3A_674 = arith.constant 3200 : i32
    %dma_start3A_675 = tpu.memref_slice %arg3[%select_n3A, %dma_start3A_674, %mul3A_32] : memref<2x4096x4096xf32, #tpu.memory_space<hbm>> -> memref<1x128x256xf32, #tpu.memory_space<hbm>>
    %dma_start3A_676 = tpu.memref_squeeze %dma_start3A_675 : memref<1x128x256xf32, #tpu.memory_space<hbm>> -> memref<128x256xf32, #tpu.memory_space<hbm>>
    %dma_start3A_677 = arith.constant 3200 : i32
    %dma_start3A_678 = tpu.memref_slice %arg3[%select_n3A, %dma_start3A_677, %mul3A_32] : memref<2x4096x4096xf32, #tpu.memory_space<hbm>> -> memref<1x128x256xf32, #tpu.memory_space<hbm>>
    %dma_start3A_679 = tpu.memref_squeeze %dma_start3A_678 : memref<1x128x256xf32, #tpu.memory_space<hbm>> -> memref<128x256xf32, #tpu.memory_space<hbm>>
    tpu.enqueue_dma source(%arg5 : memref<128x256xf32, #tpu.memory_space<vmem>>) target(%dma_start3A_679 : memref<128x256xf32, #tpu.memory_space<hbm>>) target_semaphore(%arg11 : memref<!tpu.dma_semaphore, #tpu.memory_space<semaphore_mem>>)
    %dma_wait3A_680 = arith.constant 3328 : i32
    %dma_wait3A_681 = tpu.memref_slice %arg2[%select_n3A, %dma_wait3A_680, %mul3A_32] : memref<2x4096x4096xf32, #tpu.memory_space<hbm>> -> memref<1x128x256xf32, #tpu.memory_space<hbm>>
    %dma_wait3A_682 = tpu.memref_squeeze %dma_wait3A_681 : memref<1x128x256xf32, #tpu.memory_space<hbm>> -> memref<128x256xf32, #tpu.memory_space<hbm>>
    %dma_wait3A_683 = arith.constant 3328 : i32
    %dma_wait3A_684 = tpu.memref_slice %arg2[%select_n3A, %dma_wait3A_683, %mul3A_32] : memref<2x4096x4096xf32, #tpu.memory_space<hbm>> -> memref<1x128x256xf32, #tpu.memory_space<hbm>>
    %dma_wait3A_685 = tpu.memref_squeeze %dma_wait3A_684 : memref<1x128x256xf32, #tpu.memory_space<hbm>> -> memref<128x256xf32, #tpu.memory_space<hbm>>
    tpu.wait_dma2 semaphore(%arg8 : memref<!tpu.dma_semaphore, #tpu.memory_space<semaphore_mem>>) src(%dma_wait3A_685 : memref<128x256xf32, #tpu.memory_space<hbm>>) dst(%arg4 : memref<128x256xf32, #tpu.memory_space<vmem>>)
    %dma_start3A_686 = arith.constant 3456 : i32
    %dma_start3A_687 = tpu.memref_slice %arg2[%select_n3A, %dma_start3A_686, %mul3A_32] : memref<2x4096x4096xf32, #tpu.memory_space<hbm>> -> memref<1x128x256xf32, #tpu.memory_space<hbm>>
    %dma_start3A_688 = tpu.memref_squeeze %dma_start3A_687 : memref<1x128x256xf32, #tpu.memory_space<hbm>> -> memref<128x256xf32, #tpu.memory_space<hbm>>
    %dma_start3A_689 = arith.constant 3456 : i32
    %dma_start3A_690 = tpu.memref_slice %arg2[%select_n3A, %dma_start3A_689, %mul3A_32] : memref<2x4096x4096xf32, #tpu.memory_space<hbm>> -> memref<1x128x256xf32, #tpu.memory_space<hbm>>
    %dma_start3A_691 = tpu.memref_squeeze %dma_start3A_690 : memref<1x128x256xf32, #tpu.memory_space<hbm>> -> memref<128x256xf32, #tpu.memory_space<hbm>>
    tpu.enqueue_dma source(%dma_start3A_691 : memref<128x256xf32, #tpu.memory_space<hbm>>) target(%arg5 : memref<128x256xf32, #tpu.memory_space<vmem>>) target_semaphore(%arg9 : memref<!tpu.dma_semaphore, #tpu.memory_space<semaphore_mem>>)
    %dma_wait3A_692 = arith.constant 3072 : i32
    %dma_wait3A_693 = tpu.memref_slice %arg3[%select_n3A, %dma_wait3A_692, %mul3A_32] : memref<2x4096x4096xf32, #tpu.memory_space<hbm>> -> memref<1x128x256xf32, #tpu.memory_space<hbm>>
    %dma_wait3A_694 = tpu.memref_squeeze %dma_wait3A_693 : memref<1x128x256xf32, #tpu.memory_space<hbm>> -> memref<128x256xf32, #tpu.memory_space<hbm>>
    %dma_wait3A_695 = arith.constant 3072 : i32
    %dma_wait3A_696 = tpu.memref_slice %arg3[%select_n3A, %dma_wait3A_695, %mul3A_32] : memref<2x4096x4096xf32, #tpu.memory_space<hbm>> -> memref<1x128x256xf32, #tpu.memory_space<hbm>>
    %dma_wait3A_697 = tpu.memref_squeeze %dma_wait3A_696 : memref<1x128x256xf32, #tpu.memory_space<hbm>> -> memref<128x256xf32, #tpu.memory_space<hbm>>
    tpu.wait_dma2 semaphore(%arg10 : memref<!tpu.dma_semaphore, #tpu.memory_space<semaphore_mem>>) src(%arg4 : memref<128x256xf32, #tpu.memory_space<vmem>>) dst(%dma_wait3A_697 : memref<128x256xf32, #tpu.memory_space<hbm>>)
    %dma_start3A_698 = arith.constant 3328 : i32
    %dma_start3A_699 = tpu.memref_slice %arg3[%select_n3A, %dma_start3A_698, %mul3A_32] : memref<2x4096x4096xf32, #tpu.memory_space<hbm>> -> memref<1x128x256xf32, #tpu.memory_space<hbm>>
    %dma_start3A_700 = tpu.memref_squeeze %dma_start3A_699 : memref<1x128x256xf32, #tpu.memory_space<hbm>> -> memref<128x256xf32, #tpu.memory_space<hbm>>
    %dma_start3A_701 = arith.constant 3328 : i32
    %dma_start3A_702 = tpu.memref_slice %arg3[%select_n3A, %dma_start3A_701, %mul3A_32] : memref<2x4096x4096xf32, #tpu.memory_space<hbm>> -> memref<1x128x256xf32, #tpu.memory_space<hbm>>
    %dma_start3A_703 = tpu.memref_squeeze %dma_start3A_702 : memref<1x128x256xf32, #tpu.memory_space<hbm>> -> memref<128x256xf32, #tpu.memory_space<hbm>>
    tpu.enqueue_dma source(%arg4 : memref<128x256xf32, #tpu.memory_space<vmem>>) target(%dma_start3A_703 : memref<128x256xf32, #tpu.memory_space<hbm>>) target_semaphore(%arg10 : memref<!tpu.dma_semaphore, #tpu.memory_space<semaphore_mem>>)
    %dma_wait3A_704 = arith.constant 3456 : i32
    %dma_wait3A_705 = tpu.memref_slice %arg2[%select_n3A, %dma_wait3A_704, %mul3A_32] : memref<2x4096x4096xf32, #tpu.memory_space<hbm>> -> memref<1x128x256xf32, #tpu.memory_space<hbm>>
    %dma_wait3A_706 = tpu.memref_squeeze %dma_wait3A_705 : memref<1x128x256xf32, #tpu.memory_space<hbm>> -> memref<128x256xf32, #tpu.memory_space<hbm>>
    %dma_wait3A_707 = arith.constant 3456 : i32
    %dma_wait3A_708 = tpu.memref_slice %arg2[%select_n3A, %dma_wait3A_707, %mul3A_32] : memref<2x4096x4096xf32, #tpu.memory_space<hbm>> -> memref<1x128x256xf32, #tpu.memory_space<hbm>>
    %dma_wait3A_709 = tpu.memref_squeeze %dma_wait3A_708 : memref<1x128x256xf32, #tpu.memory_space<hbm>> -> memref<128x256xf32, #tpu.memory_space<hbm>>
    tpu.wait_dma2 semaphore(%arg9 : memref<!tpu.dma_semaphore, #tpu.memory_space<semaphore_mem>>) src(%dma_wait3A_709 : memref<128x256xf32, #tpu.memory_space<hbm>>) dst(%arg5 : memref<128x256xf32, #tpu.memory_space<vmem>>)
    %dma_start3A_710 = arith.constant 3584 : i32
    %dma_start3A_711 = tpu.memref_slice %arg2[%select_n3A, %dma_start3A_710, %mul3A_32] : memref<2x4096x4096xf32, #tpu.memory_space<hbm>> -> memref<1x128x256xf32, #tpu.memory_space<hbm>>
    %dma_start3A_712 = tpu.memref_squeeze %dma_start3A_711 : memref<1x128x256xf32, #tpu.memory_space<hbm>> -> memref<128x256xf32, #tpu.memory_space<hbm>>
    %dma_start3A_713 = arith.constant 3584 : i32
    %dma_start3A_714 = tpu.memref_slice %arg2[%select_n3A, %dma_start3A_713, %mul3A_32] : memref<2x4096x4096xf32, #tpu.memory_space<hbm>> -> memref<1x128x256xf32, #tpu.memory_space<hbm>>
    %dma_start3A_715 = tpu.memref_squeeze %dma_start3A_714 : memref<1x128x256xf32, #tpu.memory_space<hbm>> -> memref<128x256xf32, #tpu.memory_space<hbm>>
    tpu.enqueue_dma source(%dma_start3A_715 : memref<128x256xf32, #tpu.memory_space<hbm>>) target(%arg4 : memref<128x256xf32, #tpu.memory_space<vmem>>) target_semaphore(%arg8 : memref<!tpu.dma_semaphore, #tpu.memory_space<semaphore_mem>>)
    %dma_wait3A_716 = arith.constant 3200 : i32
    %dma_wait3A_717 = tpu.memref_slice %arg3[%select_n3A, %dma_wait3A_716, %mul3A_32] : memref<2x4096x4096xf32, #tpu.memory_space<hbm>> -> memref<1x128x256xf32, #tpu.memory_space<hbm>>
    %dma_wait3A_718 = tpu.memref_squeeze %dma_wait3A_717 : memref<1x128x256xf32, #tpu.memory_space<hbm>> -> memref<128x256xf32, #tpu.memory_space<hbm>>
    %dma_wait3A_719 = arith.constant 3200 : i32
    %dma_wait3A_720 = tpu.memref_slice %arg3[%select_n3A, %dma_wait3A_719, %mul3A_32] : memref<2x4096x4096xf32, #tpu.memory_space<hbm>> -> memref<1x128x256xf32, #tpu.memory_space<hbm>>
    %dma_wait3A_721 = tpu.memref_squeeze %dma_wait3A_720 : memref<1x128x256xf32, #tpu.memory_space<hbm>> -> memref<128x256xf32, #tpu.memory_space<hbm>>
    tpu.wait_dma2 semaphore(%arg11 : memref<!tpu.dma_semaphore, #tpu.memory_space<semaphore_mem>>) src(%arg5 : memref<128x256xf32, #tpu.memory_space<vmem>>) dst(%dma_wait3A_721 : memref<128x256xf32, #tpu.memory_space<hbm>>)
    %dma_start3A_722 = arith.constant 3456 : i32
    %dma_start3A_723 = tpu.memref_slice %arg3[%select_n3A, %dma_start3A_722, %mul3A_32] : memref<2x4096x4096xf32, #tpu.memory_space<hbm>> -> memref<1x128x256xf32, #tpu.memory_space<hbm>>
    %dma_start3A_724 = tpu.memref_squeeze %dma_start3A_723 : memref<1x128x256xf32, #tpu.memory_space<hbm>> -> memref<128x256xf32, #tpu.memory_space<hbm>>
    %dma_start3A_725 = arith.constant 3456 : i32
    %dma_start3A_726 = tpu.memref_slice %arg3[%select_n3A, %dma_start3A_725, %mul3A_32] : memref<2x4096x4096xf32, #tpu.memory_space<hbm>> -> memref<1x128x256xf32, #tpu.memory_space<hbm>>
    %dma_start3A_727 = tpu.memref_squeeze %dma_start3A_726 : memref<1x128x256xf32, #tpu.memory_space<hbm>> -> memref<128x256xf32, #tpu.memory_space<hbm>>
    tpu.enqueue_dma source(%arg5 : memref<128x256xf32, #tpu.memory_space<vmem>>) target(%dma_start3A_727 : memref<128x256xf32, #tpu.memory_space<hbm>>) target_semaphore(%arg11 : memref<!tpu.dma_semaphore, #tpu.memory_space<semaphore_mem>>)
    %dma_wait3A_728 = arith.constant 3584 : i32
    %dma_wait3A_729 = tpu.memref_slice %arg2[%select_n3A, %dma_wait3A_728, %mul3A_32] : memref<2x4096x4096xf32, #tpu.memory_space<hbm>> -> memref<1x128x256xf32, #tpu.memory_space<hbm>>
    %dma_wait3A_730 = tpu.memref_squeeze %dma_wait3A_729 : memref<1x128x256xf32, #tpu.memory_space<hbm>> -> memref<128x256xf32, #tpu.memory_space<hbm>>
    %dma_wait3A_731 = arith.constant 3584 : i32
    %dma_wait3A_732 = tpu.memref_slice %arg2[%select_n3A, %dma_wait3A_731, %mul3A_32] : memref<2x4096x4096xf32, #tpu.memory_space<hbm>> -> memref<1x128x256xf32, #tpu.memory_space<hbm>>
    %dma_wait3A_733 = tpu.memref_squeeze %dma_wait3A_732 : memref<1x128x256xf32, #tpu.memory_space<hbm>> -> memref<128x256xf32, #tpu.memory_space<hbm>>
    tpu.wait_dma2 semaphore(%arg8 : memref<!tpu.dma_semaphore, #tpu.memory_space<semaphore_mem>>) src(%dma_wait3A_733 : memref<128x256xf32, #tpu.memory_space<hbm>>) dst(%arg4 : memref<128x256xf32, #tpu.memory_space<vmem>>)
    %dma_start3A_734 = arith.constant 3712 : i32
    %dma_start3A_735 = tpu.memref_slice %arg2[%select_n3A, %dma_start3A_734, %mul3A_32] : memref<2x4096x4096xf32, #tpu.memory_space<hbm>> -> memref<1x128x256xf32, #tpu.memory_space<hbm>>
    %dma_start3A_736 = tpu.memref_squeeze %dma_start3A_735 : memref<1x128x256xf32, #tpu.memory_space<hbm>> -> memref<128x256xf32, #tpu.memory_space<hbm>>
    %dma_start3A_737 = arith.constant 3712 : i32
    %dma_start3A_738 = tpu.memref_slice %arg2[%select_n3A, %dma_start3A_737, %mul3A_32] : memref<2x4096x4096xf32, #tpu.memory_space<hbm>> -> memref<1x128x256xf32, #tpu.memory_space<hbm>>
    %dma_start3A_739 = tpu.memref_squeeze %dma_start3A_738 : memref<1x128x256xf32, #tpu.memory_space<hbm>> -> memref<128x256xf32, #tpu.memory_space<hbm>>
    tpu.enqueue_dma source(%dma_start3A_739 : memref<128x256xf32, #tpu.memory_space<hbm>>) target(%arg5 : memref<128x256xf32, #tpu.memory_space<vmem>>) target_semaphore(%arg9 : memref<!tpu.dma_semaphore, #tpu.memory_space<semaphore_mem>>)
    %dma_wait3A_740 = arith.constant 3328 : i32
    %dma_wait3A_741 = tpu.memref_slice %arg3[%select_n3A, %dma_wait3A_740, %mul3A_32] : memref<2x4096x4096xf32, #tpu.memory_space<hbm>> -> memref<1x128x256xf32, #tpu.memory_space<hbm>>
    %dma_wait3A_742 = tpu.memref_squeeze %dma_wait3A_741 : memref<1x128x256xf32, #tpu.memory_space<hbm>> -> memref<128x256xf32, #tpu.memory_space<hbm>>
    %dma_wait3A_743 = arith.constant 3328 : i32
    %dma_wait3A_744 = tpu.memref_slice %arg3[%select_n3A, %dma_wait3A_743, %mul3A_32] : memref<2x4096x4096xf32, #tpu.memory_space<hbm>> -> memref<1x128x256xf32, #tpu.memory_space<hbm>>
    %dma_wait3A_745 = tpu.memref_squeeze %dma_wait3A_744 : memref<1x128x256xf32, #tpu.memory_space<hbm>> -> memref<128x256xf32, #tpu.memory_space<hbm>>
    tpu.wait_dma2 semaphore(%arg10 : memref<!tpu.dma_semaphore, #tpu.memory_space<semaphore_mem>>) src(%arg4 : memref<128x256xf32, #tpu.memory_space<vmem>>) dst(%dma_wait3A_745 : memref<128x256xf32, #tpu.memory_space<hbm>>)
    %dma_start3A_746 = arith.constant 3584 : i32
    %dma_start3A_747 = tpu.memref_slice %arg3[%select_n3A, %dma_start3A_746, %mul3A_32] : memref<2x4096x4096xf32, #tpu.memory_space<hbm>> -> memref<1x128x256xf32, #tpu.memory_space<hbm>>
    %dma_start3A_748 = tpu.memref_squeeze %dma_start3A_747 : memref<1x128x256xf32, #tpu.memory_space<hbm>> -> memref<128x256xf32, #tpu.memory_space<hbm>>
    %dma_start3A_749 = arith.constant 3584 : i32
    %dma_start3A_750 = tpu.memref_slice %arg3[%select_n3A, %dma_start3A_749, %mul3A_32] : memref<2x4096x4096xf32, #tpu.memory_space<hbm>> -> memref<1x128x256xf32, #tpu.memory_space<hbm>>
    %dma_start3A_751 = tpu.memref_squeeze %dma_start3A_750 : memref<1x128x256xf32, #tpu.memory_space<hbm>> -> memref<128x256xf32, #tpu.memory_space<hbm>>
    tpu.enqueue_dma source(%arg4 : memref<128x256xf32, #tpu.memory_space<vmem>>) target(%dma_start3A_751 : memref<128x256xf32, #tpu.memory_space<hbm>>) target_semaphore(%arg10 : memref<!tpu.dma_semaphore, #tpu.memory_space<semaphore_mem>>)
    %dma_wait3A_752 = arith.constant 3712 : i32
    %dma_wait3A_753 = tpu.memref_slice %arg2[%select_n3A, %dma_wait3A_752, %mul3A_32] : memref<2x4096x4096xf32, #tpu.memory_space<hbm>> -> memref<1x128x256xf32, #tpu.memory_space<hbm>>
    %dma_wait3A_754 = tpu.memref_squeeze %dma_wait3A_753 : memref<1x128x256xf32, #tpu.memory_space<hbm>> -> memref<128x256xf32, #tpu.memory_space<hbm>>
    %dma_wait3A_755 = arith.constant 3712 : i32
    %dma_wait3A_756 = tpu.memref_slice %arg2[%select_n3A, %dma_wait3A_755, %mul3A_32] : memref<2x4096x4096xf32, #tpu.memory_space<hbm>> -> memref<1x128x256xf32, #tpu.memory_space<hbm>>
    %dma_wait3A_757 = tpu.memref_squeeze %dma_wait3A_756 : memref<1x128x256xf32, #tpu.memory_space<hbm>> -> memref<128x256xf32, #tpu.memory_space<hbm>>
    tpu.wait_dma2 semaphore(%arg9 : memref<!tpu.dma_semaphore, #tpu.memory_space<semaphore_mem>>) src(%dma_wait3A_757 : memref<128x256xf32, #tpu.memory_space<hbm>>) dst(%arg5 : memref<128x256xf32, #tpu.memory_space<vmem>>)
    %dma_start3A_758 = arith.constant 3840 : i32
    %dma_start3A_759 = tpu.memref_slice %arg2[%select_n3A, %dma_start3A_758, %mul3A_32] : memref<2x4096x4096xf32, #tpu.memory_space<hbm>> -> memref<1x128x256xf32, #tpu.memory_space<hbm>>
    %dma_start3A_760 = tpu.memref_squeeze %dma_start3A_759 : memref<1x128x256xf32, #tpu.memory_space<hbm>> -> memref<128x256xf32, #tpu.memory_space<hbm>>
    %dma_start3A_761 = arith.constant 3840 : i32
    %dma_start3A_762 = tpu.memref_slice %arg2[%select_n3A, %dma_start3A_761, %mul3A_32] : memref<2x4096x4096xf32, #tpu.memory_space<hbm>> -> memref<1x128x256xf32, #tpu.memory_space<hbm>>
    %dma_start3A_763 = tpu.memref_squeeze %dma_start3A_762 : memref<1x128x256xf32, #tpu.memory_space<hbm>> -> memref<128x256xf32, #tpu.memory_space<hbm>>
    tpu.enqueue_dma source(%dma_start3A_763 : memref<128x256xf32, #tpu.memory_space<hbm>>) target(%arg4 : memref<128x256xf32, #tpu.memory_space<vmem>>) target_semaphore(%arg8 : memref<!tpu.dma_semaphore, #tpu.memory_space<semaphore_mem>>)
    %dma_wait3A_764 = arith.constant 3456 : i32
    %dma_wait3A_765 = tpu.memref_slice %arg3[%select_n3A, %dma_wait3A_764, %mul3A_32] : memref<2x4096x4096xf32, #tpu.memory_space<hbm>> -> memref<1x128x256xf32, #tpu.memory_space<hbm>>
    %dma_wait3A_766 = tpu.memref_squeeze %dma_wait3A_765 : memref<1x128x256xf32, #tpu.memory_space<hbm>> -> memref<128x256xf32, #tpu.memory_space<hbm>>
    %dma_wait3A_767 = arith.constant 3456 : i32
    %dma_wait3A_768 = tpu.memref_slice %arg3[%select_n3A, %dma_wait3A_767, %mul3A_32] : memref<2x4096x4096xf32, #tpu.memory_space<hbm>> -> memref<1x128x256xf32, #tpu.memory_space<hbm>>
    %dma_wait3A_769 = tpu.memref_squeeze %dma_wait3A_768 : memref<1x128x256xf32, #tpu.memory_space<hbm>> -> memref<128x256xf32, #tpu.memory_space<hbm>>
    tpu.wait_dma2 semaphore(%arg11 : memref<!tpu.dma_semaphore, #tpu.memory_space<semaphore_mem>>) src(%arg5 : memref<128x256xf32, #tpu.memory_space<vmem>>) dst(%dma_wait3A_769 : memref<128x256xf32, #tpu.memory_space<hbm>>)
    %dma_start3A_770 = arith.constant 3712 : i32
    %dma_start3A_771 = tpu.memref_slice %arg3[%select_n3A, %dma_start3A_770, %mul3A_32] : memref<2x4096x4096xf32, #tpu.memory_space<hbm>> -> memref<1x128x256xf32, #tpu.memory_space<hbm>>
    %dma_start3A_772 = tpu.memref_squeeze %dma_start3A_771 : memref<1x128x256xf32, #tpu.memory_space<hbm>> -> memref<128x256xf32, #tpu.memory_space<hbm>>
    %dma_start3A_773 = arith.constant 3712 : i32
    %dma_start3A_774 = tpu.memref_slice %arg3[%select_n3A, %dma_start3A_773, %mul3A_32] : memref<2x4096x4096xf32, #tpu.memory_space<hbm>> -> memref<1x128x256xf32, #tpu.memory_space<hbm>>
    %dma_start3A_775 = tpu.memref_squeeze %dma_start3A_774 : memref<1x128x256xf32, #tpu.memory_space<hbm>> -> memref<128x256xf32, #tpu.memory_space<hbm>>
    tpu.enqueue_dma source(%arg5 : memref<128x256xf32, #tpu.memory_space<vmem>>) target(%dma_start3A_775 : memref<128x256xf32, #tpu.memory_space<hbm>>) target_semaphore(%arg11 : memref<!tpu.dma_semaphore, #tpu.memory_space<semaphore_mem>>)
    %dma_wait3A_776 = arith.constant 3840 : i32
    %dma_wait3A_777 = tpu.memref_slice %arg2[%select_n3A, %dma_wait3A_776, %mul3A_32] : memref<2x4096x4096xf32, #tpu.memory_space<hbm>> -> memref<1x128x256xf32, #tpu.memory_space<hbm>>
    %dma_wait3A_778 = tpu.memref_squeeze %dma_wait3A_777 : memref<1x128x256xf32, #tpu.memory_space<hbm>> -> memref<128x256xf32, #tpu.memory_space<hbm>>
    %dma_wait3A_779 = arith.constant 3840 : i32
    %dma_wait3A_780 = tpu.memref_slice %arg2[%select_n3A, %dma_wait3A_779, %mul3A_32] : memref<2x4096x4096xf32, #tpu.memory_space<hbm>> -> memref<1x128x256xf32, #tpu.memory_space<hbm>>
    %dma_wait3A_781 = tpu.memref_squeeze %dma_wait3A_780 : memref<1x128x256xf32, #tpu.memory_space<hbm>> -> memref<128x256xf32, #tpu.memory_space<hbm>>
    tpu.wait_dma2 semaphore(%arg8 : memref<!tpu.dma_semaphore, #tpu.memory_space<semaphore_mem>>) src(%dma_wait3A_781 : memref<128x256xf32, #tpu.memory_space<hbm>>) dst(%arg4 : memref<128x256xf32, #tpu.memory_space<vmem>>)
    %dma_start3A_782 = arith.constant 3968 : i32
    %dma_start3A_783 = tpu.memref_slice %arg2[%select_n3A, %dma_start3A_782, %mul3A_32] : memref<2x4096x4096xf32, #tpu.memory_space<hbm>> -> memref<1x128x256xf32, #tpu.memory_space<hbm>>
    %dma_start3A_784 = tpu.memref_squeeze %dma_start3A_783 : memref<1x128x256xf32, #tpu.memory_space<hbm>> -> memref<128x256xf32, #tpu.memory_space<hbm>>
    %dma_start3A_785 = arith.constant 3968 : i32
    %dma_start3A_786 = tpu.memref_slice %arg2[%select_n3A, %dma_start3A_785, %mul3A_32] : memref<2x4096x4096xf32, #tpu.memory_space<hbm>> -> memref<1x128x256xf32, #tpu.memory_space<hbm>>
    %dma_start3A_787 = tpu.memref_squeeze %dma_start3A_786 : memref<1x128x256xf32, #tpu.memory_space<hbm>> -> memref<128x256xf32, #tpu.memory_space<hbm>>
    tpu.enqueue_dma source(%dma_start3A_787 : memref<128x256xf32, #tpu.memory_space<hbm>>) target(%arg5 : memref<128x256xf32, #tpu.memory_space<vmem>>) target_semaphore(%arg9 : memref<!tpu.dma_semaphore, #tpu.memory_space<semaphore_mem>>)
    %dma_wait3A_788 = arith.constant 3584 : i32
    %dma_wait3A_789 = tpu.memref_slice %arg3[%select_n3A, %dma_wait3A_788, %mul3A_32] : memref<2x4096x4096xf32, #tpu.memory_space<hbm>> -> memref<1x128x256xf32, #tpu.memory_space<hbm>>
    %dma_wait3A_790 = tpu.memref_squeeze %dma_wait3A_789 : memref<1x128x256xf32, #tpu.memory_space<hbm>> -> memref<128x256xf32, #tpu.memory_space<hbm>>
    %dma_wait3A_791 = arith.constant 3584 : i32
    %dma_wait3A_792 = tpu.memref_slice %arg3[%select_n3A, %dma_wait3A_791, %mul3A_32] : memref<2x4096x4096xf32, #tpu.memory_space<hbm>> -> memref<1x128x256xf32, #tpu.memory_space<hbm>>
    %dma_wait3A_793 = tpu.memref_squeeze %dma_wait3A_792 : memref<1x128x256xf32, #tpu.memory_space<hbm>> -> memref<128x256xf32, #tpu.memory_space<hbm>>
    tpu.wait_dma2 semaphore(%arg10 : memref<!tpu.dma_semaphore, #tpu.memory_space<semaphore_mem>>) src(%arg4 : memref<128x256xf32, #tpu.memory_space<vmem>>) dst(%dma_wait3A_793 : memref<128x256xf32, #tpu.memory_space<hbm>>)
    %dma_start3A_794 = arith.constant 3840 : i32
    %dma_start3A_795 = tpu.memref_slice %arg3[%select_n3A, %dma_start3A_794, %mul3A_32] : memref<2x4096x4096xf32, #tpu.memory_space<hbm>> -> memref<1x128x256xf32, #tpu.memory_space<hbm>>
    %dma_start3A_796 = tpu.memref_squeeze %dma_start3A_795 : memref<1x128x256xf32, #tpu.memory_space<hbm>> -> memref<128x256xf32, #tpu.memory_space<hbm>>
    %dma_start3A_797 = arith.constant 3840 : i32
    %dma_start3A_798 = tpu.memref_slice %arg3[%select_n3A, %dma_start3A_797, %mul3A_32] : memref<2x4096x4096xf32, #tpu.memory_space<hbm>> -> memref<1x128x256xf32, #tpu.memory_space<hbm>>
    %dma_start3A_799 = tpu.memref_squeeze %dma_start3A_798 : memref<1x128x256xf32, #tpu.memory_space<hbm>> -> memref<128x256xf32, #tpu.memory_space<hbm>>
    tpu.enqueue_dma source(%arg4 : memref<128x256xf32, #tpu.memory_space<vmem>>) target(%dma_start3A_799 : memref<128x256xf32, #tpu.memory_space<hbm>>) target_semaphore(%arg10 : memref<!tpu.dma_semaphore, #tpu.memory_space<semaphore_mem>>)
    %dma_wait3A_800 = arith.constant 3968 : i32
    %dma_wait3A_801 = tpu.memref_slice %arg2[%select_n3A, %dma_wait3A_800, %mul3A_32] : memref<2x4096x4096xf32, #tpu.memory_space<hbm>> -> memref<1x128x256xf32, #tpu.memory_space<hbm>>
    %dma_wait3A_802 = tpu.memref_squeeze %dma_wait3A_801 : memref<1x128x256xf32, #tpu.memory_space<hbm>> -> memref<128x256xf32, #tpu.memory_space<hbm>>
    %dma_wait3A_803 = arith.constant 3968 : i32
    %dma_wait3A_804 = tpu.memref_slice %arg2[%select_n3A, %dma_wait3A_803, %mul3A_32] : memref<2x4096x4096xf32, #tpu.memory_space<hbm>> -> memref<1x128x256xf32, #tpu.memory_space<hbm>>
    %dma_wait3A_805 = tpu.memref_squeeze %dma_wait3A_804 : memref<1x128x256xf32, #tpu.memory_space<hbm>> -> memref<128x256xf32, #tpu.memory_space<hbm>>
    tpu.wait_dma2 semaphore(%arg9 : memref<!tpu.dma_semaphore, #tpu.memory_space<semaphore_mem>>) src(%dma_wait3A_805 : memref<128x256xf32, #tpu.memory_space<hbm>>) dst(%arg5 : memref<128x256xf32, #tpu.memory_space<vmem>>)
    %dma_wait3A_806 = arith.constant 3712 : i32
    %dma_wait3A_807 = tpu.memref_slice %arg3[%select_n3A, %dma_wait3A_806, %mul3A_32] : memref<2x4096x4096xf32, #tpu.memory_space<hbm>> -> memref<1x128x256xf32, #tpu.memory_space<hbm>>
    %dma_wait3A_808 = tpu.memref_squeeze %dma_wait3A_807 : memref<1x128x256xf32, #tpu.memory_space<hbm>> -> memref<128x256xf32, #tpu.memory_space<hbm>>
    %dma_wait3A_809 = arith.constant 3712 : i32
    %dma_wait3A_810 = tpu.memref_slice %arg3[%select_n3A, %dma_wait3A_809, %mul3A_32] : memref<2x4096x4096xf32, #tpu.memory_space<hbm>> -> memref<1x128x256xf32, #tpu.memory_space<hbm>>
    %dma_wait3A_811 = tpu.memref_squeeze %dma_wait3A_810 : memref<1x128x256xf32, #tpu.memory_space<hbm>> -> memref<128x256xf32, #tpu.memory_space<hbm>>
    tpu.wait_dma2 semaphore(%arg11 : memref<!tpu.dma_semaphore, #tpu.memory_space<semaphore_mem>>) src(%arg5 : memref<128x256xf32, #tpu.memory_space<vmem>>) dst(%dma_wait3A_811 : memref<128x256xf32, #tpu.memory_space<hbm>>)
    %dma_start3A_812 = arith.constant 3968 : i32
    %dma_start3A_813 = tpu.memref_slice %arg3[%select_n3A, %dma_start3A_812, %mul3A_32] : memref<2x4096x4096xf32, #tpu.memory_space<hbm>> -> memref<1x128x256xf32, #tpu.memory_space<hbm>>
    %dma_start3A_814 = tpu.memref_squeeze %dma_start3A_813 : memref<1x128x256xf32, #tpu.memory_space<hbm>> -> memref<128x256xf32, #tpu.memory_space<hbm>>
    %dma_start3A_815 = arith.constant 3968 : i32
    %dma_start3A_816 = tpu.memref_slice %arg3[%select_n3A, %dma_start3A_815, %mul3A_32] : memref<2x4096x4096xf32, #tpu.memory_space<hbm>> -> memref<1x128x256xf32, #tpu.memory_space<hbm>>
    %dma_start3A_817 = tpu.memref_squeeze %dma_start3A_816 : memref<1x128x256xf32, #tpu.memory_space<hbm>> -> memref<128x256xf32, #tpu.memory_space<hbm>>
    tpu.enqueue_dma source(%arg5 : memref<128x256xf32, #tpu.memory_space<vmem>>) target(%dma_start3A_817 : memref<128x256xf32, #tpu.memory_space<hbm>>) target_semaphore(%arg11 : memref<!tpu.dma_semaphore, #tpu.memory_space<semaphore_mem>>)
    %dma_wait3A_818 = arith.constant 3840 : i32
    %dma_wait3A_819 = tpu.memref_slice %arg3[%select_n3A, %dma_wait3A_818, %mul3A_32] : memref<2x4096x4096xf32, #tpu.memory_space<hbm>> -> memref<1x128x256xf32, #tpu.memory_space<hbm>>
    %dma_wait3A_820 = tpu.memref_squeeze %dma_wait3A_819 : memref<1x128x256xf32, #tpu.memory_space<hbm>> -> memref<128x256xf32, #tpu.memory_space<hbm>>
    %dma_wait3A_821 = arith.constant 3840 : i32
    %dma_wait3A_822 = tpu.memref_slice %arg3[%select_n3A, %dma_wait3A_821, %mul3A_32] : memref<2x4096x4096xf32, #tpu.memory_space<hbm>> -> memref<1x128x256xf32, #tpu.memory_space<hbm>>
    %dma_wait3A_823 = tpu.memref_squeeze %dma_wait3A_822 : memref<1x128x256xf32, #tpu.memory_space<hbm>> -> memref<128x256xf32, #tpu.memory_space<hbm>>
    tpu.wait_dma2 semaphore(%arg10 : memref<!tpu.dma_semaphore, #tpu.memory_space<semaphore_mem>>) src(%arg4 : memref<128x256xf32, #tpu.memory_space<vmem>>) dst(%dma_wait3A_823 : memref<128x256xf32, #tpu.memory_space<hbm>>)
    %dma_wait3A_824 = arith.constant 3968 : i32
    %dma_wait3A_825 = tpu.memref_slice %arg3[%select_n3A, %dma_wait3A_824, %mul3A_32] : memref<2x4096x4096xf32, #tpu.memory_space<hbm>> -> memref<1x128x256xf32, #tpu.memory_space<hbm>>
    %dma_wait3A_826 = tpu.memref_squeeze %dma_wait3A_825 : memref<1x128x256xf32, #tpu.memory_space<hbm>> -> memref<128x256xf32, #tpu.memory_space<hbm>>
    %dma_wait3A_827 = arith.constant 3968 : i32
    %dma_wait3A_828 = tpu.memref_slice %arg3[%select_n3A, %dma_wait3A_827, %mul3A_32] : memref<2x4096x4096xf32, #tpu.memory_space<hbm>> -> memref<1x128x256xf32, #tpu.memory_space<hbm>>
    %dma_wait3A_829 = tpu.memref_squeeze %dma_wait3A_828 : memref<1x128x256xf32, #tpu.memory_space<hbm>> -> memref<128x256xf32, #tpu.memory_space<hbm>>
    tpu.wait_dma2 semaphore(%arg11 : memref<!tpu.dma_semaphore, #tpu.memory_space<semaphore_mem>>) src(%arg5 : memref<128x256xf32, #tpu.memory_space<vmem>>) dst(%dma_wait3A_829 : memref<128x256xf32, #tpu.memory_space<hbm>>)
    return
  }
}

</mosaic_0001>

<sc_bundles>
// kernel: kernel.3.cloned.1.call-start
scs
__scs_entry_jumppad:
0x0: {  	(pc) =	sbr.rel $0x88, $3  }
0x1: {  	(tag) =	ssettag $0x0;
	lr =	simm.s32 $0x1  }
0x2: {  	[smem:$0x3FA0] =	sst lr;
	_ =	strace $0xD0000000  }
0x3: {  	_ = 	snop  }
0x4: {  	_ = 	snop  }
0x5: {  	_ = 	snop  }
0x6: {  	_ = 	snop  }
0x7: {  	_ = 	snop  }
__scs_overlays_trampoline_lowered:
0x8: {  	[smem:$0x3FAF] =	sst s0  }
0x9: {  	[smem:$0x3FB0] =	sst s1  }
0xa: {  	[smem:$0x3FB1] =	sst s2  }
0xb: {  	[smem:$0x3FB2] =	sst s3  }
0xc: {  	[smem:$0x3FB3] =	sst s4  }
0xd: {  	[smem:$0x3FB4] =	sst s5  }
0xe: {  	[smem:$0x3FB5] =	sst s6  }
0xf: {  	[smem:$0x3FB6] =	sst s7  }
0x10: {  	[smem:$0x3FB7] =	sst s8  }
0x11: {  	[smem:$0x3FB8] =	sst s9;
	s0 =	simm.s32 @!p0 $0x0  }
0x12: {  	s1 =	sld [smem:$0x3F9E];
	s0 =	simm.s32 @p0 $0x1  }
0x13: {  	[smem:$0x3FB9] =	sst s0;
	s0 =	simm.s32 @!p1 $0x0  }
0x14: {  	s2 =	sld [smem:$0x3F9D];
	s0 =	simm.s32 @p1 $0x1  }
0x15: {  	[smem:$0x3FBA] =	sst s0;
	s0 =	simm.s32 @!p2 $0x0  }
0x16: {  	s3 =	sld [smem:$0x3FDB];
	s0 =	simm.s32 @p2 $0x1  }
0x17: {  	s4 =	simm.s32 $0x1BF5;
	[smem:$0x3FBC] =	sst s0  }
0x18: {  	s0 =	sld [smem:$0x3F9F];
	_ =	swait.ge [sflag:s4], $0x0  }
0x19: {  	s7 =	sld [smem:$0x3FA0]  }
0x1a: {  	s8 =	sadd.s32 $0xFFFFE003, lr  }
0x1b: {  	s9 =	sadd.s32 $0xFFFFFEF7, lr;
	s5 =	simm.s32 $0xFFFFFFFF;
	p2 =	slt.u32 s8, $0xFFFFF086  }
0x1c: {  	p1 =	slt.u32 s9, $0xF7A;
	s5 =	simm.s32 @!p2 $0x0  }
0x1d: {  	s5 =	simm.s32 @p1 $0x1;
	p0 =	seq.s32 s7, s2  }
0x1e: {  	s7 =	smul.u32 @!p0 $0xF7A, s2;
	p2 =	seq.s32 @!p0 s5, $0x0  }
0x1f: {  	s9 =	smul.u32 $0xF7A, s1;
	s8 =	simm.s32 @!p0 $0x1BF5;
	p2 =	por !p2, p0  }
0x20: {  	[sflag:s8] =	ssyncset.s32 @!p0 $0xFFFFF086;
	s6 =	sadd.s32 @!p0 s3, s7;
	s7 =	simm.s32 @!p0 $0x108  }
0x21: {  	s3 =	sadd.s32 s3, s9;
	s6 =	sadd.s32 @!p0 $0x88, s6;
	s7 =	simm.s32 @p2 $0x1082  }
0x22: {  	[simem:s7], [sflag:s8] =	dma.local @!p0 [hbm:s6], $0xF7A  }
0x23: {  	s9 =	sor.u32 $0xD0000000, s2;
	s6 =	simm.s32 $0x108;
	_ =	swait.ge @!p0 [sflag:s8], $0x0  }
0x24: {  	s3 =	sadd.s32 $0x88, s3;
	s6 =	simm.s32 @!p1 $0x1082;
	[sflag:s4] =	ssyncset.s32 $0xFFFFF086  }
0x25: {  	[simem:s6], [sflag:s4] =	dma.local [hbm:s3], $0xF7A  }
0x26: {  	[smem:$0x3FA0] =	sst s1;
	(tag) =	ssettag s2;
	_ =	strace s9  }
0x27: {  	s1 =	sld [smem:$0x3FB0]  }
0x28: {  	s2 =	sld [smem:$0x3FB1]  }
0x29: {  	s4 =	sld [smem:$0x3FB3]  }
0x2a: {  	p0 =	seq.s32 s5, $0x0;
	s5 =	sld [smem:$0x3FB4]  }
0x2b: {  	s6 =	sld [smem:$0x3FB5]  }
0x2c: {  	s7 =	sld [smem:$0x3FB6]  }
0x2d: {  	s3 =	simm.s32 $0x108;
	s8 =	sld [smem:$0x3FB7]  }
0x2e: {  	s3 =	simm.s32 @!p0 $0x1082;
	s9 =	sld [smem:$0x3FB8]  }
0x2f: {  	lr =	sadd.s32 s0, s3;
	s0 =	sld [smem:$0x3FAF]  }
0x30: {  	s3 =	sld [smem:$0x3FB2]  }
0x31: {  	[smem:$0x3FBB] =	sst s10  }
0x32: {  	s10 =	sld [smem:$0x3FB9];
	_ =	sdelay $0x3  }
0x33: {  	p0 =	seq.s32 s10, $0x1;
	s10 =	sld [smem:$0x3FBB];
	_ =	sdelay $0x3  }
0x34: {  	[smem:$0x3FBB] =	sst s10  }
0x35: {  	s10 =	sld [smem:$0x3FBA];
	_ =	sdelay $0x3  }
0x36: {  	p1 =	seq.s32 s10, $0x1;
	s10 =	sld [smem:$0x3FBB];
	_ =	sdelay $0x3  }
0x37: {  	[smem:$0x3FBB] =	sst s10  }
0x38: {  	s10 =	sld [smem:$0x3FBC]  }
0x39: {  	_ = 	snop;
	(pc) =	sbr.ind lr, $3  }
0x3a: {  	_ = 	snop  }
0x3b: {  	_ = 	snop  }
0x3c: {  	p2 =	seq.s32 s10, $0x1;
	s10 =	sld [smem:$0x3FBB]  }
0x3d: {  	_ =	shalt  }
0x3e: {  	_ =	shalt  }
0x3f: {  	_ =	shalt  }
0x40: {  	_ =	shalt  }
0x41: {  	_ =	shalt  }
0x42: {  	_ =	shalt  }
0x43: {  	_ =	shalt  }
0x44: {  	_ =	shalt  }
0x45: {  	_ =	shalt  }
0x46: {  	_ =	shalt  }
0x47: {  	_ =	shalt  }
0x48: {  	_ =	shalt  }
0x49: {  	_ =	shalt  }
0x4a: {  	_ =	shalt  }
0x4b: {  	_ =	shalt  }
0x4c: {  	_ =	shalt  }
0x4d: {  	_ =	shalt  }
0x4e: {  	_ =	shalt  }
0x4f: {  	_ =	shalt  }
0x50: {  	_ =	shalt  }
0x51: {  	_ =	shalt  }
0x52: {  	_ =	shalt  }
0x53: {  	_ =	shalt  }
0x54: {  	_ =	shalt  }
0x55: {  	_ =	shalt  }
0x56: {  	_ =	shalt  }
0x57: {  	_ =	shalt  }
0x58: {  	_ =	shalt  }
0x59: {  	_ =	shalt  }
0x5a: {  	_ =	shalt  }
0x5b: {  	_ =	shalt  }
0x5c: {  	_ =	shalt  }
0x5d: {  	_ =	shalt  }
0x5e: {  	_ =	shalt  }
0x5f: {  	_ =	shalt  }
0x60: {  	_ =	shalt  }
0x61: {  	_ =	shalt  }
0x62: {  	_ =	shalt  }
0x63: {  	_ =	shalt  }
0x64: {  	_ =	shalt  }
0x65: {  	_ =	shalt  }
0x66: {  	_ =	shalt  }
0x67: {  	_ =	shalt  }
0x68: {  	_ =	shalt  }
0x69: {  	_ =	shalt  }
0x6a: {  	_ =	shalt  }
0x6b: {  	_ =	shalt  }
0x6c: {  	_ =	shalt  }
0x6d: {  	_ =	shalt  }
0x6e: {  	_ =	shalt  }
0x6f: {  	_ =	shalt  }
0x70: {  	_ =	shalt  }
0x71: {  	_ =	shalt  }
0x72: {  	_ =	shalt  }
0x73: {  	_ =	shalt  }
0x74: {  	_ =	shalt  }
0x75: {  	_ =	shalt  }
0x76: {  	_ =	shalt  }
0x77: {  	_ =	shalt  }
0x78: {  	_ =	shalt  }
0x79: {  	_ =	shalt  }
0x7a: {  	_ =	shalt  }
0x7b: {  	_ =	shalt  }
0x7c: {  	_ =	shalt  }
0x7d: {  	_ =	shalt  }
0x7e: {  	_ =	shalt  }
0x7f: {  	_ =	shalt  }
0x80: {  	_ =	shalt  }
0x81: {  	_ =	shalt  }
0x82: {  	_ =	shalt  }
0x83: {  	_ =	shalt  }
0x84: {  	_ =	shalt  }
0x85: {  	_ =	shalt  }
0x86: {  	_ =	shalt  }
0x87: {  	_ =	shalt  }
.Lfunc_end0:
.L_simem_size_0:
called_computation_lowered:
.L_overlay_start_0:
0x88: {  	s2 =	sld [smem:$0x3FD9]  }
0x89: {  	s3 =	sld [smem:$0x3FFE];
	_ =	sdelay $0x1  }
0x8a: {  	s1 =	srdreg.scid  }
0x8b: {  	s0 =	sand.u32 $0x1, s1  }
0x8c: {  	s18 =	sshll.u32 s0, $0xA;
	s2 =	sadd.s32 s3, s2  }
0x8d: {  	s2 =	sadd.s32 s2, s18  }
0x8e: {  	[smem:$0x3FC7] =	sst s2  }
0x8f: {  	_ = 	snop  }
0x90: {  	s2 =	sld [smem:$0x3FC9]  }
0x91: {  	s19 =	sld [smem:$0x3FD0];
	(tm) =	ssettm $0x1  }
0x92: {  	s4 =	sld [smem:$0x3FFB];
	_ =	sdelay $0x3  }
0x93: {  	_ =	strace s4  }
0x94: {  	s4 =	sld [smem:$0x3FFC];
	_ =	sdelay $0x3  }
0x95: {  	_ =	strace s4  }
0x96: {  	s4 =	sld [smem:$0x3FFD];
	_ =	sdelay $0x3  }
0x97: {  	_ =	strace s4  }
0x98: {  	_ =	strace $0x8FFFFFFF  }
0x99: {  	s20 =	sld [smem:$0x3FDB];
	_ =	sdelay $0x1  }
0x9a: {  	s5 =	simm.s32 $_scs_section_size  }
0x9b: {  	s6 =	simm.s32 $_size__tile_overlayer_lowered;
	s7 =	simm.s32 $_tile_overlayer_lowered  }
0x9c: {  	s23 =	simm.s32 $0x1BFF;
	s22 =	sshll.u32 s7, $0x1;
	s4 =	sadd.s32 s5, s20  }
0x9d: {  	s8 =	simm.s32 $0x0;
	s21 =	sshll.u32 s6, $0x1;
	s6 =	sadd.s32 s22, s4  }
0x9e: {  	[timem:s8], [sflag:s23] =	dma.local [hbm:s6], s21  }
0x9f: {  	_ =	swait.ge [sflag:s23], s21  }
0xa0: {  	s5 =	ssub.s32 $0x0, s21;
	[sflag:s23] =	ssyncset.done $0x0  }
0xa1: {  	[sflag:s23] =	ssyncadd.s32 s5;
	_ =	sdelay $0x1  }
0xa2: {  	s24 =	simm.s32 $0x1B8B  }
0xa3: {  	_ =	swait.ge [sflag:s24], $0x1  }
0xa4: {  	[sflag:s24] =	ssyncset.done $0x0  }
0xa5: {  	s25 =	simm.s32 $0x1B8E;
	[sflag:s24] =	ssyncadd.s32 $0xFFFFFFFF  }
0xa6: {  	s26 =	simm.s32 $execute0_lowered;
	[smem:$0x3FD2] =	sst s25  }
0xa7: {  	s5 =	sshll.u32 s26, $0x1;
	_ =	strace $0x80000046;
	[dreg:$0x1] =	wrdreg $0xFFFFFFFF  }
0xa8: {  	s28 =	simm.s32 $_size_execute0_lowered;
	s4 =	sadd.s32 s4, s5;
	[dreg:$0x0] =	wrdreg $0x0  }
0xa9: {  	s5 =	sshll.u32 s28, $0x1;
	[dreg:$0x2] =	wrdreg s4  }
0xaa: {  	[dreg:$0x3] =	wrdreg s5  }
0xab: {  	[dreg:$0x4] =	wrdreg $0xC0  }
0xac: {  	_ =	task [dreg:s8], $0x5FFFF  }
0xad: {  	[dreg:$0x1] =	wrdreg $0xFFFFFFFF  }
0xae: {  	[dreg:$0x0] =	wrdreg $0x60  }
0xaf: {  	[dreg:$0x2] =	wrdreg s2  }
0xb0: {  	[dreg:$0x3] =	wrdreg s19  }
0xb1: {  	[dreg:$0x4] =	wrdreg $0x9  }
0xb2: {  	_ =	task.clear_ibuf [dreg:s8], $0x5FFFF;
	_ =	strace $0x90000046  }
0xb3: {  	s29 =	simm.s32 $0x9;
	_ =	strace $0x80000048  }
0xb4: {  	_ =	swait.ge [sflag:s29], $0x1  }
0xb5: {  	[sflag:s29] =	ssyncadd.s32 $0xFFFFFFFF  }
0xb6: {  	_ =	strace $0x90000048  }
0xb7: {  	_ =	sfence  }
0xb8: {  	s30 =	sld [smem:$0x0];
	_ =	sdelay $0x2  }
0xb9: {  	s31 =	sshll.u32 s1, $0xD;
	s1 =	sshrl.u32 s1, $0x2  }
0xba: {  	s3 =	sand.u32 $0x4000, s31;
	s1 =	sadd.s32 s1, s30  }
0xbb: {  	s0 =	sor.u32 s3, s0;
	s1 =	sshll.u32 s1, $0x11  }
0xbc: {  	s0 =	sor.u32 s1, s0  }
0xbd: {  	s0 =	sadd.s32 $0x8F2B, s0  }
0xbe: {  	[sflag:s0] =	ssyncadd.remote.s32 $0x1  }
0xbf: {  	_ =	sfence.sel $0xFFFF  }
0xc0: {  	[dreg:$0x0] =	wrdreg $0xFFFFFFFF;
	(pc) =	sbr.abs _section_cstart, $3  }
0xc1: {  	[dreg:$0x1] =	wrdreg $0xFFFFFFFF  }
0xc2: {  	_ =	task.clear_ibuf [dreg:s8], $0x2FFFF;
	_ =	strace $0x9FFFFFFF  }
0xc3: {  	(tm) =	ssettm $0x7FFFFFFF  }
tec
execute0_lowered:
.L_overlay_start_1:
0x0: {  	(tag) =	ssettag $0x1  }
0x1: {  	s4 =	stileid.u32  }
0x2: {  	s0 =	srdreg.scid;
	s2 =	sshll.u32 s4, $0x1  }
0x3: {  	s5 =	sand.u32 $0x1, s0;
	s11 =	sand.u32 $0xE, s2  }
0x4: {  	s1 =	rddreg [dreg:$0x0];
	s4 =	sshll.u32 s4, $0x12;
	s0 =	sor.u32 s5, s11  }
0x5: {  	s2 =	simm.s32 $0x0;
	s4 =	sand.u32 $0x200000, s4;
	s0 =	sshll.u32 s0, $0x8  }
0x6: {  	[smem:$0x7FF] =	sst s2;
	s4 =	sor.u32 s4, s0  }
0x7: {  	s3 =	rddreg [dreg:$0x1];
	_ =	strace $0x80000047;
	s0 =	sadd.s32 s1, s4  }
0x8: {  	s6 =	sor.u32 $0x10000, s4;
	s13 =	sadd.s32 s3, s4;
	[dreg:$0x3] =	wrdreg s0  }
0x9: {  	s7 =	sor.u32 $0x20000, s4;
	s12 =	sadd.s32 s1, s6;
	[dreg:$0x5] =	wrdreg s13  }
0xa: {  	s14 =	sadd.s32 s1, s7;
	[dreg:$0x4] =	wrdreg s12  }
0xb: {  	s16 =	sor.u32 $0x30000, s4;
	s15 =	sadd.s32 s3, s6;
	[dreg:$0x6] =	wrdreg s14  }
0xc: {  	s17 =	sadd.s32 s1, s16;
	[dreg:$0x7] =	wrdreg s15  }
0xd: {  	s19 =	sor.u32 $0x40000, s4;
	s18 =	sadd.s32 s3, s7;
	[dreg:$0x8] =	wrdreg s17  }
0xe: {  	s20 =	sadd.s32 s1, s19;
	[dreg:$0x9] =	wrdreg s18  }
0xf: {  	s22 =	sor.u32 $0x50000, s4;
	s21 =	sadd.s32 s3, s16;
	[dreg:$0xa] =	wrdreg s20  }
0x10: {  	s23 =	sadd.s32 s1, s22;
	[dreg:$0xb] =	wrdreg s21  }
0x11: {  	s25 =	sor.u32 $0x60000, s4;
	s24 =	sadd.s32 s3, s19;
	[dreg:$0xc] =	wrdreg s23  }
0x12: {  	s26 =	sadd.s32 s1, s25;
	[dreg:$0xd] =	wrdreg s24  }
0x13: {  	s8 =	sor.u32 $0x70000, s4;
	s6 =	sadd.s32 s3, s22;
	[dreg:$0xe] =	wrdreg s26  }
0x14: {  	s9 =	sadd.s32 s1, s8;
	[dreg:$0xf] =	wrdreg s6  }
0x15: {  	s10 =	sadd.s32 s3, s25;
	[dreg:$0x10] =	wrdreg s9  }
0x16: {  	s11 =	sor.u32 $0x80000, s4;
	s13 =	sadd.s32 s3, s8;
	[dreg:$0x11] =	wrdreg s10  }
0x17: {  	s16 =	sadd.s32 s3, s11;
	[dreg:$0x13] =	wrdreg s13  }
0x18: {  	[dreg:$0x15] =	wrdreg s16  }
0x19: {  	s12 =	sadd.s32 s1, s11;
	s14 =	sor.u32 $0x90000, s4;
	s0 =	rddreg [dreg:$0x3]  }
0x1a: {  	s17 =	sor.u32 $0xA0000, s4;
	[dreg:$0x12] =	wrdreg s12;
	s15 =	sadd.s32 s1, s14  }
0x1b: {  	s18 =	sadd.s32 s1, s17;
	[dreg:$0x14] =	wrdreg s15  }
0x1c: {  	s20 =	sor.u32 $0xB0000, s4;
	s19 =	sadd.s32 s3, s14;
	[dreg:$0x16] =	wrdreg s18  }
0x1d: {  	p0 =	por $0x0, $0x0;
	s21 =	sadd.s32 s1, s20;
	[dreg:$0x17] =	wrdreg s19  }
0x1e: {  	s23 =	sor.u32 $0xC0000, s4;
	s22 =	sadd.s32 s3, s17;
	[dreg:$0x18] =	wrdreg s21  }
0x1f: {  	s5 =	ssub.s32 $0x2, s5;
	s24 =	sadd.s32 s1, s23;
	[dreg:$0x19] =	wrdreg s22  }
0x20: {  	s26 =	sor.u32 $0xD0000, s4;
	s25 =	sadd.s32 s3, s20;
	[dreg:$0x1a] =	wrdreg s24  }
0x21: {  	s7 =	simm.s32 $0x3;
	s8 =	sadd.s32 s1, s26;
	[dreg:$0x1b] =	wrdreg s25  }
0x22: {  	s10 =	sor.u32 $0xE0000, s4;
	s9 =	sadd.s32 s3, s23;
	[dreg:$0x1c] =	wrdreg s8  }
0x23: {  	s13 =	sor.u32 $0xF0000, s4;
	s11 =	sadd.s32 s1, s10;
	[dreg:$0x1d] =	wrdreg s9  }
0x24: {  	s16 =	sor.u32 $0x100000, s4;
	s12 =	sadd.s32 s3, s26;
	[dreg:$0x1e] =	wrdreg s11  }
0x25: {  	s6 =	simm.s32 $0x8000;
	s14 =	sadd.s32 s1, s13;
	[dreg:$0x1f] =	wrdreg s12  }
0x26: {  	s17 =	sadd.s32 s1, s16;
	[smem:$0x7F1] =	sst s14;
	s15 =	sadd.s32 s3, s10  }
0x27: {  	[smem:$0x7F3] =	sst s17;
	s18 =	sadd.s32 s3, s13;
	s19 =	sor.u32 $0x110000, s4  }
0x28: {  	s21 =	sadd.s32 s3, s16;
	s22 =	sor.u32 $0x120000, s4;
	s25 =	sor.u32 $0x130000, s4  }
0x29: {  	s9 =	sor.u32 $0x140000, s4;
	s12 =	sor.u32 $0x150000, s4;
	[smem:$0x7F2] =	sst s15  }
0x2a: {  	s14 =	sor.u32 $0x160000, s4;
	s16 =	sor.u32 $0x180000, s4;
	[smem:$0x7F4] =	sst s18  }
0x2b: {  	s17 =	sor.u32 $0x190000, s4;
	s20 =	sadd.s32 s1, s19;
	[smem:$0x7F6] =	sst s21  }
0x2c: {  	s23 =	sadd.s32 s1, s22;
	s24 =	sadd.s32 s3, s19;
	[smem:$0x7F5] =	sst s20  }
0x2d: {  	s26 =	sadd.s32 s1, s25;
	s8 =	sadd.s32 s3, s22;
	[smem:$0x7F7] =	sst s23  }
0x2e: {  	s10 =	sadd.s32 s1, s9;
	s11 =	sadd.s32 s3, s25;
	[smem:$0x7F8] =	sst s24  }
0x2f: {  	s13 =	sadd.s32 s1, s12;
	s31 =	sadd.s32 s3, s9;
	[smem:$0x7F9] =	sst s26  }
0x30: {  	s30 =	sadd.s32 s1, s14;
	s15 =	sor.u32 $0x170000, s4;
	[smem:$0x7FA] =	sst s8  }
0x31: {  	s29 =	sadd.s32 s3, s12;
	s25 =	sadd.s32 s1, s16;
	[smem:$0x7FB] =	sst s10  }
0x32: {  	s18 =	sor.u32 $0x1A0000, s4;
	s22 =	sadd.s32 s3, s16;
	[smem:$0x7FC] =	sst s11  }
0x33: {  	s9 =	sor.u32 $0x1C0000, s4;
	s8 =	sshrl.u32 s5, $0x1;
	[smem:$0x7FD] =	sst s13  }
0x34: {  	s28 =	sadd.s32 s1, s15;
	s26 =	sadd.s32 s3, s14;
	s24 =	sadd.s32 s3, s15  }
0x35: {  	s23 =	sadd.s32 s1, s17;
	s21 =	sadd.s32 s1, s18;
	s20 =	sadd.s32 s3, s17  }
0x36: {  	s18 =	sadd.s32 s3, s18;
	s17 =	sadd.s32 s1, s9;
	s5 =	ssub.s32 s5, s8  }
0x37: {  	s10 =	sor.u32 $0x1D0000, s4;
	s12 =	sadd.s32 s3, s9;
	s15 =	smax.u32 s5, $0x1  }
0x38: {  	s11 =	sor.u32 $0x1E0000, s4;
	s8 =	sor.u32 $0x1B0000, s4;
	p1 =	sne.s32 s15, $0x1  }
.Ltmp0:
0x39: {  	s14 =	sadd.s32 s1, s10;
	s10 =	sadd.s32 s3, s10;
	(pc) =	sbr.rel @!p1 .LBB2_3-.Ltmp0, $4  }
0x3a: {  	s4 =	sor.u32 $0x1F0000, s4;
	s13 =	sadd.s32 s1, s11;
	s19 =	sadd.s32 s1, s8  }
0x3b: {  	s16 =	sadd.s32 s3, s8;
	s9 =	sadd.s32 s1, s4;
	s8 =	sadd.s32 s3, s11  }
0x3c: {  	s3 =	sadd.s32 s3, s4;
	s5 =	simm.s32 $0x800;
	s11 =	simm.s32 $0x2  }
0x3d: {  	s4 =	simm.s32 $0x4;
	s1 =	sadd.s32 $0xFFFFFFFF, s15;
	s15 =	simm.s32 $0x1  }
0x3e: {  	[tilespmem:s2], [sflag:$0x1] =	stream.strided.gather [hbm4b:s0+s5], $0x8000, s6, s5, $0x38;
	[tilespmem:$0x10000] =	vst v63  }
0x3f: {  	_ =	swait.ge [sflag:s15], $0x8000  }
0x40: {  	s0 =	rddreg [dreg:$0x4];
	[sflag:s15] =	ssyncset.done $0x0  }
0x41: {  	[smem:$0x7F0] =	sst s1;
	[sflag:s15] =	ssyncadd.s32 $0xFFFF8000  }
0x42: {  	[tilespmem:s6], [sflag:$0x2] =	stream.strided.gather [hbm4b:s0+s5], $0x8000, s6, s5, $0x38;
	[tilespmem:$0x10000] =	vst v63  }
0x43: {  	s1 =	rddreg [dreg:$0x5]  }
0x44: {  	[hbm4b:s1+s5] =	stream.strided.scatter [tilespmem:s2], [sflag:$0x3], $0x8000, s6, s5, $0x38;
	[tilespmem:$0x10000] =	vst v63  }
0x45: {  	_ =	swait.ge [sflag:s11], $0x8000  }
0x46: {  	[sflag:s11] =	ssyncset.done $0x0  }
0x47: {  	s0 =	rddreg [dreg:$0x6];
	[sflag:s11] =	ssyncadd.s32 $0xFFFF8000  }
0x48: {  	[tilespmem:s2], [sflag:$0x1] =	stream.strided.gather [hbm4b:s0+s5], $0x8000, s6, s5, $0x38;
	[tilespmem:$0x10000] =	vst v63  }
0x49: {  	s1 =	rddreg [dreg:$0x7]  }
0x4a: {  	[hbm4b:s1+s5] =	stream.strided.scatter [tilespmem:s6], [sflag:$0x4], $0x8000, s6, s5, $0x38;
	[tilespmem:$0x10000] =	vst v63  }
0x4b: {  	_ =	swait.ge [sflag:s15], $0x8000  }
0x4c: {  	[sflag:s15] =	ssyncset.done $0x0  }
0x4d: {  	s1 =	rddreg [dreg:$0x8];
	[sflag:s15] =	ssyncadd.s32 $0xFFFF8000  }
0x4e: {  	[tilespmem:s6], [sflag:$0x2] =	stream.strided.gather [hbm4b:s1+s5], $0x8000, s6, s5, $0x38;
	[tilespmem:$0x10000] =	vst v63  }
0x4f: {  	_ =	swait.ge [sflag:s7], $0x8000  }
0x50: {  	[sflag:s7] =	ssyncset.done $0x0  }
0x51: {  	s1 =	rddreg [dreg:$0x9];
	[sflag:s7] =	ssyncadd.s32 $0xFFFF8000  }
0x52: {  	[hbm4b:s1+s5] =	stream.strided.scatter [tilespmem:s2], [sflag:$0x3], $0x8000, s6, s5, $0x38;
	[tilespmem:$0x10000] =	vst v63  }
0x53: {  	_ =	swait.ge [sflag:s11], $0x8000  }
0x54: {  	[sflag:s11] =	ssyncset.done $0x0  }
0x55: {  	s1 =	rddreg [dreg:$0xa];
	[sflag:s11] =	ssyncadd.s32 $0xFFFF8000  }
0x56: {  	[tilespmem:s2], [sflag:$0x1] =	stream.strided.gather [hbm4b:s1+s5], $0x8000, s6, s5, $0x38;
	[tilespmem:$0x10000] =	vst v63  }
0x57: {  	_ =	swait.ge [sflag:s4], $0x8000  }
0x58: {  	[sflag:s4] =	ssyncset.done $0x0  }
0x59: {  	s1 =	rddreg [dreg:$0xb];
	[sflag:s4] =	ssyncadd.s32 $0xFFFF8000  }
0x5a: {  	[hbm4b:s1+s5] =	stream.strided.scatter [tilespmem:s6], [sflag:$0x4], $0x8000, s6, s5, $0x38;
	[tilespmem:$0x10000] =	vst v63  }
0x5b: {  	_ =	swait.ge [sflag:s15], $0x8000  }
0x5c: {  	[sflag:s15] =	ssyncset.done $0x0  }
0x5d: {  	s1 =	rddreg [dreg:$0xc];
	[sflag:s15] =	ssyncadd.s32 $0xFFFF8000  }
0x5e: {  	[tilespmem:s6], [sflag:$0x2] =	stream.strided.gather [hbm4b:s1+s5], $0x8000, s6, s5, $0x38;
	[tilespmem:$0x10000] =	vst v63  }
0x5f: {  	_ =	swait.ge [sflag:s7], $0x8000  }
0x60: {  	[sflag:s7] =	ssyncset.done $0x0  }
0x61: {  	s1 =	rddreg [dreg:$0xd];
	[sflag:s7] =	ssyncadd.s32 $0xFFFF8000  }
0x62: {  	[hbm4b:s1+s5] =	stream.strided.scatter [tilespmem:s2], [sflag:$0x3], $0x8000, s6, s5, $0x38;
	[tilespmem:$0x10000] =	vst v63  }
0x63: {  	_ =	swait.ge [sflag:s11], $0x8000  }
0x64: {  	[sflag:s11] =	ssyncset.done $0x0  }
0x65: {  	s1 =	rddreg [dreg:$0xe];
	[sflag:s11] =	ssyncadd.s32 $0xFFFF8000  }
0x66: {  	[tilespmem:s2], [sflag:$0x1] =	stream.strided.gather [hbm4b:s1+s5], $0x8000, s6, s5, $0x38;
	[tilespmem:$0x10000] =	vst v63  }
0x67: {  	_ =	swait.ge [sflag:s4], $0x8000  }
0x68: {  	[sflag:s4] =	ssyncset.done $0x0  }
0x69: {  	s1 =	rddreg [dreg:$0xf];
	[sflag:s4] =	ssyncadd.s32 $0xFFFF8000  }
0x6a: {  	[hbm4b:s1+s5] =	stream.strided.scatter [tilespmem:s6], [sflag:$0x4], $0x8000, s6, s5, $0x38;
	[tilespmem:$0x10000] =	vst v63  }
0x6b: {  	_ =	swait.ge [sflag:s15], $0x8000  }
0x6c: {  	[sflag:s15] =	ssyncset.done $0x0  }
0x6d: {  	s1 =	rddreg [dreg:$0x10];
	[sflag:s15] =	ssyncadd.s32 $0xFFFF8000  }
0x6e: {  	[tilespmem:s6], [sflag:$0x2] =	stream.strided.gather [hbm4b:s1+s5], $0x8000, s6, s5, $0x38;
	[tilespmem:$0x10000] =	vst v63  }
0x6f: {  	_ =	swait.ge [sflag:s7], $0x8000  }
0x70: {  	[sflag:s7] =	ssyncset.done $0x0  }
0x71: {  	s1 =	rddreg [dreg:$0x11];
	[sflag:s7] =	ssyncadd.s32 $0xFFFF8000  }
0x72: {  	[hbm4b:s1+s5] =	stream.strided.scatter [tilespmem:s2], [sflag:$0x3], $0x8000, s6, s5, $0x38;
	[tilespmem:$0x10000] =	vst v63  }
0x73: {  	_ =	swait.ge [sflag:s11], $0x8000  }
0x74: {  	[sflag:s11] =	ssyncset.done $0x0  }
0x75: {  	s1 =	rddreg [dreg:$0x12];
	[sflag:s11] =	ssyncadd.s32 $0xFFFF8000  }
0x76: {  	[tilespmem:s2], [sflag:$0x1] =	stream.strided.gather [hbm4b:s1+s5], $0x8000, s6, s5, $0x38;
	[tilespmem:$0x10000] =	vst v63  }
0x77: {  	_ =	swait.ge [sflag:s4], $0x8000  }
0x78: {  	[sflag:s4] =	ssyncset.done $0x0  }
0x79: {  	s1 =	rddreg [dreg:$0x13];
	[sflag:s4] =	ssyncadd.s32 $0xFFFF8000  }
0x7a: {  	[hbm4b:s1+s5] =	stream.strided.scatter [tilespmem:s6], [sflag:$0x4], $0x8000, s6, s5, $0x38;
	[tilespmem:$0x10000] =	vst v63  }
0x7b: {  	_ =	swait.ge [sflag:s15], $0x8000  }
0x7c: {  	[sflag:s15] =	ssyncset.done $0x0  }
0x7d: {  	s1 =	rddreg [dreg:$0x14];
	[sflag:s15] =	ssyncadd.s32 $0xFFFF8000  }
0x7e: {  	[tilespmem:s6], [sflag:$0x2] =	stream.strided.gather [hbm4b:s1+s5], $0x8000, s6, s5, $0x38;
	[tilespmem:$0x10000] =	vst v63  }
0x7f: {  	_ =	swait.ge [sflag:s7], $0x8000  }
0x80: {  	[sflag:s7] =	ssyncset.done $0x0  }
0x81: {  	s1 =	rddreg [dreg:$0x15];
	[sflag:s7] =	ssyncadd.s32 $0xFFFF8000  }
0x82: {  	[hbm4b:s1+s5] =	stream.strided.scatter [tilespmem:s2], [sflag:$0x3], $0x8000, s6, s5, $0x38;
	[tilespmem:$0x10000] =	vst v63  }
0x83: {  	_ =	swait.ge [sflag:s11], $0x8000  }
0x84: {  	[sflag:s11] =	ssyncset.done $0x0  }
0x85: {  	s1 =	rddreg [dreg:$0x16];
	[sflag:s11] =	ssyncadd.s32 $0xFFFF8000  }
0x86: {  	[tilespmem:s2], [sflag:$0x1] =	stream.strided.gather [hbm4b:s1+s5], $0x8000, s6, s5, $0x38;
	[tilespmem:$0x10000] =	vst v63  }
0x87: {  	_ =	swait.ge [sflag:s4], $0x8000  }
0x88: {  	[sflag:s4] =	ssyncset.done $0x0  }
0x89: {  	s1 =	rddreg [dreg:$0x17];
	[sflag:s4] =	ssyncadd.s32 $0xFFFF8000  }
0x8a: {  	[hbm4b:s1+s5] =	stream.strided.scatter [tilespmem:s6], [sflag:$0x4], $0x8000, s6, s5, $0x38;
	[tilespmem:$0x10000] =	vst v63  }
0x8b: {  	_ =	swait.ge [sflag:s15], $0x8000  }
0x8c: {  	[sflag:s15] =	ssyncset.done $0x0  }
0x8d: {  	s1 =	rddreg [dreg:$0x18];
	[sflag:s15] =	ssyncadd.s32 $0xFFFF8000  }
0x8e: {  	[tilespmem:s6], [sflag:$0x2] =	stream.strided.gather [hbm4b:s1+s5], $0x8000, s6, s5, $0x38;
	[tilespmem:$0x10000] =	vst v63  }
0x8f: {  	_ =	swait.ge [sflag:s7], $0x8000  }
0x90: {  	[sflag:s7] =	ssyncset.done $0x0  }
0x91: {  	s1 =	rddreg [dreg:$0x19];
	[sflag:s7] =	ssyncadd.s32 $0xFFFF8000  }
0x92: {  	[hbm4b:s1+s5] =	stream.strided.scatter [tilespmem:s2], [sflag:$0x3], $0x8000, s6, s5, $0x38;
	[tilespmem:$0x10000] =	vst v63  }
0x93: {  	_ =	swait.ge [sflag:s11], $0x8000  }
0x94: {  	[sflag:s11] =	ssyncset.done $0x0  }
0x95: {  	s1 =	rddreg [dreg:$0x1a];
	[sflag:s11] =	ssyncadd.s32 $0xFFFF8000  }
0x96: {  	[tilespmem:s2], [sflag:$0x1] =	stream.strided.gather [hbm4b:s1+s5], $0x8000, s6, s5, $0x38;
	[tilespmem:$0x10000] =	vst v63  }
0x97: {  	_ =	swait.ge [sflag:s4], $0x8000  }
0x98: {  	[sflag:s4] =	ssyncset.done $0x0  }
0x99: {  	s1 =	rddreg [dreg:$0x1b];
	[sflag:s4] =	ssyncadd.s32 $0xFFFF8000  }
0x9a: {  	[hbm4b:s1+s5] =	stream.strided.scatter [tilespmem:s6], [sflag:$0x4], $0x8000, s6, s5, $0x38;
	[tilespmem:$0x10000] =	vst v63  }
0x9b: {  	_ =	swait.ge [sflag:s15], $0x8000  }
0x9c: {  	[sflag:s15] =	ssyncset.done $0x0  }
0x9d: {  	s1 =	rddreg [dreg:$0x1c];
	[sflag:s15] =	ssyncadd.s32 $0xFFFF8000  }
0x9e: {  	[tilespmem:s6], [sflag:$0x2] =	stream.strided.gather [hbm4b:s1+s5], $0x8000, s6, s5, $0x38;
	[tilespmem:$0x10000] =	vst v63  }
0x9f: {  	_ =	swait.ge [sflag:s7], $0x8000  }
0xa0: {  	[sflag:s7] =	ssyncset.done $0x0  }
0xa1: {  	s1 =	rddreg [dreg:$0x1d];
	[sflag:s7] =	ssyncadd.s32 $0xFFFF8000  }
0xa2: {  	[hbm4b:s1+s5] =	stream.strided.scatter [tilespmem:s2], [sflag:$0x3], $0x8000, s6, s5, $0x38;
	[tilespmem:$0x10000] =	vst v63  }
0xa3: {  	_ =	swait.ge [sflag:s11], $0x8000  }
0xa4: {  	[sflag:s11] =	ssyncset.done $0x0  }
0xa5: {  	s1 =	rddreg [dreg:$0x1e];
	[sflag:s11] =	ssyncadd.s32 $0xFFFF8000  }
0xa6: {  	[tilespmem:s2], [sflag:$0x1] =	stream.strided.gather [hbm4b:s1+s5], $0x8000, s6, s5, $0x38;
	[tilespmem:$0x10000] =	vst v63  }
0xa7: {  	_ =	swait.ge [sflag:s4], $0x8000  }
0xa8: {  	[sflag:s4] =	ssyncset.done $0x0  }
0xa9: {  	s1 =	rddreg [dreg:$0x1f];
	[sflag:s4] =	ssyncadd.s32 $0xFFFF8000  }
0xaa: {  	[hbm4b:s1+s5] =	stream.strided.scatter [tilespmem:s6], [sflag:$0x4], $0x8000, s6, s5, $0x38;
	[tilespmem:$0x10000] =	vst v63  }
0xab: {  	_ =	swait.ge [sflag:s15], $0x8000  }
0xac: {  	s1 =	sld [smem:$0x7F1]  }
0xad: {  	[sflag:s15] =	ssyncset.done $0x0  }
0xae: {  	[sflag:s15] =	ssyncadd.s32 $0xFFFF8000  }
0xaf: {  	[tilespmem:s6], [sflag:$0x2] =	stream.strided.gather [hbm4b:s1+s5], $0x8000, s6, s5, $0x38;
	[tilespmem:$0x10000] =	vst v63  }
0xb0: {  	_ =	swait.ge [sflag:s7], $0x8000  }
0xb1: {  	s1 =	sld [smem:$0x7F2]  }
0xb2: {  	[sflag:s7] =	ssyncset.done $0x0  }
0xb3: {  	[sflag:s7] =	ssyncadd.s32 $0xFFFF8000  }
0xb4: {  	[hbm4b:s1+s5] =	stream.strided.scatter [tilespmem:s2], [sflag:$0x3], $0x8000, s6, s5, $0x38;
	[tilespmem:$0x10000] =	vst v63  }
0xb5: {  	_ =	swait.ge [sflag:s11], $0x8000  }
0xb6: {  	s1 =	sld [smem:$0x7F3]  }
0xb7: {  	[sflag:s11] =	ssyncset.done $0x0  }
0xb8: {  	[sflag:s11] =	ssyncadd.s32 $0xFFFF8000  }
0xb9: {  	[tilespmem:s2], [sflag:$0x1] =	stream.strided.gather [hbm4b:s1+s5], $0x8000, s6, s5, $0x38;
	[tilespmem:$0x10000] =	vst v63  }
0xba: {  	_ =	swait.ge [sflag:s4], $0x8000  }
0xbb: {  	s1 =	sld [smem:$0x7F4]  }
0xbc: {  	[sflag:s4] =	ssyncset.done $0x0  }
0xbd: {  	[sflag:s4] =	ssyncadd.s32 $0xFFFF8000  }
0xbe: {  	[hbm4b:s1+s5] =	stream.strided.scatter [tilespmem:s6], [sflag:$0x4], $0x8000, s6, s5, $0x38;
	[tilespmem:$0x10000] =	vst v63  }
0xbf: {  	_ =	swait.ge [sflag:s15], $0x8000  }
0xc0: {  	s1 =	sld [smem:$0x7F5]  }
0xc1: {  	[sflag:s15] =	ssyncset.done $0x0  }
0xc2: {  	[sflag:s15] =	ssyncadd.s32 $0xFFFF8000  }
0xc3: {  	[tilespmem:s6], [sflag:$0x2] =	stream.strided.gather [hbm4b:s1+s5], $0x8000, s6, s5, $0x38;
	[tilespmem:$0x10000] =	vst v63  }
0xc4: {  	_ =	swait.ge [sflag:s7], $0x8000  }
0xc5: {  	s1 =	sld [smem:$0x7F6]  }
0xc6: {  	[sflag:s7] =	ssyncset.done $0x0  }
0xc7: {  	[sflag:s7] =	ssyncadd.s32 $0xFFFF8000  }
0xc8: {  	[hbm4b:s1+s5] =	stream.strided.scatter [tilespmem:s2], [sflag:$0x3], $0x8000, s6, s5, $0x38;
	[tilespmem:$0x10000] =	vst v63  }
0xc9: {  	_ =	swait.ge [sflag:s11], $0x8000  }
0xca: {  	s1 =	sld [smem:$0x7F7]  }
0xcb: {  	[sflag:s11] =	ssyncset.done $0x0  }
0xcc: {  	[sflag:s11] =	ssyncadd.s32 $0xFFFF8000  }
0xcd: {  	[tilespmem:s2], [sflag:$0x1] =	stream.strided.gather [hbm4b:s1+s5], $0x8000, s6, s5, $0x38;
	[tilespmem:$0x10000] =	vst v63  }
0xce: {  	_ =	swait.ge [sflag:s4], $0x8000  }
0xcf: {  	s1 =	sld [smem:$0x7F8]  }
0xd0: {  	[sflag:s4] =	ssyncset.done $0x0  }
0xd1: {  	[sflag:s4] =	ssyncadd.s32 $0xFFFF8000  }
0xd2: {  	[hbm4b:s1+s5] =	stream.strided.scatter [tilespmem:s6], [sflag:$0x4], $0x8000, s6, s5, $0x38;
	[tilespmem:$0x10000] =	vst v63  }
0xd3: {  	_ =	swait.ge [sflag:s15], $0x8000  }
0xd4: {  	s1 =	sld [smem:$0x7F9]  }
0xd5: {  	[sflag:s15] =	ssyncset.done $0x0  }
0xd6: {  	[sflag:s15] =	ssyncadd.s32 $0xFFFF8000  }
0xd7: {  	[tilespmem:s6], [sflag:$0x2] =	stream.strided.gather [hbm4b:s1+s5], $0x8000, s6, s5, $0x38;
	[tilespmem:$0x10000] =	vst v63  }
0xd8: {  	_ =	swait.ge [sflag:s7], $0x8000  }
0xd9: {  	s1 =	sld [smem:$0x7FA]  }
0xda: {  	[sflag:s7] =	ssyncset.done $0x0  }
0xdb: {  	[sflag:s7] =	ssyncadd.s32 $0xFFFF8000  }
0xdc: {  	[hbm4b:s1+s5] =	stream.strided.scatter [tilespmem:s2], [sflag:$0x3], $0x8000, s6, s5, $0x38;
	[tilespmem:$0x10000] =	vst v63  }
0xdd: {  	_ =	swait.ge [sflag:s11], $0x8000  }
0xde: {  	s1 =	sld [smem:$0x7FB]  }
0xdf: {  	[sflag:s11] =	ssyncset.done $0x0  }
0xe0: {  	[sflag:s11] =	ssyncadd.s32 $0xFFFF8000  }
0xe1: {  	[tilespmem:s2], [sflag:$0x1] =	stream.strided.gather [hbm4b:s1+s5], $0x8000, s6, s5, $0x38;
	[tilespmem:$0x10000] =	vst v63  }
0xe2: {  	_ =	swait.ge [sflag:s4], $0x8000  }
0xe3: {  	s1 =	sld [smem:$0x7FC]  }
0xe4: {  	[sflag:s4] =	ssyncset.done $0x0  }
0xe5: {  	[sflag:s4] =	ssyncadd.s32 $0xFFFF8000  }
0xe6: {  	[hbm4b:s1+s5] =	stream.strided.scatter [tilespmem:s6], [sflag:$0x4], $0x8000, s6, s5, $0x38;
	[tilespmem:$0x10000] =	vst v63  }
0xe7: {  	_ =	swait.ge [sflag:s15], $0x8000  }
0xe8: {  	s1 =	sld [smem:$0x7FD]  }
0xe9: {  	[sflag:s15] =	ssyncset.done $0x0  }
0xea: {  	[sflag:s15] =	ssyncadd.s32 $0xFFFF8000  }
0xeb: {  	[tilespmem:s6], [sflag:$0x2] =	stream.strided.gather [hbm4b:s1+s5], $0x8000, s6, s5, $0x38;
	[tilespmem:$0x10000] =	vst v63  }
0xec: {  	_ =	swait.ge [sflag:s7], $0x8000  }
0xed: {  	[sflag:s7] =	ssyncset.done $0x0  }
0xee: {  	[sflag:s7] =	ssyncadd.s32 $0xFFFF8000  }
0xef: {  	[hbm4b:s31+s5] =	stream.strided.scatter [tilespmem:s2], [sflag:$0x3], $0x8000, s6, s5, $0x38;
	[tilespmem:$0x10000] =	vst v63  }
0xf0: {  	_ =	swait.ge [sflag:s11], $0x8000  }
0xf1: {  	[sflag:s11] =	ssyncset.done $0x0  }
0xf2: {  	[sflag:s11] =	ssyncadd.s32 $0xFFFF8000  }
0xf3: {  	[tilespmem:s2], [sflag:$0x1] =	stream.strided.gather [hbm4b:s30+s5], $0x8000, s6, s5, $0x38;
	[tilespmem:$0x10000] =	vst v63  }
0xf4: {  	_ =	swait.ge [sflag:s4], $0x8000  }
0xf5: {  	[sflag:s4] =	ssyncset.done $0x0  }
0xf6: {  	[sflag:s4] =	ssyncadd.s32 $0xFFFF8000  }
0xf7: {  	[hbm4b:s29+s5] =	stream.strided.scatter [tilespmem:s6], [sflag:$0x4], $0x8000, s6, s5, $0x38;
	[tilespmem:$0x10000] =	vst v63  }
0xf8: {  	_ =	swait.ge [sflag:s15], $0x8000  }
0xf9: {  	[sflag:s15] =	ssyncset.done $0x0  }
0xfa: {  	[sflag:s15] =	ssyncadd.s32 $0xFFFF8000  }
0xfb: {  	[tilespmem:s6], [sflag:$0x2] =	stream.strided.gather [hbm4b:s28+s5], $0x8000, s6, s5, $0x38;
	[tilespmem:$0x10000] =	vst v63  }
0xfc: {  	_ =	swait.ge [sflag:s7], $0x8000  }
0xfd: {  	[sflag:s7] =	ssyncset.done $0x0  }
0xfe: {  	[sflag:s7] =	ssyncadd.s32 $0xFFFF8000  }
0xff: {  	[hbm4b:s26+s5] =	stream.strided.scatter [tilespmem:s2], [sflag:$0x3], $0x8000, s6, s5, $0x38;
	[tilespmem:$0x10000] =	vst v63  }
0x100: {  	_ =	swait.ge [sflag:s11], $0x8000  }
0x101: {  	[sflag:s11] =	ssyncset.done $0x0  }
0x102: {  	[sflag:s11] =	ssyncadd.s32 $0xFFFF8000  }
0x103: {  	[tilespmem:s2], [sflag:$0x1] =	stream.strided.gather [hbm4b:s25+s5], $0x8000, s6, s5, $0x38;
	[tilespmem:$0x10000] =	vst v63  }
0x104: {  	_ =	swait.ge [sflag:s4], $0x8000  }
0x105: {  	[sflag:s4] =	ssyncset.done $0x0  }
0x106: {  	[sflag:s4] =	ssyncadd.s32 $0xFFFF8000  }
0x107: {  	[hbm4b:s24+s5] =	stream.strided.scatter [tilespmem:s6], [sflag:$0x4], $0x8000, s6, s5, $0x38;
	[tilespmem:$0x10000] =	vst v63  }
0x108: {  	_ =	swait.ge [sflag:s15], $0x8000  }
0x109: {  	[sflag:s15] =	ssyncset.done $0x0  }
0x10a: {  	[sflag:s15] =	ssyncadd.s32 $0xFFFF8000  }
0x10b: {  	[tilespmem:s6], [sflag:$0x2] =	stream.strided.gather [hbm4b:s23+s5], $0x8000, s6, s5, $0x38;
	[tilespmem:$0x10000] =	vst v63  }
0x10c: {  	_ =	swait.ge [sflag:s7], $0x8000  }
0x10d: {  	[sflag:s7] =	ssyncset.done $0x0  }
0x10e: {  	[sflag:s7] =	ssyncadd.s32 $0xFFFF8000  }
0x10f: {  	[hbm4b:s22+s5] =	stream.strided.scatter [tilespmem:s2], [sflag:$0x3], $0x8000, s6, s5, $0x38;
	[tilespmem:$0x10000] =	vst v63  }
0x110: {  	_ =	swait.ge [sflag:s11], $0x8000  }
0x111: {  	[sflag:s11] =	ssyncset.done $0x0  }
0x112: {  	[sflag:s11] =	ssyncadd.s32 $0xFFFF8000  }
0x113: {  	[tilespmem:s2], [sflag:$0x1] =	stream.strided.gather [hbm4b:s21+s5], $0x8000, s6, s5, $0x38;
	[tilespmem:$0x10000] =	vst v63  }
0x114: {  	_ =	swait.ge [sflag:s4], $0x8000  }
0x115: {  	[sflag:s4] =	ssyncset.done $0x0  }
0x116: {  	[sflag:s4] =	ssyncadd.s32 $0xFFFF8000  }
0x117: {  	[hbm4b:s20+s5] =	stream.strided.scatter [tilespmem:s6], [sflag:$0x4], $0x8000, s6, s5, $0x38;
	[tilespmem:$0x10000] =	vst v63  }
0x118: {  	_ =	swait.ge [sflag:s15], $0x8000  }
0x119: {  	[sflag:s15] =	ssyncset.done $0x0  }
0x11a: {  	[sflag:s15] =	ssyncadd.s32 $0xFFFF8000  }
0x11b: {  	[tilespmem:s6], [sflag:$0x2] =	stream.strided.gather [hbm4b:s19+s5], $0x8000, s6, s5, $0x38;
	[tilespmem:$0x10000] =	vst v63  }
0x11c: {  	_ =	swait.ge [sflag:s7], $0x8000  }
0x11d: {  	[sflag:s7] =	ssyncset.done $0x0  }
0x11e: {  	[sflag:s7] =	ssyncadd.s32 $0xFFFF8000  }
0x11f: {  	[hbm4b:s18+s5] =	stream.strided.scatter [tilespmem:s2], [sflag:$0x3], $0x8000, s6, s5, $0x38;
	[tilespmem:$0x10000] =	vst v63  }
0x120: {  	_ =	swait.ge [sflag:s11], $0x8000  }
0x121: {  	[sflag:s11] =	ssyncset.done $0x0  }
0x122: {  	[sflag:s11] =	ssyncadd.s32 $0xFFFF8000  }
0x123: {  	[tilespmem:s2], [sflag:$0x1] =	stream.strided.gather [hbm4b:s17+s5], $0x8000, s6, s5, $0x38;
	[tilespmem:$0x10000] =	vst v63  }
0x124: {  	_ =	swait.ge [sflag:s4], $0x8000  }
0x125: {  	[sflag:s4] =	ssyncset.done $0x0  }
0x126: {  	[sflag:s4] =	ssyncadd.s32 $0xFFFF8000  }
0x127: {  	[hbm4b:s16+s5] =	stream.strided.scatter [tilespmem:s6], [sflag:$0x4], $0x8000, s6, s5, $0x38;
	[tilespmem:$0x10000] =	vst v63  }
0x128: {  	_ =	swait.ge [sflag:s15], $0x8000  }
0x129: {  	[sflag:s15] =	ssyncset.done $0x0  }
0x12a: {  	[sflag:s15] =	ssyncadd.s32 $0xFFFF8000  }
0x12b: {  	[tilespmem:s6], [sflag:$0x2] =	stream.strided.gather [hbm4b:s14+s5], $0x8000, s6, s5, $0x38;
	[tilespmem:$0x10000] =	vst v63  }
0x12c: {  	_ =	swait.ge [sflag:s7], $0x8000  }
0x12d: {  	[sflag:s7] =	ssyncset.done $0x0  }
0x12e: {  	[sflag:s7] =	ssyncadd.s32 $0xFFFF8000  }
0x12f: {  	[hbm4b:s12+s5] =	stream.strided.scatter [tilespmem:s2], [sflag:$0x3], $0x8000, s6, s5, $0x38;
	[tilespmem:$0x10000] =	vst v63  }
0x130: {  	_ =	swait.ge [sflag:s11], $0x8000  }
0x131: {  	[sflag:s11] =	ssyncset.done $0x0  }
0x132: {  	[sflag:s11] =	ssyncadd.s32 $0xFFFF8000  }
0x133: {  	[tilespmem:s2], [sflag:$0x1] =	stream.strided.gather [hbm4b:s13+s5], $0x8000, s6, s5, $0x38;
	[tilespmem:$0x10000] =	vst v63  }
0x134: {  	_ =	swait.ge [sflag:s4], $0x8000  }
0x135: {  	[sflag:s4] =	ssyncset.done $0x0  }
0x136: {  	[sflag:s4] =	ssyncadd.s32 $0xFFFF8000  }
0x137: {  	[hbm4b:s10+s5] =	stream.strided.scatter [tilespmem:s6], [sflag:$0x4], $0x8000, s6, s5, $0x38;
	[tilespmem:$0x10000] =	vst v63  }
0x138: {  	_ =	swait.ge [sflag:s15], $0x8000  }
0x139: {  	[sflag:s15] =	ssyncset.done $0x0  }
0x13a: {  	[sflag:s15] =	ssyncadd.s32 $0xFFFF8000  }
0x13b: {  	[tilespmem:s6], [sflag:$0x2] =	stream.strided.gather [hbm4b:s9+s5], $0x8000, s6, s5, $0x38;
	[tilespmem:$0x10000] =	vst v63  }
0x13c: {  	_ =	swait.ge [sflag:s7], $0x8000  }
0x13d: {  	[sflag:s7] =	ssyncset.done $0x0  }
0x13e: {  	[sflag:s7] =	ssyncadd.s32 $0xFFFF8000  }
0x13f: {  	[hbm4b:s8+s5] =	stream.strided.scatter [tilespmem:s2], [sflag:$0x3], $0x8000, s6, s5, $0x38;
	[tilespmem:$0x10000] =	vst v63  }
0x140: {  	_ =	swait.ge [sflag:s11], $0x8000  }
0x141: {  	[sflag:s11] =	ssyncset.done $0x0  }
0x142: {  	[sflag:s11] =	ssyncadd.s32 $0xFFFF8000  }
0x143: {  	_ =	swait.ge [sflag:s4], $0x8000  }
0x144: {  	[sflag:s4] =	ssyncset.done $0x0  }
0x145: {  	[sflag:s4] =	ssyncadd.s32 $0xFFFF8000  }
0x146: {  	[hbm4b:s3+s5] =	stream.strided.scatter [tilespmem:s6], [sflag:$0x4], $0x8000, s6, s5, $0x38;
	[tilespmem:$0x10000] =	vst v63  }
0x147: {  	_ =	swait.ge [sflag:s7], $0x8000  }
0x148: {  	s1 =	sld [smem:$0x7F0];
	_ =	sdelay $0x2  }
0x149: {  	p1 =	sne.s32 s1, $0x1  }
.Ltmp1:
0x14a: {  	_ = 	snop;
	(pc) =	sbr.rel @!p1 .LBB2_3-.Ltmp1, $4  }
0x14b: {  	[sflag:s7] =	ssyncset.done $0x0  }
0x14c: {  	[sflag:s7] =	ssyncadd.s32 $0xFFFF8000  }
0x14d: {  	p0 =	por $0x1, $0x1;
	_ =	swait.ge [sflag:s4], $0x8000  }
0x14e: {  	s1 =	sadd.s32 $0xFFFFFFFF, s1;
	s0 =	rddreg [dreg:$0x3];
	[sflag:s4] =	ssyncset.done $0x0  }
.LBB2_2:
0x14f: {  	p1 =	sne.s32 s1, $0x1;
	s1 =	sadd.s32 $0xFFFFFFFF, s1;
	[sflag:s4] =	ssyncadd.s32 $0xFFFF8000  }
0x150: {  	[tilespmem:s2], [sflag:$0x1] =	stream.strided.gather [hbm4b:s0+s5], $0x8000, s6, s5, $0x38;
	[tilespmem:$0x10000] =	vst v63  }
0x151: {  	s4 =	simm.s32 $0x0;
	s2 =	smov.u32 s1  }
0x152: {  	s1 =	smov.u32 s31;
	s31 =	smov.u32 s30;
	s30 =	smov.u32 s29  }
0x153: {  	s29 =	smov.u32 s28;
	s28 =	smov.u32 s26;
	s26 =	smov.u32 s25  }
0x154: {  	s25 =	smov.u32 s24;
	s24 =	smov.u32 s23;
	s23 =	smov.u32 s22  }
0x155: {  	s22 =	smov.u32 s21;
	s21 =	smov.u32 s20;
	s20 =	smov.u32 s19  }
0x156: {  	s19 =	smov.u32 s18;
	s18 =	smov.u32 s17;
	s17 =	smov.u32 s16  }
0x157: {  	s16 =	smov.u32 s14;
	s14 =	smov.u32 s13;
	_ =	swait.ge [sflag:s15], $0x8000  }
0x158: {  	s13 =	smov.u32 s12;
	s12 =	smov.u32 s10;
	[sflag:s15] =	ssyncset.done $0x0  }
0x159: {  	s10 =	smov.u32 s9;
	s0 =	rddreg [dreg:$0x4];
	[sflag:s15] =	ssyncadd.s32 $0xFFFF8000  }
0x15a: {  	[tilespmem:s6], [sflag:$0x2] =	stream.strided.gather [hbm4b:s0+s5], $0x8000, s6, s5, $0x38;
	[tilespmem:$0x10000] =	vst v63  }
0x15b: {  	s9 =	smov.u32 s8;
	s8 =	smov.u32 s3;
	s3 =	rddreg [dreg:$0x5]  }
0x15c: {  	[hbm4b:s3+s5] =	stream.strided.scatter [tilespmem:s4], [sflag:$0x3], $0x8000, s6, s5, $0x38;
	[tilespmem:$0x10000] =	vst v63  }
0x15d: {  	_ =	swait.ge [sflag:s11], $0x8000  }
0x15e: {  	[sflag:s11] =	ssyncset.done $0x0  }
0x15f: {  	s0 =	rddreg [dreg:$0x6];
	[sflag:s11] =	ssyncadd.s32 $0xFFFF8000  }
0x160: {  	[tilespmem:s4], [sflag:$0x1] =	stream.strided.gather [hbm4b:s0+s5], $0x8000, s6, s5, $0x38;
	[tilespmem:$0x10000] =	vst v63  }
0x161: {  	s3 =	rddreg [dreg:$0x7]  }
0x162: {  	[hbm4b:s3+s5] =	stream.strided.scatter [tilespmem:s6], [sflag:$0x4], $0x8000, s6, s5, $0x38;
	[tilespmem:$0x10000] =	vst v63  }
0x163: {  	s3 =	smov.u32 s8;
	s8 =	smov.u32 s9  }
0x164: {  	s9 =	smov.u32 s10;
	s10 =	smov.u32 s12;
	s12 =	smov.u32 s13  }
0x165: {  	s13 =	smov.u32 s14;
	s14 =	smov.u32 s16;
	s16 =	smov.u32 s17  }
0x166: {  	s17 =	smov.u32 s18;
	s18 =	smov.u32 s19;
	s19 =	smov.u32 s20  }
0x167: {  	s20 =	smov.u32 s21;
	s21 =	smov.u32 s22;
	s22 =	smov.u32 s23  }
0x168: {  	s23 =	smov.u32 s24;
	s24 =	smov.u32 s25;
	_ =	swait.ge [sflag:s15], $0x8000  }
0x169: {  	s25 =	smov.u32 s26;
	s26 =	smov.u32 s28;
	[sflag:s15] =	ssyncset.done $0x0  }
0x16a: {  	s28 =	smov.u32 s29;
	s0 =	rddreg [dreg:$0x8];
	[sflag:s15] =	ssyncadd.s32 $0xFFFF8000  }
0x16b: {  	[tilespmem:s6], [sflag:$0x2] =	stream.strided.gather [hbm4b:s0+s5], $0x8000, s6, s5, $0x38;
	[tilespmem:$0x10000] =	vst v63  }
0x16c: {  	s29 =	smov.u32 s30;
	s30 =	smov.u32 s31;
	_ =	swait.ge [sflag:s7], $0x8000  }
0x16d: {  	s31 =	smov.u32 s1;
	s1 =	smov.u32 s2;
	[sflag:s7] =	ssyncset.done $0x0  }
0x16e: {  	s2 =	simm.s32 $0x0;
	s0 =	rddreg [dreg:$0x9];
	[sflag:s7] =	ssyncadd.s32 $0xFFFF8000  }
0x16f: {  	[hbm4b:s0+s5] =	stream.strided.scatter [tilespmem:s2], [sflag:$0x3], $0x8000, s6, s5, $0x38;
	[tilespmem:$0x10000] =	vst v63  }
0x170: {  	_ =	swait.ge [sflag:s11], $0x8000  }
0x171: {  	[sflag:s11] =	ssyncset.done $0x0  }
0x172: {  	s4 =	simm.s32 $0x4;
	s0 =	rddreg [dreg:$0xa];
	[sflag:s11] =	ssyncadd.s32 $0xFFFF8000  }
0x173: {  	[tilespmem:s2], [sflag:$0x1] =	stream.strided.gather [hbm4b:s0+s5], $0x8000, s6, s5, $0x38;
	[tilespmem:$0x10000] =	vst v63  }
0x174: {  	_ =	swait.ge [sflag:s4], $0x8000  }
0x175: {  	[sflag:s4] =	ssyncset.done $0x0  }
0x176: {  	s0 =	rddreg [dreg:$0xb];
	[sflag:s4] =	ssyncadd.s32 $0xFFFF8000  }
0x177: {  	[hbm4b:s0+s5] =	stream.strided.scatter [tilespmem:s6], [sflag:$0x4], $0x8000, s6, s5, $0x38;
	[tilespmem:$0x10000] =	vst v63  }
0x178: {  	_ =	swait.ge [sflag:s15], $0x8000  }
0x179: {  	[sflag:s15] =	ssyncset.done $0x0  }
0x17a: {  	s0 =	rddreg [dreg:$0xc];
	[sflag:s15] =	ssyncadd.s32 $0xFFFF8000  }
0x17b: {  	[tilespmem:s6], [sflag:$0x2] =	stream.strided.gather [hbm4b:s0+s5], $0x8000, s6, s5, $0x38;
	[tilespmem:$0x10000] =	vst v63  }
0x17c: {  	_ =	swait.ge [sflag:s7], $0x8000  }
0x17d: {  	[sflag:s7] =	ssyncset.done $0x0  }
0x17e: {  	s0 =	rddreg [dreg:$0xd];
	[sflag:s7] =	ssyncadd.s32 $0xFFFF8000  }
0x17f: {  	[hbm4b:s0+s5] =	stream.strided.scatter [tilespmem:s2], [sflag:$0x3], $0x8000, s6, s5, $0x38;
	[tilespmem:$0x10000] =	vst v63  }
0x180: {  	_ =	swait.ge [sflag:s11], $0x8000  }
0x181: {  	[sflag:s11] =	ssyncset.done $0x0  }
0x182: {  	s0 =	rddreg [dreg:$0xe];
	[sflag:s11] =	ssyncadd.s32 $0xFFFF8000  }
0x183: {  	[tilespmem:s2], [sflag:$0x1] =	stream.strided.gather [hbm4b:s0+s5], $0x8000, s6, s5, $0x38;
	[tilespmem:$0x10000] =	vst v63  }
0x184: {  	_ =	swait.ge [sflag:s4], $0x8000  }
0x185: {  	[sflag:s4] =	ssyncset.done $0x0  }
0x186: {  	s0 =	rddreg [dreg:$0xf];
	[sflag:s4] =	ssyncadd.s32 $0xFFFF8000  }
0x187: {  	[hbm4b:s0+s5] =	stream.strided.scatter [tilespmem:s6], [sflag:$0x4], $0x8000, s6, s5, $0x38;
	[tilespmem:$0x10000] =	vst v63  }
0x188: {  	_ =	swait.ge [sflag:s15], $0x8000  }
0x189: {  	[sflag:s15] =	ssyncset.done $0x0  }
0x18a: {  	s0 =	rddreg [dreg:$0x10];
	[sflag:s15] =	ssyncadd.s32 $0xFFFF8000  }
0x18b: {  	[tilespmem:s6], [sflag:$0x2] =	stream.strided.gather [hbm4b:s0+s5], $0x8000, s6, s5, $0x38;
	[tilespmem:$0x10000] =	vst v63  }
0x18c: {  	_ =	swait.ge [sflag:s7], $0x8000  }
0x18d: {  	[sflag:s7] =	ssyncset.done $0x0  }
0x18e: {  	s0 =	rddreg [dreg:$0x11];
	[sflag:s7] =	ssyncadd.s32 $0xFFFF8000  }
0x18f: {  	[hbm4b:s0+s5] =	stream.strided.scatter [tilespmem:s2], [sflag:$0x3], $0x8000, s6, s5, $0x38;
	[tilespmem:$0x10000] =	vst v63  }
0x190: {  	_ =	swait.ge [sflag:s11], $0x8000  }
0x191: {  	[sflag:s11] =	ssyncset.done $0x0  }
0x192: {  	s0 =	rddreg [dreg:$0x12];
	[sflag:s11] =	ssyncadd.s32 $0xFFFF8000  }
0x193: {  	[tilespmem:s2], [sflag:$0x1] =	stream.strided.gather [hbm4b:s0+s5], $0x8000, s6, s5, $0x38;
	[tilespmem:$0x10000] =	vst v63  }
0x194: {  	_ =	swait.ge [sflag:s4], $0x8000  }
0x195: {  	[sflag:s4] =	ssyncset.done $0x0  }
0x196: {  	s0 =	rddreg [dreg:$0x13];
	[sflag:s4] =	ssyncadd.s32 $0xFFFF8000  }
0x197: {  	[hbm4b:s0+s5] =	stream.strided.scatter [tilespmem:s6], [sflag:$0x4], $0x8000, s6, s5, $0x38;
	[tilespmem:$0x10000] =	vst v63  }
0x198: {  	_ =	swait.ge [sflag:s15], $0x8000  }
0x199: {  	[sflag:s15] =	ssyncset.done $0x0  }
0x19a: {  	s0 =	rddreg [dreg:$0x14];
	[sflag:s15] =	ssyncadd.s32 $0xFFFF8000  }
0x19b: {  	[tilespmem:s6], [sflag:$0x2] =	stream.strided.gather [hbm4b:s0+s5], $0x8000, s6, s5, $0x38;
	[tilespmem:$0x10000] =	vst v63  }
0x19c: {  	_ =	swait.ge [sflag:s7], $0x8000  }
0x19d: {  	[sflag:s7] =	ssyncset.done $0x0  }
0x19e: {  	s0 =	rddreg [dreg:$0x15];
	[sflag:s7] =	ssyncadd.s32 $0xFFFF8000  }
0x19f: {  	[hbm4b:s0+s5] =	stream.strided.scatter [tilespmem:s2], [sflag:$0x3], $0x8000, s6, s5, $0x38;
	[tilespmem:$0x10000] =	vst v63  }
0x1a0: {  	_ =	swait.ge [sflag:s11], $0x8000  }
0x1a1: {  	[sflag:s11] =	ssyncset.done $0x0  }
0x1a2: {  	s0 =	rddreg [dreg:$0x16];
	[sflag:s11] =	ssyncadd.s32 $0xFFFF8000  }
0x1a3: {  	[tilespmem:s2], [sflag:$0x1] =	stream.strided.gather [hbm4b:s0+s5], $0x8000, s6, s5, $0x38;
	[tilespmem:$0x10000] =	vst v63  }
0x1a4: {  	_ =	swait.ge [sflag:s4], $0x8000  }
0x1a5: {  	[sflag:s4] =	ssyncset.done $0x0  }
0x1a6: {  	s0 =	rddreg [dreg:$0x17];
	[sflag:s4] =	ssyncadd.s32 $0xFFFF8000  }
0x1a7: {  	[hbm4b:s0+s5] =	stream.strided.scatter [tilespmem:s6], [sflag:$0x4], $0x8000, s6, s5, $0x38;
	[tilespmem:$0x10000] =	vst v63  }
0x1a8: {  	_ =	swait.ge [sflag:s15], $0x8000  }
0x1a9: {  	[sflag:s15] =	ssyncset.done $0x0  }
0x1aa: {  	s0 =	rddreg [dreg:$0x18];
	[sflag:s15] =	ssyncadd.s32 $0xFFFF8000  }
0x1ab: {  	[tilespmem:s6], [sflag:$0x2] =	stream.strided.gather [hbm4b:s0+s5], $0x8000, s6, s5, $0x38;
	[tilespmem:$0x10000] =	vst v63  }
0x1ac: {  	_ =	swait.ge [sflag:s7], $0x8000  }
0x1ad: {  	[sflag:s7] =	ssyncset.done $0x0  }
0x1ae: {  	s0 =	rddreg [dreg:$0x19];
	[sflag:s7] =	ssyncadd.s32 $0xFFFF8000  }
0x1af: {  	[hbm4b:s0+s5] =	stream.strided.scatter [tilespmem:s2], [sflag:$0x3], $0x8000, s6, s5, $0x38;
	[tilespmem:$0x10000] =	vst v63  }
0x1b0: {  	_ =	swait.ge [sflag:s11], $0x8000  }
0x1b1: {  	[sflag:s11] =	ssyncset.done $0x0  }
0x1b2: {  	s0 =	rddreg [dreg:$0x1a];
	[sflag:s11] =	ssyncadd.s32 $0xFFFF8000  }
0x1b3: {  	[tilespmem:s2], [sflag:$0x1] =	stream.strided.gather [hbm4b:s0+s5], $0x8000, s6, s5, $0x38;
	[tilespmem:$0x10000] =	vst v63  }
0x1b4: {  	_ =	swait.ge [sflag:s4], $0x8000  }
0x1b5: {  	[sflag:s4] =	ssyncset.done $0x0  }
0x1b6: {  	s0 =	rddreg [dreg:$0x1b];
	[sflag:s4] =	ssyncadd.s32 $0xFFFF8000  }
0x1b7: {  	[hbm4b:s0+s5] =	stream.strided.scatter [tilespmem:s6], [sflag:$0x4], $0x8000, s6, s5, $0x38;
	[tilespmem:$0x10000] =	vst v63  }
0x1b8: {  	_ =	swait.ge [sflag:s15], $0x8000  }
0x1b9: {  	[sflag:s15] =	ssyncset.done $0x0  }
0x1ba: {  	s0 =	rddreg [dreg:$0x1c];
	[sflag:s15] =	ssyncadd.s32 $0xFFFF8000  }
0x1bb: {  	[tilespmem:s6], [sflag:$0x2] =	stream.strided.gather [hbm4b:s0+s5], $0x8000, s6, s5, $0x38;
	[tilespmem:$0x10000] =	vst v63  }
0x1bc: {  	_ =	swait.ge [sflag:s7], $0x8000  }
0x1bd: {  	[sflag:s7] =	ssyncset.done $0x0  }
0x1be: {  	s0 =	rddreg [dreg:$0x1d];
	[sflag:s7] =	ssyncadd.s32 $0xFFFF8000  }
0x1bf: {  	[hbm4b:s0+s5] =	stream.strided.scatter [tilespmem:s2], [sflag:$0x3], $0x8000, s6, s5, $0x38;
	[tilespmem:$0x10000] =	vst v63  }
0x1c0: {  	_ =	swait.ge [sflag:s11], $0x8000  }
0x1c1: {  	[sflag:s11] =	ssyncset.done $0x0  }
0x1c2: {  	s0 =	rddreg [dreg:$0x1e];
	[sflag:s11] =	ssyncadd.s32 $0xFFFF8000  }
0x1c3: {  	[tilespmem:s2], [sflag:$0x1] =	stream.strided.gather [hbm4b:s0+s5], $0x8000, s6, s5, $0x38;
	[tilespmem:$0x10000] =	vst v63  }
0x1c4: {  	_ =	swait.ge [sflag:s4], $0x8000  }
0x1c5: {  	[sflag:s4] =	ssyncset.done $0x0  }
0x1c6: {  	s0 =	rddreg [dreg:$0x1f];
	[sflag:s4] =	ssyncadd.s32 $0xFFFF8000  }
0x1c7: {  	[hbm4b:s0+s5] =	stream.strided.scatter [tilespmem:s6], [sflag:$0x4], $0x8000, s6, s5, $0x38;
	[tilespmem:$0x10000] =	vst v63  }
0x1c8: {  	_ =	swait.ge [sflag:s15], $0x8000  }
0x1c9: {  	s0 =	sld [smem:$0x7F1]  }
0x1ca: {  	[sflag:s15] =	ssyncset.done $0x0  }
0x1cb: {  	[sflag:s15] =	ssyncadd.s32 $0xFFFF8000  }
0x1cc: {  	[tilespmem:s6], [sflag:$0x2] =	stream.strided.gather [hbm4b:s0+s5], $0x8000, s6, s5, $0x38;
	[tilespmem:$0x10000] =	vst v63  }
0x1cd: {  	_ =	swait.ge [sflag:s7], $0x8000  }
0x1ce: {  	s0 =	sld [smem:$0x7F2]  }
0x1cf: {  	[sflag:s7] =	ssyncset.done $0x0  }
0x1d0: {  	[sflag:s7] =	ssyncadd.s32 $0xFFFF8000  }
0x1d1: {  	[hbm4b:s0+s5] =	stream.strided.scatter [tilespmem:s2], [sflag:$0x3], $0x8000, s6, s5, $0x38;
	[tilespmem:$0x10000] =	vst v63  }
0x1d2: {  	_ =	swait.ge [sflag:s11], $0x8000  }
0x1d3: {  	s0 =	sld [smem:$0x7F3]  }
0x1d4: {  	[sflag:s11] =	ssyncset.done $0x0  }
0x1d5: {  	[sflag:s11] =	ssyncadd.s32 $0xFFFF8000  }
0x1d6: {  	[tilespmem:s2], [sflag:$0x1] =	stream.strided.gather [hbm4b:s0+s5], $0x8000, s6, s5, $0x38;
	[tilespmem:$0x10000] =	vst v63  }
0x1d7: {  	_ =	swait.ge [sflag:s4], $0x8000  }
0x1d8: {  	s0 =	sld [smem:$0x7F4]  }
0x1d9: {  	[sflag:s4] =	ssyncset.done $0x0  }
0x1da: {  	[sflag:s4] =	ssyncadd.s32 $0xFFFF8000  }
0x1db: {  	[hbm4b:s0+s5] =	stream.strided.scatter [tilespmem:s6], [sflag:$0x4], $0x8000, s6, s5, $0x38;
	[tilespmem:$0x10000] =	vst v63  }
0x1dc: {  	_ =	swait.ge [sflag:s15], $0x8000  }
0x1dd: {  	s0 =	sld [smem:$0x7F5]  }
0x1de: {  	[sflag:s15] =	ssyncset.done $0x0  }
0x1df: {  	[sflag:s15] =	ssyncadd.s32 $0xFFFF8000  }
0x1e0: {  	[tilespmem:s6], [sflag:$0x2] =	stream.strided.gather [hbm4b:s0+s5], $0x8000, s6, s5, $0x38;
	[tilespmem:$0x10000] =	vst v63  }
0x1e1: {  	_ =	swait.ge [sflag:s7], $0x8000  }
0x1e2: {  	s0 =	sld [smem:$0x7F6]  }
0x1e3: {  	[sflag:s7] =	ssyncset.done $0x0  }
0x1e4: {  	[sflag:s7] =	ssyncadd.s32 $0xFFFF8000  }
0x1e5: {  	[hbm4b:s0+s5] =	stream.strided.scatter [tilespmem:s2], [sflag:$0x3], $0x8000, s6, s5, $0x38;
	[tilespmem:$0x10000] =	vst v63  }
0x1e6: {  	_ =	swait.ge [sflag:s11], $0x8000  }
0x1e7: {  	s0 =	sld [smem:$0x7F7]  }
0x1e8: {  	[sflag:s11] =	ssyncset.done $0x0  }
0x1e9: {  	[sflag:s11] =	ssyncadd.s32 $0xFFFF8000  }
0x1ea: {  	[tilespmem:s2], [sflag:$0x1] =	stream.strided.gather [hbm4b:s0+s5], $0x8000, s6, s5, $0x38;
	[tilespmem:$0x10000] =	vst v63  }
0x1eb: {  	_ =	swait.ge [sflag:s4], $0x8000  }
0x1ec: {  	s0 =	sld [smem:$0x7F8]  }
0x1ed: {  	[sflag:s4] =	ssyncset.done $0x0  }
0x1ee: {  	[sflag:s4] =	ssyncadd.s32 $0xFFFF8000  }
0x1ef: {  	[hbm4b:s0+s5] =	stream.strided.scatter [tilespmem:s6], [sflag:$0x4], $0x8000, s6, s5, $0x38;
	[tilespmem:$0x10000] =	vst v63  }
0x1f0: {  	_ =	swait.ge [sflag:s15], $0x8000  }
0x1f1: {  	s0 =	sld [smem:$0x7F9]  }
0x1f2: {  	[sflag:s15] =	ssyncset.done $0x0  }
0x1f3: {  	[sflag:s15] =	ssyncadd.s32 $0xFFFF8000  }
0x1f4: {  	[tilespmem:s6], [sflag:$0x2] =	stream.strided.gather [hbm4b:s0+s5], $0x8000, s6, s5, $0x38;
	[tilespmem:$0x10000] =	vst v63  }
0x1f5: {  	_ =	swait.ge [sflag:s7], $0x8000  }
0x1f6: {  	s0 =	sld [smem:$0x7FA]  }
0x1f7: {  	[sflag:s7] =	ssyncset.done $0x0  }
0x1f8: {  	[sflag:s7] =	ssyncadd.s32 $0xFFFF8000  }
0x1f9: {  	[hbm4b:s0+s5] =	stream.strided.scatter [tilespmem:s2], [sflag:$0x3], $0x8000, s6, s5, $0x38;
	[tilespmem:$0x10000] =	vst v63  }
0x1fa: {  	_ =	swait.ge [sflag:s11], $0x8000  }
0x1fb: {  	s0 =	sld [smem:$0x7FB]  }
0x1fc: {  	[sflag:s11] =	ssyncset.done $0x0  }
0x1fd: {  	[sflag:s11] =	ssyncadd.s32 $0xFFFF8000  }
0x1fe: {  	[tilespmem:s2], [sflag:$0x1] =	stream.strided.gather [hbm4b:s0+s5], $0x8000, s6, s5, $0x38;
	[tilespmem:$0x10000] =	vst v63  }
0x1ff: {  	_ =	swait.ge [sflag:s4], $0x8000  }
0x200: {  	s0 =	sld [smem:$0x7FC]  }
0x201: {  	[sflag:s4] =	ssyncset.done $0x0  }
0x202: {  	[sflag:s4] =	ssyncadd.s32 $0xFFFF8000  }
0x203: {  	[hbm4b:s0+s5] =	stream.strided.scatter [tilespmem:s6], [sflag:$0x4], $0x8000, s6, s5, $0x38;
	[tilespmem:$0x10000] =	vst v63  }
0x204: {  	_ =	swait.ge [sflag:s15], $0x8000  }
0x205: {  	s0 =	sld [smem:$0x7FD]  }
0x206: {  	[sflag:s15] =	ssyncset.done $0x0  }
0x207: {  	[sflag:s15] =	ssyncadd.s32 $0xFFFF8000  }
0x208: {  	[tilespmem:s6], [sflag:$0x2] =	stream.strided.gather [hbm4b:s0+s5], $0x8000, s6, s5, $0x38;
	[tilespmem:$0x10000] =	vst v63  }
0x209: {  	_ =	swait.ge [sflag:s7], $0x8000  }
0x20a: {  	[sflag:s7] =	ssyncset.done $0x0  }
0x20b: {  	[sflag:s7] =	ssyncadd.s32 $0xFFFF8000  }
0x20c: {  	[hbm4b:s31+s5] =	stream.strided.scatter [tilespmem:s2], [sflag:$0x3], $0x8000, s6, s5, $0x38;
	[tilespmem:$0x10000] =	vst v63  }
0x20d: {  	_ =	swait.ge [sflag:s11], $0x8000  }
0x20e: {  	[sflag:s11] =	ssyncset.done $0x0  }
0x20f: {  	[sflag:s11] =	ssyncadd.s32 $0xFFFF8000  }
0x210: {  	[tilespmem:s2], [sflag:$0x1] =	stream.strided.gather [hbm4b:s30+s5], $0x8000, s6, s5, $0x38;
	[tilespmem:$0x10000] =	vst v63  }
0x211: {  	_ =	swait.ge [sflag:s4], $0x8000  }
0x212: {  	[sflag:s4] =	ssyncset.done $0x0  }
0x213: {  	[sflag:s4] =	ssyncadd.s32 $0xFFFF8000  }
0x214: {  	[hbm4b:s29+s5] =	stream.strided.scatter [tilespmem:s6], [sflag:$0x4], $0x8000, s6, s5, $0x38;
	[tilespmem:$0x10000] =	vst v63  }
0x215: {  	_ =	swait.ge [sflag:s15], $0x8000  }
0x216: {  	[sflag:s15] =	ssyncset.done $0x0  }
0x217: {  	[sflag:s15] =	ssyncadd.s32 $0xFFFF8000  }
0x218: {  	[tilespmem:s6], [sflag:$0x2] =	stream.strided.gather [hbm4b:s28+s5], $0x8000, s6, s5, $0x38;
	[tilespmem:$0x10000] =	vst v63  }
0x219: {  	_ =	swait.ge [sflag:s7], $0x8000  }
0x21a: {  	[sflag:s7] =	ssyncset.done $0x0  }
0x21b: {  	[sflag:s7] =	ssyncadd.s32 $0xFFFF8000  }
0x21c: {  	[hbm4b:s26+s5] =	stream.strided.scatter [tilespmem:s2], [sflag:$0x3], $0x8000, s6, s5, $0x38;
	[tilespmem:$0x10000] =	vst v63  }
0x21d: {  	_ =	swait.ge [sflag:s11], $0x8000  }
0x21e: {  	[sflag:s11] =	ssyncset.done $0x0  }
0x21f: {  	[sflag:s11] =	ssyncadd.s32 $0xFFFF8000  }
0x220: {  	[tilespmem:s2], [sflag:$0x1] =	stream.strided.gather [hbm4b:s25+s5], $0x8000, s6, s5, $0x38;
	[tilespmem:$0x10000] =	vst v63  }
0x221: {  	_ =	swait.ge [sflag:s4], $0x8000  }
0x222: {  	[sflag:s4] =	ssyncset.done $0x0  }
0x223: {  	[sflag:s4] =	ssyncadd.s32 $0xFFFF8000  }
0x224: {  	[hbm4b:s24+s5] =	stream.strided.scatter [tilespmem:s6], [sflag:$0x4], $0x8000, s6, s5, $0x38;
	[tilespmem:$0x10000] =	vst v63  }
0x225: {  	_ =	swait.ge [sflag:s15], $0x8000  }
0x226: {  	[sflag:s15] =	ssyncset.done $0x0  }
0x227: {  	[sflag:s15] =	ssyncadd.s32 $0xFFFF8000  }
0x228: {  	[tilespmem:s6], [sflag:$0x2] =	stream.strided.gather [hbm4b:s23+s5], $0x8000, s6, s5, $0x38;
	[tilespmem:$0x10000] =	vst v63  }
0x229: {  	_ =	swait.ge [sflag:s7], $0x8000  }
0x22a: {  	[sflag:s7] =	ssyncset.done $0x0  }
0x22b: {  	[sflag:s7] =	ssyncadd.s32 $0xFFFF8000  }
0x22c: {  	[hbm4b:s22+s5] =	stream.strided.scatter [tilespmem:s2], [sflag:$0x3], $0x8000, s6, s5, $0x38;
	[tilespmem:$0x10000] =	vst v63  }
0x22d: {  	_ =	swait.ge [sflag:s11], $0x8000  }
0x22e: {  	[sflag:s11] =	ssyncset.done $0x0  }
0x22f: {  	[sflag:s11] =	ssyncadd.s32 $0xFFFF8000  }
0x230: {  	[tilespmem:s2], [sflag:$0x1] =	stream.strided.gather [hbm4b:s21+s5], $0x8000, s6, s5, $0x38;
	[tilespmem:$0x10000] =	vst v63  }
0x231: {  	_ =	swait.ge [sflag:s4], $0x8000  }
0x232: {  	[sflag:s4] =	ssyncset.done $0x0  }
0x233: {  	[sflag:s4] =	ssyncadd.s32 $0xFFFF8000  }
0x234: {  	[hbm4b:s20+s5] =	stream.strided.scatter [tilespmem:s6], [sflag:$0x4], $0x8000, s6, s5, $0x38;
	[tilespmem:$0x10000] =	vst v63  }
0x235: {  	_ =	swait.ge [sflag:s15], $0x8000  }
0x236: {  	[sflag:s15] =	ssyncset.done $0x0  }
0x237: {  	[sflag:s15] =	ssyncadd.s32 $0xFFFF8000  }
0x238: {  	[tilespmem:s6], [sflag:$0x2] =	stream.strided.gather [hbm4b:s19+s5], $0x8000, s6, s5, $0x38;
	[tilespmem:$0x10000] =	vst v63  }
0x239: {  	_ =	swait.ge [sflag:s7], $0x8000  }
0x23a: {  	[sflag:s7] =	ssyncset.done $0x0  }
0x23b: {  	[sflag:s7] =	ssyncadd.s32 $0xFFFF8000  }
0x23c: {  	[hbm4b:s18+s5] =	stream.strided.scatter [tilespmem:s2], [sflag:$0x3], $0x8000, s6, s5, $0x38;
	[tilespmem:$0x10000] =	vst v63  }
0x23d: {  	_ =	swait.ge [sflag:s11], $0x8000  }
0x23e: {  	[sflag:s11] =	ssyncset.done $0x0  }
0x23f: {  	[sflag:s11] =	ssyncadd.s32 $0xFFFF8000  }
0x240: {  	[tilespmem:s2], [sflag:$0x1] =	stream.strided.gather [hbm4b:s17+s5], $0x8000, s6, s5, $0x38;
	[tilespmem:$0x10000] =	vst v63  }
0x241: {  	_ =	swait.ge [sflag:s4], $0x8000  }
0x242: {  	[sflag:s4] =	ssyncset.done $0x0  }
0x243: {  	[sflag:s4] =	ssyncadd.s32 $0xFFFF8000  }
0x244: {  	[hbm4b:s16+s5] =	stream.strided.scatter [tilespmem:s6], [sflag:$0x4], $0x8000, s6, s5, $0x38;
	[tilespmem:$0x10000] =	vst v63  }
0x245: {  	_ =	swait.ge [sflag:s15], $0x8000  }
0x246: {  	[sflag:s15] =	ssyncset.done $0x0  }
0x247: {  	[sflag:s15] =	ssyncadd.s32 $0xFFFF8000  }
0x248: {  	[tilespmem:s6], [sflag:$0x2] =	stream.strided.gather [hbm4b:s14+s5], $0x8000, s6, s5, $0x38;
	[tilespmem:$0x10000] =	vst v63  }
0x249: {  	_ =	swait.ge [sflag:s7], $0x8000  }
0x24a: {  	[sflag:s7] =	ssyncset.done $0x0  }
0x24b: {  	[sflag:s7] =	ssyncadd.s32 $0xFFFF8000  }
0x24c: {  	[hbm4b:s12+s5] =	stream.strided.scatter [tilespmem:s2], [sflag:$0x3], $0x8000, s6, s5, $0x38;
	[tilespmem:$0x10000] =	vst v63  }
0x24d: {  	_ =	swait.ge [sflag:s11], $0x8000  }
0x24e: {  	[sflag:s11] =	ssyncset.done $0x0  }
0x24f: {  	[sflag:s11] =	ssyncadd.s32 $0xFFFF8000  }
0x250: {  	[tilespmem:s2], [sflag:$0x1] =	stream.strided.gather [hbm4b:s13+s5], $0x8000, s6, s5, $0x38;
	[tilespmem:$0x10000] =	vst v63  }
0x251: {  	_ =	swait.ge [sflag:s4], $0x8000  }
0x252: {  	[sflag:s4] =	ssyncset.done $0x0  }
0x253: {  	[sflag:s4] =	ssyncadd.s32 $0xFFFF8000  }
0x254: {  	[hbm4b:s10+s5] =	stream.strided.scatter [tilespmem:s6], [sflag:$0x4], $0x8000, s6, s5, $0x38;
	[tilespmem:$0x10000] =	vst v63  }
0x255: {  	_ =	swait.ge [sflag:s15], $0x8000  }
0x256: {  	[sflag:s15] =	ssyncset.done $0x0  }
0x257: {  	[sflag:s15] =	ssyncadd.s32 $0xFFFF8000  }
0x258: {  	[tilespmem:s6], [sflag:$0x2] =	stream.strided.gather [hbm4b:s9+s5], $0x8000, s6, s5, $0x38;
	[tilespmem:$0x10000] =	vst v63  }
0x259: {  	_ =	swait.ge [sflag:s7], $0x8000  }
0x25a: {  	[sflag:s7] =	ssyncset.done $0x0  }
0x25b: {  	[sflag:s7] =	ssyncadd.s32 $0xFFFF8000  }
0x25c: {  	[hbm4b:s8+s5] =	stream.strided.scatter [tilespmem:s2], [sflag:$0x3], $0x8000, s6, s5, $0x38;
	[tilespmem:$0x10000] =	vst v63  }
0x25d: {  	_ =	swait.ge [sflag:s11], $0x8000  }
0x25e: {  	[sflag:s11] =	ssyncset.done $0x0  }
0x25f: {  	[sflag:s11] =	ssyncadd.s32 $0xFFFF8000  }
0x260: {  	_ =	swait.ge [sflag:s4], $0x8000  }
0x261: {  	[sflag:s4] =	ssyncset.done $0x0  }
0x262: {  	[sflag:s4] =	ssyncadd.s32 $0xFFFF8000  }
0x263: {  	[hbm4b:s3+s5] =	stream.strided.scatter [tilespmem:s6], [sflag:$0x4], $0x8000, s6, s5, $0x38;
	[tilespmem:$0x10000] =	vst v63  }
.Ltmp2:
0x264: {  	_ =	swait.ge [sflag:s7], $0x8000;
	(pc) =	sbr.rel @p1 .LBB2_2-.Ltmp2, $4  }
0x265: {  	[sflag:s7] =	ssyncset.done $0x0  }
0x266: {  	[sflag:s7] =	ssyncadd.s32 $0xFFFF8000  }
0x267: {  	_ =	swait.ge [sflag:s4], $0x8000  }
0x268: {  	s0 =	rddreg [dreg:$0x3];
	[sflag:s4] =	ssyncset.done $0x0  }
.LBB2_3:
0x269: {  	[sflag:s4] =	ssyncadd.s32 @p0 $0xFFFF8000  }
0x26a: {  	[tilespmem:s2], [sflag:$0x1] =	stream.strided.gather [hbm4b:s0+s5], $0x8000, s6, s5, $0x38;
	[tilespmem:$0x10000] =	vst v63  }
0x26b: {  	_ =	swait.ge [sflag:s15], $0x8000  }
0x26c: {  	[sflag:s15] =	ssyncset.done $0x0  }
0x26d: {  	s0 =	rddreg [dreg:$0x4];
	[sflag:s15] =	ssyncadd.s32 $0xFFFF8000  }
0x26e: {  	[tilespmem:s6], [sflag:$0x2] =	stream.strided.gather [hbm4b:s0+s5], $0x8000, s6, s5, $0x38;
	[tilespmem:$0x10000] =	vst v63  }
0x26f: {  	s1 =	rddreg [dreg:$0x5]  }
0x270: {  	[hbm4b:s1+s5] =	stream.strided.scatter [tilespmem:s2], [sflag:$0x3], $0x8000, s6, s5, $0x38;
	[tilespmem:$0x10000] =	vst v63  }
0x271: {  	_ =	swait.ge [sflag:s11], $0x8000  }
0x272: {  	[sflag:s11] =	ssyncset.done $0x0  }
0x273: {  	s0 =	rddreg [dreg:$0x6];
	[sflag:s11] =	ssyncadd.s32 $0xFFFF8000  }
0x274: {  	[tilespmem:s2], [sflag:$0x1] =	stream.strided.gather [hbm4b:s0+s5], $0x8000, s6, s5, $0x38;
	[tilespmem:$0x10000] =	vst v63  }
0x275: {  	s1 =	rddreg [dreg:$0x7]  }
0x276: {  	[hbm4b:s1+s5] =	stream.strided.scatter [tilespmem:s6], [sflag:$0x4], $0x8000, s6, s5, $0x38;
	[tilespmem:$0x10000] =	vst v63  }
0x277: {  	_ =	swait.ge [sflag:s15], $0x8000  }
0x278: {  	[sflag:s15] =	ssyncset.done $0x0  }
0x279: {  	s1 =	rddreg [dreg:$0x8];
	[sflag:s15] =	ssyncadd.s32 $0xFFFF8000  }
0x27a: {  	[tilespmem:s6], [sflag:$0x2] =	stream.strided.gather [hbm4b:s1+s5], $0x8000, s6, s5, $0x38;
	[tilespmem:$0x10000] =	vst v63  }
0x27b: {  	_ =	swait.ge [sflag:s7], $0x8000  }
0x27c: {  	[sflag:s7] =	ssyncset.done $0x0  }
0x27d: {  	s1 =	rddreg [dreg:$0x9];
	[sflag:s7] =	ssyncadd.s32 $0xFFFF8000  }
0x27e: {  	[hbm4b:s1+s5] =	stream.strided.scatter [tilespmem:s2], [sflag:$0x3], $0x8000, s6, s5, $0x38;
	[tilespmem:$0x10000] =	vst v63  }
0x27f: {  	_ =	swait.ge [sflag:s11], $0x8000  }
0x280: {  	[sflag:s11] =	ssyncset.done $0x0  }
0x281: {  	s1 =	rddreg [dreg:$0xa];
	[sflag:s11] =	ssyncadd.s32 $0xFFFF8000  }
0x282: {  	[tilespmem:s2], [sflag:$0x1] =	stream.strided.gather [hbm4b:s1+s5], $0x8000, s6, s5, $0x38;
	[tilespmem:$0x10000] =	vst v63  }
0x283: {  	_ =	swait.ge [sflag:s4], $0x8000  }
0x284: {  	[sflag:s4] =	ssyncset.done $0x0  }
0x285: {  	s1 =	rddreg [dreg:$0xb];
	[sflag:s4] =	ssyncadd.s32 $0xFFFF8000  }
0x286: {  	[hbm4b:s1+s5] =	stream.strided.scatter [tilespmem:s6], [sflag:$0x4], $0x8000, s6, s5, $0x38;
	[tilespmem:$0x10000] =	vst v63  }
0x287: {  	_ =	swait.ge [sflag:s15], $0x8000  }
0x288: {  	[sflag:s15] =	ssyncset.done $0x0  }
0x289: {  	s1 =	rddreg [dreg:$0xc];
	[sflag:s15] =	ssyncadd.s32 $0xFFFF8000  }
0x28a: {  	[tilespmem:s6], [sflag:$0x2] =	stream.strided.gather [hbm4b:s1+s5], $0x8000, s6, s5, $0x38;
	[tilespmem:$0x10000] =	vst v63  }
0x28b: {  	_ =	swait.ge [sflag:s7], $0x8000  }
0x28c: {  	[sflag:s7] =	ssyncset.done $0x0  }
0x28d: {  	s1 =	rddreg [dreg:$0xd];
	[sflag:s7] =	ssyncadd.s32 $0xFFFF8000  }
0x28e: {  	[hbm4b:s1+s5] =	stream.strided.scatter [tilespmem:s2], [sflag:$0x3], $0x8000, s6, s5, $0x38;
	[tilespmem:$0x10000] =	vst v63  }
0x28f: {  	_ =	swait.ge [sflag:s11], $0x8000  }
0x290: {  	[sflag:s11] =	ssyncset.done $0x0  }
0x291: {  	s1 =	rddreg [dreg:$0xe];
	[sflag:s11] =	ssyncadd.s32 $0xFFFF8000  }
0x292: {  	[tilespmem:s2], [sflag:$0x1] =	stream.strided.gather [hbm4b:s1+s5], $0x8000, s6, s5, $0x38;
	[tilespmem:$0x10000] =	vst v63  }
0x293: {  	_ =	swait.ge [sflag:s4], $0x8000  }
0x294: {  	[sflag:s4] =	ssyncset.done $0x0  }
0x295: {  	s1 =	rddreg [dreg:$0xf];
	[sflag:s4] =	ssyncadd.s32 $0xFFFF8000  }
0x296: {  	[hbm4b:s1+s5] =	stream.strided.scatter [tilespmem:s6], [sflag:$0x4], $0x8000, s6, s5, $0x38;
	[tilespmem:$0x10000] =	vst v63  }
0x297: {  	_ =	swait.ge [sflag:s15], $0x8000  }
0x298: {  	[sflag:s15] =	ssyncset.done $0x0  }
0x299: {  	s1 =	rddreg [dreg:$0x10];
	[sflag:s15] =	ssyncadd.s32 $0xFFFF8000  }
0x29a: {  	[tilespmem:s6], [sflag:$0x2] =	stream.strided.gather [hbm4b:s1+s5], $0x8000, s6, s5, $0x38;
	[tilespmem:$0x10000] =	vst v63  }
0x29b: {  	_ =	swait.ge [sflag:s7], $0x8000  }
0x29c: {  	[sflag:s7] =	ssyncset.done $0x0  }
0x29d: {  	s1 =	rddreg [dreg:$0x11];
	[sflag:s7] =	ssyncadd.s32 $0xFFFF8000  }
0x29e: {  	[hbm4b:s1+s5] =	stream.strided.scatter [tilespmem:s2], [sflag:$0x3], $0x8000, s6, s5, $0x38;
	[tilespmem:$0x10000] =	vst v63  }
0x29f: {  	_ =	swait.ge [sflag:s11], $0x8000  }
0x2a0: {  	[sflag:s11] =	ssyncset.done $0x0  }
0x2a1: {  	s1 =	rddreg [dreg:$0x12];
	[sflag:s11] =	ssyncadd.s32 $0xFFFF8000  }
0x2a2: {  	[tilespmem:s2], [sflag:$0x1] =	stream.strided.gather [hbm4b:s1+s5], $0x8000, s6, s5, $0x38;
	[tilespmem:$0x10000] =	vst v63  }
0x2a3: {  	_ =	swait.ge [sflag:s4], $0x8000  }
0x2a4: {  	[sflag:s4] =	ssyncset.done $0x0  }
0x2a5: {  	s1 =	rddreg [dreg:$0x13];
	[sflag:s4] =	ssyncadd.s32 $0xFFFF8000  }
0x2a6: {  	[hbm4b:s1+s5] =	stream.strided.scatter [tilespmem:s6], [sflag:$0x4], $0x8000, s6, s5, $0x38;
	[tilespmem:$0x10000] =	vst v63  }
0x2a7: {  	_ =	swait.ge [sflag:s15], $0x8000  }
0x2a8: {  	[sflag:s15] =	ssyncset.done $0x0  }
0x2a9: {  	s1 =	rddreg [dreg:$0x14];
	[sflag:s15] =	ssyncadd.s32 $0xFFFF8000  }
0x2aa: {  	[tilespmem:s6], [sflag:$0x2] =	stream.strided.gather [hbm4b:s1+s5], $0x8000, s6, s5, $0x38;
	[tilespmem:$0x10000] =	vst v63  }
0x2ab: {  	_ =	swait.ge [sflag:s7], $0x8000  }
0x2ac: {  	[sflag:s7] =	ssyncset.done $0x0  }
0x2ad: {  	s1 =	rddreg [dreg:$0x15];
	[sflag:s7] =	ssyncadd.s32 $0xFFFF8000  }
0x2ae: {  	[hbm4b:s1+s5] =	stream.strided.scatter [tilespmem:s2], [sflag:$0x3], $0x8000, s6, s5, $0x38;
	[tilespmem:$0x10000] =	vst v63  }
0x2af: {  	_ =	swait.ge [sflag:s11], $0x8000  }
0x2b0: {  	[sflag:s11] =	ssyncset.done $0x0  }
0x2b1: {  	s1 =	rddreg [dreg:$0x16];
	[sflag:s11] =	ssyncadd.s32 $0xFFFF8000  }
0x2b2: {  	[tilespmem:s2], [sflag:$0x1] =	stream.strided.gather [hbm4b:s1+s5], $0x8000, s6, s5, $0x38;
	[tilespmem:$0x10000] =	vst v63  }
0x2b3: {  	_ =	swait.ge [sflag:s4], $0x8000  }
0x2b4: {  	[sflag:s4] =	ssyncset.done $0x0  }
0x2b5: {  	s1 =	rddreg [dreg:$0x17];
	[sflag:s4] =	ssyncadd.s32 $0xFFFF8000  }
0x2b6: {  	[hbm4b:s1+s5] =	stream.strided.scatter [tilespmem:s6], [sflag:$0x4], $0x8000, s6, s5, $0x38;
	[tilespmem:$0x10000] =	vst v63  }
0x2b7: {  	_ =	swait.ge [sflag:s15], $0x8000  }
0x2b8: {  	[sflag:s15] =	ssyncset.done $0x0  }
0x2b9: {  	s1 =	rddreg [dreg:$0x18];
	[sflag:s15] =	ssyncadd.s32 $0xFFFF8000  }
0x2ba: {  	[tilespmem:s6], [sflag:$0x2] =	stream.strided.gather [hbm4b:s1+s5], $0x8000, s6, s5, $0x38;
	[tilespmem:$0x10000] =	vst v63  }
0x2bb: {  	_ =	swait.ge [sflag:s7], $0x8000  }
0x2bc: {  	[sflag:s7] =	ssyncset.done $0x0  }
0x2bd: {  	s1 =	rddreg [dreg:$0x19];
	[sflag:s7] =	ssyncadd.s32 $0xFFFF8000  }
0x2be: {  	[hbm4b:s1+s5] =	stream.strided.scatter [tilespmem:s2], [sflag:$0x3], $0x8000, s6, s5, $0x38;
	[tilespmem:$0x10000] =	vst v63  }
0x2bf: {  	_ =	swait.ge [sflag:s11], $0x8000  }
0x2c0: {  	[sflag:s11] =	ssyncset.done $0x0  }
0x2c1: {  	s1 =	rddreg [dreg:$0x1a];
	[sflag:s11] =	ssyncadd.s32 $0xFFFF8000  }
0x2c2: {  	[tilespmem:s2], [sflag:$0x1] =	stream.strided.gather [hbm4b:s1+s5], $0x8000, s6, s5, $0x38;
	[tilespmem:$0x10000] =	vst v63  }
0x2c3: {  	_ =	swait.ge [sflag:s4], $0x8000  }
0x2c4: {  	[sflag:s4] =	ssyncset.done $0x0  }
0x2c5: {  	s1 =	rddreg [dreg:$0x1b];
	[sflag:s4] =	ssyncadd.s32 $0xFFFF8000  }
0x2c6: {  	[hbm4b:s1+s5] =	stream.strided.scatter [tilespmem:s6], [sflag:$0x4], $0x8000, s6, s5, $0x38;
	[tilespmem:$0x10000] =	vst v63  }
0x2c7: {  	_ =	swait.ge [sflag:s15], $0x8000  }
0x2c8: {  	[sflag:s15] =	ssyncset.done $0x0  }
0x2c9: {  	s1 =	rddreg [dreg:$0x1c];
	[sflag:s15] =	ssyncadd.s32 $0xFFFF8000  }
0x2ca: {  	[tilespmem:s6], [sflag:$0x2] =	stream.strided.gather [hbm4b:s1+s5], $0x8000, s6, s5, $0x38;
	[tilespmem:$0x10000] =	vst v63  }
0x2cb: {  	_ =	swait.ge [sflag:s7], $0x8000  }
0x2cc: {  	[sflag:s7] =	ssyncset.done $0x0  }
0x2cd: {  	s1 =	rddreg [dreg:$0x1d];
	[sflag:s7] =	ssyncadd.s32 $0xFFFF8000  }
0x2ce: {  	[hbm4b:s1+s5] =	stream.strided.scatter [tilespmem:s2], [sflag:$0x3], $0x8000, s6, s5, $0x38;
	[tilespmem:$0x10000] =	vst v63  }
0x2cf: {  	_ =	swait.ge [sflag:s11], $0x8000  }
0x2d0: {  	[sflag:s11] =	ssyncset.done $0x0  }
0x2d1: {  	s1 =	rddreg [dreg:$0x1e];
	[sflag:s11] =	ssyncadd.s32 $0xFFFF8000  }
0x2d2: {  	[tilespmem:s2], [sflag:$0x1] =	stream.strided.gather [hbm4b:s1+s5], $0x8000, s6, s5, $0x38;
	[tilespmem:$0x10000] =	vst v63  }
0x2d3: {  	_ =	swait.ge [sflag:s4], $0x8000  }
0x2d4: {  	[sflag:s4] =	ssyncset.done $0x0  }
0x2d5: {  	s1 =	rddreg [dreg:$0x1f];
	[sflag:s4] =	ssyncadd.s32 $0xFFFF8000  }
0x2d6: {  	[hbm4b:s1+s5] =	stream.strided.scatter [tilespmem:s6], [sflag:$0x4], $0x8000, s6, s5, $0x38;
	[tilespmem:$0x10000] =	vst v63  }
0x2d7: {  	_ =	swait.ge [sflag:s15], $0x8000  }
0x2d8: {  	s1 =	sld [smem:$0x7F1]  }
0x2d9: {  	[sflag:s15] =	ssyncset.done $0x0  }
0x2da: {  	[sflag:s15] =	ssyncadd.s32 $0xFFFF8000  }
0x2db: {  	[tilespmem:s6], [sflag:$0x2] =	stream.strided.gather [hbm4b:s1+s5], $0x8000, s6, s5, $0x38;
	[tilespmem:$0x10000] =	vst v63  }
0x2dc: {  	_ =	swait.ge [sflag:s7], $0x8000  }
0x2dd: {  	s1 =	sld [smem:$0x7F2]  }
0x2de: {  	[sflag:s7] =	ssyncset.done $0x0  }
0x2df: {  	[sflag:s7] =	ssyncadd.s32 $0xFFFF8000  }
0x2e0: {  	[hbm4b:s1+s5] =	stream.strided.scatter [tilespmem:s2], [sflag:$0x3], $0x8000, s6, s5, $0x38;
	[tilespmem:$0x10000] =	vst v63  }
0x2e1: {  	_ =	swait.ge [sflag:s11], $0x8000  }
0x2e2: {  	s1 =	sld [smem:$0x7F3]  }
0x2e3: {  	[sflag:s11] =	ssyncset.done $0x0  }
0x2e4: {  	[sflag:s11] =	ssyncadd.s32 $0xFFFF8000  }
0x2e5: {  	[tilespmem:s2], [sflag:$0x1] =	stream.strided.gather [hbm4b:s1+s5], $0x8000, s6, s5, $0x38;
	[tilespmem:$0x10000] =	vst v63  }
0x2e6: {  	_ =	swait.ge [sflag:s4], $0x8000  }
0x2e7: {  	s1 =	sld [smem:$0x7F4]  }
0x2e8: {  	[sflag:s4] =	ssyncset.done $0x0  }
0x2e9: {  	[sflag:s4] =	ssyncadd.s32 $0xFFFF8000  }
0x2ea: {  	[hbm4b:s1+s5] =	stream.strided.scatter [tilespmem:s6], [sflag:$0x4], $0x8000, s6, s5, $0x38;
	[tilespmem:$0x10000] =	vst v63  }
0x2eb: {  	_ =	swait.ge [sflag:s15], $0x8000  }
0x2ec: {  	s1 =	sld [smem:$0x7F5]  }
0x2ed: {  	[sflag:s15] =	ssyncset.done $0x0  }
0x2ee: {  	[sflag:s15] =	ssyncadd.s32 $0xFFFF8000  }
0x2ef: {  	[tilespmem:s6], [sflag:$0x2] =	stream.strided.gather [hbm4b:s1+s5], $0x8000, s6, s5, $0x38;
	[tilespmem:$0x10000] =	vst v63  }
0x2f0: {  	_ =	swait.ge [sflag:s7], $0x8000  }
0x2f1: {  	s1 =	sld [smem:$0x7F6]  }
0x2f2: {  	[sflag:s7] =	ssyncset.done $0x0  }
0x2f3: {  	[sflag:s7] =	ssyncadd.s32 $0xFFFF8000  }
0x2f4: {  	[hbm4b:s1+s5] =	stream.strided.scatter [tilespmem:s2], [sflag:$0x3], $0x8000, s6, s5, $0x38;
	[tilespmem:$0x10000] =	vst v63  }
0x2f5: {  	_ =	swait.ge [sflag:s11], $0x8000  }
0x2f6: {  	s1 =	sld [smem:$0x7F7]  }
0x2f7: {  	[sflag:s11] =	ssyncset.done $0x0  }
0x2f8: {  	[sflag:s11] =	ssyncadd.s32 $0xFFFF8000  }
0x2f9: {  	[tilespmem:s2], [sflag:$0x1] =	stream.strided.gather [hbm4b:s1+s5], $0x8000, s6, s5, $0x38;
	[tilespmem:$0x10000] =	vst v63  }
0x2fa: {  	_ =	swait.ge [sflag:s4], $0x8000  }
0x2fb: {  	s1 =	sld [smem:$0x7F8]  }
0x2fc: {  	[sflag:s4] =	ssyncset.done $0x0  }
0x2fd: {  	[sflag:s4] =	ssyncadd.s32 $0xFFFF8000  }
0x2fe: {  	[hbm4b:s1+s5] =	stream.strided.scatter [tilespmem:s6], [sflag:$0x4], $0x8000, s6, s5, $0x38;
	[tilespmem:$0x10000] =	vst v63  }
0x2ff: {  	_ =	swait.ge [sflag:s15], $0x8000  }
0x300: {  	s1 =	sld [smem:$0x7F9]  }
0x301: {  	[sflag:s15] =	ssyncset.done $0x0  }
0x302: {  	[sflag:s15] =	ssyncadd.s32 $0xFFFF8000  }
0x303: {  	[tilespmem:s6], [sflag:$0x2] =	stream.strided.gather [hbm4b:s1+s5], $0x8000, s6, s5, $0x38;
	[tilespmem:$0x10000] =	vst v63  }
0x304: {  	_ =	swait.ge [sflag:s7], $0x8000  }
0x305: {  	s1 =	sld [smem:$0x7FA]  }
0x306: {  	[sflag:s7] =	ssyncset.done $0x0  }
0x307: {  	[sflag:s7] =	ssyncadd.s32 $0xFFFF8000  }
0x308: {  	[hbm4b:s1+s5] =	stream.strided.scatter [tilespmem:s2], [sflag:$0x3], $0x8000, s6, s5, $0x38;
	[tilespmem:$0x10000] =	vst v63  }
0x309: {  	_ =	swait.ge [sflag:s11], $0x8000  }
0x30a: {  	s1 =	sld [smem:$0x7FB]  }
0x30b: {  	[sflag:s11] =	ssyncset.done $0x0  }
0x30c: {  	[sflag:s11] =	ssyncadd.s32 $0xFFFF8000  }
0x30d: {  	[tilespmem:s2], [sflag:$0x1] =	stream.strided.gather [hbm4b:s1+s5], $0x8000, s6, s5, $0x38;
	[tilespmem:$0x10000] =	vst v63  }
0x30e: {  	_ =	swait.ge [sflag:s4], $0x8000  }
0x30f: {  	s1 =	sld [smem:$0x7FC]  }
0x310: {  	[sflag:s4] =	ssyncset.done $0x0  }
0x311: {  	[sflag:s4] =	ssyncadd.s32 $0xFFFF8000  }
0x312: {  	[hbm4b:s1+s5] =	stream.strided.scatter [tilespmem:s6], [sflag:$0x4], $0x8000, s6, s5, $0x38;
	[tilespmem:$0x10000] =	vst v63  }
0x313: {  	_ =	swait.ge [sflag:s15], $0x8000  }
0x314: {  	s1 =	sld [smem:$0x7FD]  }
0x315: {  	[sflag:s15] =	ssyncset.done $0x0  }
0x316: {  	[sflag:s15] =	ssyncadd.s32 $0xFFFF8000  }
0x317: {  	[tilespmem:s6], [sflag:$0x2] =	stream.strided.gather [hbm4b:s1+s5], $0x8000, s6, s5, $0x38;
	[tilespmem:$0x10000] =	vst v63  }
0x318: {  	_ =	swait.ge [sflag:s7], $0x8000  }
0x319: {  	[sflag:s7] =	ssyncset.done $0x0  }
0x31a: {  	[sflag:s7] =	ssyncadd.s32 $0xFFFF8000  }
0x31b: {  	[hbm4b:s31+s5] =	stream.strided.scatter [tilespmem:s2], [sflag:$0x3], $0x8000, s6, s5, $0x38;
	[tilespmem:$0x10000] =	vst v63  }
0x31c: {  	_ =	swait.ge [sflag:s11], $0x8000  }
0x31d: {  	[sflag:s11] =	ssyncset.done $0x0  }
0x31e: {  	[sflag:s11] =	ssyncadd.s32 $0xFFFF8000  }
0x31f: {  	[tilespmem:s2], [sflag:$0x1] =	stream.strided.gather [hbm4b:s30+s5], $0x8000, s6, s5, $0x38;
	[tilespmem:$0x10000] =	vst v63  }
0x320: {  	_ =	swait.ge [sflag:s4], $0x8000  }
0x321: {  	[sflag:s4] =	ssyncset.done $0x0  }
0x322: {  	[sflag:s4] =	ssyncadd.s32 $0xFFFF8000  }
0x323: {  	[hbm4b:s29+s5] =	stream.strided.scatter [tilespmem:s6], [sflag:$0x4], $0x8000, s6, s5, $0x38;
	[tilespmem:$0x10000] =	vst v63  }
0x324: {  	_ =	swait.ge [sflag:s15], $0x8000  }
0x325: {  	[sflag:s15] =	ssyncset.done $0x0  }
0x326: {  	[sflag:s15] =	ssyncadd.s32 $0xFFFF8000  }
0x327: {  	[tilespmem:s6], [sflag:$0x2] =	stream.strided.gather [hbm4b:s28+s5], $0x8000, s6, s5, $0x38;
	[tilespmem:$0x10000] =	vst v63  }
0x328: {  	_ =	swait.ge [sflag:s7], $0x8000  }
0x329: {  	[sflag:s7] =	ssyncset.done $0x0  }
0x32a: {  	[sflag:s7] =	ssyncadd.s32 $0xFFFF8000  }
0x32b: {  	[hbm4b:s26+s5] =	stream.strided.scatter [tilespmem:s2], [sflag:$0x3], $0x8000, s6, s5, $0x38;
	[tilespmem:$0x10000] =	vst v63  }
0x32c: {  	_ =	swait.ge [sflag:s11], $0x8000  }
0x32d: {  	[sflag:s11] =	ssyncset.done $0x0  }
0x32e: {  	[sflag:s11] =	ssyncadd.s32 $0xFFFF8000  }
0x32f: {  	[tilespmem:s2], [sflag:$0x1] =	stream.strided.gather [hbm4b:s25+s5], $0x8000, s6, s5, $0x38;
	[tilespmem:$0x10000] =	vst v63  }
0x330: {  	_ =	swait.ge [sflag:s4], $0x8000  }
0x331: {  	[sflag:s4] =	ssyncset.done $0x0  }
0x332: {  	[sflag:s4] =	ssyncadd.s32 $0xFFFF8000  }
0x333: {  	[hbm4b:s24+s5] =	stream.strided.scatter [tilespmem:s6], [sflag:$0x4], $0x8000, s6, s5, $0x38;
	[tilespmem:$0x10000] =	vst v63  }
0x334: {  	_ =	swait.ge [sflag:s15], $0x8000  }
0x335: {  	[sflag:s15] =	ssyncset.done $0x0  }
0x336: {  	[sflag:s15] =	ssyncadd.s32 $0xFFFF8000  }
0x337: {  	[tilespmem:s6], [sflag:$0x2] =	stream.strided.gather [hbm4b:s23+s5], $0x8000, s6, s5, $0x38;
	[tilespmem:$0x10000] =	vst v63  }
0x338: {  	_ =	swait.ge [sflag:s7], $0x8000  }
0x339: {  	[sflag:s7] =	ssyncset.done $0x0  }
0x33a: {  	[sflag:s7] =	ssyncadd.s32 $0xFFFF8000  }
0x33b: {  	[hbm4b:s22+s5] =	stream.strided.scatter [tilespmem:s2], [sflag:$0x3], $0x8000, s6, s5, $0x38;
	[tilespmem:$0x10000] =	vst v63  }
0x33c: {  	_ =	swait.ge [sflag:s11], $0x8000  }
0x33d: {  	[sflag:s11] =	ssyncset.done $0x0  }
0x33e: {  	[sflag:s11] =	ssyncadd.s32 $0xFFFF8000  }
0x33f: {  	[tilespmem:s2], [sflag:$0x1] =	stream.strided.gather [hbm4b:s21+s5], $0x8000, s6, s5, $0x38;
	[tilespmem:$0x10000] =	vst v63  }
0x340: {  	_ =	swait.ge [sflag:s4], $0x8000  }
0x341: {  	[sflag:s4] =	ssyncset.done $0x0  }
0x342: {  	[sflag:s4] =	ssyncadd.s32 $0xFFFF8000  }
0x343: {  	[hbm4b:s20+s5] =	stream.strided.scatter [tilespmem:s6], [sflag:$0x4], $0x8000, s6, s5, $0x38;
	[tilespmem:$0x10000] =	vst v63  }
0x344: {  	_ =	swait.ge [sflag:s15], $0x8000  }
0x345: {  	[sflag:s15] =	ssyncset.done $0x0  }
0x346: {  	[sflag:s15] =	ssyncadd.s32 $0xFFFF8000  }
0x347: {  	[tilespmem:s6], [sflag:$0x2] =	stream.strided.gather [hbm4b:s19+s5], $0x8000, s6, s5, $0x38;
	[tilespmem:$0x10000] =	vst v63  }
0x348: {  	_ =	swait.ge [sflag:s7], $0x8000  }
0x349: {  	[sflag:s7] =	ssyncset.done $0x0  }
0x34a: {  	[sflag:s7] =	ssyncadd.s32 $0xFFFF8000  }
0x34b: {  	[hbm4b:s18+s5] =	stream.strided.scatter [tilespmem:s2], [sflag:$0x3], $0x8000, s6, s5, $0x38;
	[tilespmem:$0x10000] =	vst v63  }
0x34c: {  	_ =	swait.ge [sflag:s11], $0x8000  }
0x34d: {  	[sflag:s11] =	ssyncset.done $0x0  }
0x34e: {  	[sflag:s11] =	ssyncadd.s32 $0xFFFF8000  }
0x34f: {  	[tilespmem:s2], [sflag:$0x1] =	stream.strided.gather [hbm4b:s17+s5], $0x8000, s6, s5, $0x38;
	[tilespmem:$0x10000] =	vst v63  }
0x350: {  	_ =	swait.ge [sflag:s4], $0x8000  }
0x351: {  	[sflag:s4] =	ssyncset.done $0x0  }
0x352: {  	[sflag:s4] =	ssyncadd.s32 $0xFFFF8000  }
0x353: {  	[hbm4b:s16+s5] =	stream.strided.scatter [tilespmem:s6], [sflag:$0x4], $0x8000, s6, s5, $0x38;
	[tilespmem:$0x10000] =	vst v63  }
0x354: {  	_ =	swait.ge [sflag:s15], $0x8000  }
0x355: {  	[sflag:s15] =	ssyncset.done $0x0  }
0x356: {  	[sflag:s15] =	ssyncadd.s32 $0xFFFF8000  }
0x357: {  	[tilespmem:s6], [sflag:$0x2] =	stream.strided.gather [hbm4b:s14+s5], $0x8000, s6, s5, $0x38;
	[tilespmem:$0x10000] =	vst v63  }
0x358: {  	_ =	swait.ge [sflag:s7], $0x8000  }
0x359: {  	[sflag:s7] =	ssyncset.done $0x0  }
0x35a: {  	[sflag:s7] =	ssyncadd.s32 $0xFFFF8000  }
0x35b: {  	[hbm4b:s12+s5] =	stream.strided.scatter [tilespmem:s2], [sflag:$0x3], $0x8000, s6, s5, $0x38;
	[tilespmem:$0x10000] =	vst v63  }
0x35c: {  	_ =	swait.ge [sflag:s11], $0x8000  }
0x35d: {  	[sflag:s11] =	ssyncset.done $0x0  }
0x35e: {  	[sflag:s11] =	ssyncadd.s32 $0xFFFF8000  }
0x35f: {  	[tilespmem:s2], [sflag:$0x1] =	stream.strided.gather [hbm4b:s13+s5], $0x8000, s6, s5, $0x38;
	[tilespmem:$0x10000] =	vst v63  }
0x360: {  	_ =	swait.ge [sflag:s4], $0x8000  }
0x361: {  	[sflag:s4] =	ssyncset.done $0x0  }
0x362: {  	[sflag:s4] =	ssyncadd.s32 $0xFFFF8000  }
0x363: {  	[hbm4b:s10+s5] =	stream.strided.scatter [tilespmem:s6], [sflag:$0x4], $0x8000, s6, s5, $0x38;
	[tilespmem:$0x10000] =	vst v63  }
0x364: {  	_ =	swait.ge [sflag:s15], $0x8000  }
0x365: {  	[sflag:s15] =	ssyncset.done $0x0  }
0x366: {  	[sflag:s15] =	ssyncadd.s32 $0xFFFF8000  }
0x367: {  	[tilespmem:s6], [sflag:$0x2] =	stream.strided.gather [hbm4b:s9+s5], $0x8000, s6, s5, $0x38;
	[tilespmem:$0x10000] =	vst v63  }
0x368: {  	_ =	swait.ge [sflag:s7], $0x8000  }
0x369: {  	[sflag:s7] =	ssyncset.done $0x0  }
0x36a: {  	[sflag:s7] =	ssyncadd.s32 $0xFFFF8000  }
0x36b: {  	[hbm4b:s8+s5] =	stream.strided.scatter [tilespmem:s2], [sflag:$0x3], $0x8000, s6, s5, $0x38;
	[tilespmem:$0x10000] =	vst v63  }
0x36c: {  	_ =	swait.ge [sflag:s11], $0x8000  }
0x36d: {  	[sflag:s11] =	ssyncset.done $0x0  }
0x36e: {  	[sflag:s11] =	ssyncadd.s32 $0xFFFF8000  }
0x36f: {  	_ =	swait.ge [sflag:s4], $0x8000  }
0x370: {  	[sflag:s4] =	ssyncset.done $0x0  }
0x371: {  	[sflag:s4] =	ssyncadd.s32 $0xFFFF8000  }
0x372: {  	[hbm4b:s3+s5] =	stream.strided.scatter [tilespmem:s6], [sflag:$0x4], $0x8000, s6, s5, $0x38;
	[tilespmem:$0x10000] =	vst v63  }
0x373: {  	_ =	swait.ge [sflag:s7], $0x8000  }
0x374: {  	[sflag:s7] =	ssyncset.done $0x0  }
0x375: {  	[sflag:s7] =	ssyncadd.s32 $0xFFFF8000  }
0x376: {  	_ =	swait.ge [sflag:s4], $0x8000  }
0x377: {  	[sflag:s4] =	ssyncset.done $0x0  }
0x378: {  	[sflag:s4] =	ssyncadd.s32 $0xFFFF8000  }
0x379: {  	_ =	sfence.sel $0x180000  }
0x37a: {  	[bflag:$0x0] =	sbarrier.arrive $0xFFFF  }
0x37b: {  	_ =	strace $0x90000047  }
0x37c: {  	s31 =	stileid.u32;
	[bflag:$0x2] =	sbarrier.arrive $0xFFFF  }
0x37d: {  	p0 =	sne.s32 s31, $0x0;
	s0 =	rddreg [dreg:$0x2]  }
0x37e: {  	s0 =	sadd.s32 @!p0 $0x100000, s0  }
0x37f: {  	[sflag:s0] =	ssyncadd.tile.s32 @!p0 $0x1;
	_ =	shalt  }
.Lfunc_end2:
_tile_overlayer_lowered:
.L_overlay_start_2:
0x380: {  	(tag) =	ssettag $0x2  }
0x381: {  	s0 =	rddreg [dreg:$0x0];
	s2 =	stileid.u32  }
0x382: {  	s1 =	rddreg [dreg:$0x1];
	p0 =	sne.s32 s2, $0x0  }
0x383: {  	s3 =	rddreg [dreg:$0x2];
	[bflag:$0x3] =	sbarrier.arrive $0xFFFF;
	s2 =	simm.s32 @!p0 $0x1C05  }
0x384: {  	[timem:s3], [sflag:s2] =	dma.local @!p0 [hbm:s0], s1  }
0x385: {  	s0 =	simm.s32 @!p0 $0x5  }
0x386: {  	_ =	swait.ge @!p0 [sflag:s0], s1  }
0x387: {  	s1 =	ssub.s32 @!p0 $0x0, s1;
	[sflag:s0] =	ssyncset.done @!p0 $0x0  }
0x388: {  	[sflag:s0] =	ssyncadd.s32 @!p0 s1  }
0x389: {  	[bflag:$0x3] =	sbarrier.arrive $0xFFFF  }
0x38a: {  	_ =	shalt  }

</sc_bundles>
